<compile_context>
chip_gen: v7x
topology: tpu7x:2x2x1
jax: 0.10.2.dev20260603
libtpu: 0.0.44.dev20260713+nightly
codegen_flags: <defaults>
</compile_context>

<pallas_src>
import functools

import jax
import jax.numpy as jnp
from jax import lax
from jax.experimental import pallas as pl
from jax.experimental.pallas import tpu as pltpu
from jax.experimental.pallas import tpu_sc as plsc

N = 10000
E = 320000
D = 128

NC = 2
NS = 16
NW = NC * NS
FPW = D // NW
EPW = E // NW
CE = 4000
NG = CE // 16
NCHUNK = E // CE
UNROLL = 2

_mesh = plsc.VectorSubcoreMesh(core_axis_name="c", subcore_axis_name="s")

_sc_params = pltpu.CompilerParams(needs_layout_passes=False)


def _worker_id():
    return lax.axis_index("s") * NC + lax.axis_index("c")



@functools.partial(
    pl.kernel,
    out_type=jax.ShapeDtypeStruct((NW, N), jnp.float32),
    mesh=_mesh,
    compiler_params=_sc_params,
    scratch_types=[
        pltpu.VMEM((EPW,), jnp.int32),
        pltpu.VMEM((EPW,), jnp.float32),
        pltpu.VMEM((N,), jnp.float32),
    ],
)
def _deg_kernel(dst_hbm, ew_hbm, out_hbm, dst_v, ew_v, deg_v):
    w = _worker_id()
    base = w * EPW
    pltpu.sync_copy(dst_hbm.at[pl.ds(base, EPW)], dst_v)
    pltpu.sync_copy(ew_hbm.at[pl.ds(base, EPW)], ew_v)

    zeros = jnp.zeros((16,), jnp.float32)

    def zbody(i, carry):
        deg_v[pl.ds(i * 16, 16)] = zeros
        return carry

    lax.fori_loop(0, N // 16, zbody, 0)

    def ebody(g, carry):
        o = g * 16
        d = dst_v[pl.ds(o, 16)]
        ew = ew_v[pl.ds(o, 16)]
        plsc.addupdate_scatter(deg_v, [d], ew)
        return carry

    lax.fori_loop(0, EPW // 16, ebody, 0)
    pltpu.sync_copy(deg_v, out_hbm.at[w])


@functools.partial(
    pl.kernel,
    out_type=jax.ShapeDtypeStruct((E,), jnp.float32),
    mesh=_mesh,
    compiler_params=_sc_params,
    scratch_types=[
        pltpu.VMEM((EPW,), jnp.int32),
        pltpu.VMEM((EPW,), jnp.int32),
        pltpu.VMEM((EPW,), jnp.float32),
        pltpu.VMEM((EPW,), jnp.float32),
        pltpu.VMEM((N,), jnp.float32),
    ],
)
def _norm_kernel(src_hbm, dst_hbm, ew_hbm, dinv_hbm, out_hbm,
                 src_v, dst_v, ew_v, nrm_v, dinv_v):
    w = _worker_id()
    base = w * EPW
    pltpu.sync_copy(src_hbm.at[pl.ds(base, EPW)], src_v)
    pltpu.sync_copy(dst_hbm.at[pl.ds(base, EPW)], dst_v)
    pltpu.sync_copy(ew_hbm.at[pl.ds(base, EPW)], ew_v)
    pltpu.sync_copy(dinv_hbm, dinv_v)

    def body(g, carry):
        o = g * 16
        s = src_v[pl.ds(o, 16)]
        d = dst_v[pl.ds(o, 16)]
        ew = ew_v[pl.ds(o, 16)]
        a = plsc.load_gather(dinv_v, [s])
        b = plsc.load_gather(dinv_v, [d])
        nrm_v[pl.ds(o, 16)] = a * ew * b
        return carry

    lax.fori_loop(0, EPW // 16, body, 0)
    pltpu.sync_copy(nrm_v, out_hbm.at[pl.ds(base, EPW)])


@functools.partial(
    pl.kernel,
    out_type=jax.ShapeDtypeStruct((D, N), jnp.float32),
    mesh=_mesh,
    compiler_params=_sc_params,
    scratch_types=[
        pltpu.VMEM((FPW, N), jnp.float32),
        pltpu.VMEM((FPW, N), jnp.float32),
        pltpu.VMEM((CE,), jnp.int32),
        pltpu.VMEM((CE,), jnp.int32),
        pltpu.VMEM((CE,), jnp.float32),
        pltpu.VMEM((CE,), jnp.int32),
        pltpu.VMEM((CE,), jnp.int32),
        pltpu.VMEM((CE,), jnp.float32),
        pltpu.SemaphoreType.DMA,
        pltpu.SemaphoreType.DMA,
    ],
)
def _msgpass_kernel(hwT_hbm, initT_hbm, src_hbm, dst_hbm, nrm_hbm, out_hbm,
                    ht, acc, src_v0, dst_v0, nrm_v0, src_v1, dst_v1, nrm_v1,
                    sem0, sem1):
    w = _worker_id()
    fb = w * FPW
    pltpu.sync_copy(hwT_hbm.at[pl.ds(fb, FPW)], ht)
    pltpu.sync_copy(initT_hbm.at[pl.ds(fb, FPW)], acc)

    sems = (sem0, sem1)
    bufs = ((src_v0, dst_v0, nrm_v0), (src_v1, dst_v1, nrm_v1))
    fvecs = [jnp.full((16,), f, jnp.int32) for f in range(FPW)]

    def start(c, b):
        off = pl.multiple_of(jnp.minimum(c, NCHUNK - 1) * CE, 8)
        sv, dv, nv = bufs[b]
        pltpu.async_copy(src_hbm.at[pl.ds(off, CE)], sv, sems[b])
        pltpu.async_copy(dst_hbm.at[pl.ds(off, CE)], dv, sems[b])
        pltpu.async_copy(nrm_hbm.at[pl.ds(off, CE)], nv, sems[b])

    def wait(b):
        sv, dv, nv = bufs[b]
        pltpu.make_async_copy(src_hbm.at[pl.ds(0, CE)], sv, sems[b]).wait()
        pltpu.make_async_copy(dst_hbm.at[pl.ds(0, CE)], dv, sems[b]).wait()
        pltpu.make_async_copy(nrm_hbm.at[pl.ds(0, CE)], nv, sems[b]).wait()

    def process(b):
        sv, dv, nv = bufs[b]

        def grp_body(g, c2):
            for u in range(UNROLL):
                o = (g * UNROLL + u) * 16
                s = sv[pl.ds(o, 16)]
                d = dv[pl.ds(o, 16)]
                w16 = nv[pl.ds(o, 16)]
                for f in range(FPW):
                    v = plsc.load_gather(ht, [fvecs[f], s])
                    plsc.addupdate_scatter(acc, [fvecs[f], d], v * w16)
            return c2

        lax.fori_loop(0, NG // UNROLL, grp_body, 0)

    start(0, 0)

    def chunk_body(cc, carry):
        c0 = cc * 2
        wait(0)
        start(c0 + 1, 1)
        process(0)
        wait(1)
        start(c0 + 2, 0)
        process(1)
        return carry

    lax.fori_loop(0, NCHUNK // 2, chunk_body, 0)
    wait(0)
    pltpu.sync_copy(acc, out_hbm.at[pl.ds(fb, FPW)])



def _prep_body(p_ref, dinv_ref, d2_ref):
    deg = jnp.sum(p_ref[...], axis=0, keepdims=True) + 1.0
    dinv = lax.rsqrt(deg)
    dinv_ref[...] = dinv
    d2_ref[...] = dinv * dinv


_prep = pl.pallas_call(
    _prep_body,
    out_shape=[
        jax.ShapeDtypeStruct((1, N), jnp.float32),
        jax.ShapeDtypeStruct((1, N), jnp.float32),
    ],
)


def _mm0_body(x_ref, w_ref, d2_ref, hw_ref, init_ref):
    hw = lax.dot_general(
        w_ref[...], x_ref[...], (((0,), (1,)), ((), ())),
        preferred_element_type=jnp.float32)
    hw_ref[...] = hw
    init_ref[...] = hw * d2_ref[...]


_mm0 = pl.pallas_call(
    _mm0_body,
    out_shape=[
        jax.ShapeDtypeStruct((D, N), jnp.float32),
        jax.ShapeDtypeStruct((D, N), jnp.float32),
    ],
)


def _mmn_body(acc_ref, bin_ref, w_ref, d2_ref, bout_ref, hw_ref, init_ref):
    h = jnp.maximum(acc_ref[...] + bin_ref[...], 0.0)
    hw = lax.dot_general(
        w_ref[...], h, (((0,), (0,)), ((), ())),
        preferred_element_type=jnp.float32)
    hw_ref[...] = hw
    init_ref[...] = hw * d2_ref[...] + bout_ref[...]


_mmn = pl.pallas_call(
    _mmn_body,
    out_shape=[
        jax.ShapeDtypeStruct((D, N), jnp.float32),
        jax.ShapeDtypeStruct((D, N), jnp.float32),
    ],
)


def _final_body(acc_ref, b_ref, out_ref):
    out_ref[...] = acc_ref[...] + b_ref[...]


_final = pl.pallas_call(
    _final_body,
    out_shape=jax.ShapeDtypeStruct((D, N), jnp.float32),
)



def kernel(x, edge_index, edge_attr, W0, b0, W1, b1, W2, b2):
    src = edge_index[0]
    dst = edge_index[1]
    zero_col = jnp.zeros((D, 1), jnp.float32)

    partials = _deg_kernel(dst, edge_attr)
    dinv2d, d2 = _prep(partials)
    nrm = _norm_kernel(src, dst, edge_attr, dinv2d.reshape(N))

    hw0, init0 = _mm0(x, W0, d2)
    acc1 = _msgpass_kernel(hw0, init0, src, dst, nrm)

    hw1, init1 = _mmn(acc1, b0.reshape(D, 1), W1, d2, zero_col)
    acc2 = _msgpass_kernel(hw1, init1, src, dst, nrm)

    hw2, init2 = _mmn(acc2, b1.reshape(D, 1), W2, d2, zero_col)
    acc3 = _msgpass_kernel(hw2, init2, src, dst, nrm)

    out = _final(acc3, b2.reshape(D, 1))
    return out.T.reshape(1, N, D)

# --- scband reference (transcript-rebuilt; emitter-appended) ---
"""Pipeline reference for scband-graph-embedding-58171037057074 (READ-ONLY COPY).

The authoritative reference and input builder live on the scoring server;
editing this copy changes nothing except your own understanding.
"""

import jax, jax.numpy as jnp
import numpy as np

N = 10000
E = 320000
D_IN = 128
D_H = 128
D_M = 128
NUM_GRAPHS = 1


def setup_inputs(seed: int = 0) -> dict:
    key = jax.random.key(seed)
    ks = jax.random.split(key, 10)
    x = jax.random.normal(ks[0], (N, D_IN), dtype=jnp.float32)
    edge_index = jax.random.randint(ks[1], (2, E), 0, N, dtype=jnp.int32)
    edge_attr = jax.random.uniform(ks[2], (E,), dtype=jnp.float32)
    s = 0.05
    W0 = jax.random.normal(ks[3], (D_IN, D_H), dtype=jnp.float32) * s
    b0 = jnp.zeros((D_H,), dtype=jnp.float32)
    W1 = jax.random.normal(ks[4], (D_H, D_H), dtype=jnp.float32) * s
    b1 = jnp.zeros((D_H,), dtype=jnp.float32)
    W2 = jax.random.normal(ks[5], (D_H, D_M), dtype=jnp.float32) * s
    b2 = jnp.zeros((D_M,), dtype=jnp.float32)
    return {"x": x, "edge_index": edge_index, "edge_attr": edge_attr,
            "W0": W0, "b0": b0, "W1": W1, "b1": b1, "W2": W2, "b2": b2}


def _gcn_conv(x, src, dst, ew, W, b):
    # x: [N, d_in], src/dst: [E'], ew: [E'] (self-loops already appended)
    h = x @ W
    deg = jnp.zeros((N,), dtype=x.dtype).at[dst].add(ew)
    dinv = jnp.where(deg > 0, 1.0 / jnp.sqrt(deg), 0.0)
    norm = dinv[src] * ew * dinv[dst]
    msg = norm[:, None] * jnp.take(h, src, axis=0)
    out = jnp.zeros((N, h.shape[1]), dtype=h.dtype).at[dst].add(msg)
    return out + b


def reference(x, edge_index, edge_attr, W0, b0, W1, b1, W2, b2):
    src = edge_index[0]
    dst = edge_index[1]
    loop = jnp.arange(N, dtype=src.dtype)
    src = jnp.concatenate([src, loop])
    dst = jnp.concatenate([dst, loop])
    ew = jnp.concatenate([edge_attr, jnp.ones((N,), dtype=edge_attr.dtype)])
    h = jax.nn.relu(_gcn_conv(x, src, dst, ew, W0, b0))
    h = jax.nn.relu(_gcn_conv(h, src, dst, ew, W1, b1))
    h = _gcn_conv(h, src, dst, ew, W2, b2)
    return h.reshape(NUM_GRAPHS, -1, h.shape[-1])

if __name__ == "__main__":
    import jax
    _d = setup_inputs()
    print(jax.jit(kernel)(*tuple(_d.values())))

</pallas_src>

<mosaic_0001>
#map = affine_map<(d0, d1) -> (0, 0)>
#map1 = affine_map<(d0, d1) -> (0)>
module attributes {stable_mosaic.version = 14 : i64} {
  func.func @_msgpass_kernel(%arg0: i32, %arg1: i32, %arg2: memref<128x10000xf32, #tpu.memory_space<hbm>>, %arg3: memref<128x10000xf32, #tpu.memory_space<hbm>>, %arg4: memref<320000xi32, #tpu.memory_space<hbm>>, %arg5: memref<320000xi32, #tpu.memory_space<hbm>>, %arg6: memref<320000xf32, #tpu.memory_space<hbm>>, %arg7: memref<128x10000xf32, #tpu.memory_space<hbm>>, %arg8: memref<4x10000xf32, #tpu.memory_space<vmem>>, %arg9: memref<4x10000xf32, #tpu.memory_space<vmem>>, %arg10: memref<4000xi32, #tpu.memory_space<vmem>>, %arg11: memref<4000xi32, #tpu.memory_space<vmem>>, %arg12: memref<4000xf32, #tpu.memory_space<vmem>>, %arg13: memref<4000xi32, #tpu.memory_space<vmem>>, %arg14: memref<4000xi32, #tpu.memory_space<vmem>>, %arg15: memref<4000xf32, #tpu.memory_space<vmem>>, %arg16: memref<!tpu.dma_semaphore, #tpu.memory_space<semaphore_mem>>, %arg17: memref<!tpu.dma_semaphore, #tpu.memory_space<semaphore_mem>>) attributes {dimension_semantics = [#tpu.dimension_semantics<core_parallel>, #tpu.dimension_semantics<subcore_parallel>], iteration_bounds = array<i64: 2, 16>, scalar_prefetch = 0 : i64, scratch_operands = 10 : i64, tpu.core_type = #tpu.core_type<sc_vector_subcore>, window_params = [{transform_indices = #map}, {transform_indices = #map}, {transform_indices = #map1}, {transform_indices = #map1}, {transform_indices = #map1}, {transform_indices = #map}]} {
    %mul3A = arith.constant 2 : i32
    %mul3A_0 = arith.muli %arg1, %mul3A : i32
    %add3A = arith.addi %mul3A_0, %arg0 : i32
    %mul3A_1 = arith.constant 4 : i32
    %mul3A_2 = arith.muli %add3A, %mul3A_1 : i32
    "tpu.region"() ({
      %run_scoped3A = tpu.sem_alloc : memref<!tpu.dma_semaphore, #tpu.memory_space<semaphore_mem>>
      %dma_start3A_35 = arith.constant 0 : i32
      %dma_start3A_36 = tpu.memref_slice %arg2[%mul3A_2, %dma_start3A_35] : memref<128x10000xf32, #tpu.memory_space<hbm>> -> memref<4x10000xf32, #tpu.memory_space<hbm>>
      %dma_start3A_37 = arith.constant 0 : i32
      %dma_start3A_38 = tpu.memref_slice %arg2[%mul3A_2, %dma_start3A_37] : memref<128x10000xf32, #tpu.memory_space<hbm>> -> memref<4x10000xf32, #tpu.memory_space<hbm>>
      tpu.enqueue_dma source(%dma_start3A_38 : memref<4x10000xf32, #tpu.memory_space<hbm>>) target(%arg8 : memref<4x10000xf32, #tpu.memory_space<vmem>>) target_semaphore(%run_scoped3A : memref<!tpu.dma_semaphore, #tpu.memory_space<semaphore_mem>>)
      %dma_wait3A_39 = arith.constant 0 : i32
      %dma_wait3A_40 = tpu.memref_slice %arg2[%mul3A_2, %dma_wait3A_39] : memref<128x10000xf32, #tpu.memory_space<hbm>> -> memref<4x10000xf32, #tpu.memory_space<hbm>>
      %dma_wait3A_41 = arith.constant 0 : i32
      %dma_wait3A_42 = tpu.memref_slice %arg2[%mul3A_2, %dma_wait3A_41] : memref<128x10000xf32, #tpu.memory_space<hbm>> -> memref<4x10000xf32, #tpu.memory_space<hbm>>
      tpu.wait_dma2 semaphore(%run_scoped3A : memref<!tpu.dma_semaphore, #tpu.memory_space<semaphore_mem>>) src(%dma_wait3A_42 : memref<4x10000xf32, #tpu.memory_space<hbm>>) dst(%arg8 : memref<4x10000xf32, #tpu.memory_space<vmem>>)
      tpu.yield
    }) : () -> ()
    "tpu.region"() ({
      %run_scoped3A = tpu.sem_alloc : memref<!tpu.dma_semaphore, #tpu.memory_space<semaphore_mem>>
      %dma_start3A_35 = arith.constant 0 : i32
      %dma_start3A_36 = tpu.memref_slice %arg3[%mul3A_2, %dma_start3A_35] : memref<128x10000xf32, #tpu.memory_space<hbm>> -> memref<4x10000xf32, #tpu.memory_space<hbm>>
      %dma_start3A_37 = arith.constant 0 : i32
      %dma_start3A_38 = tpu.memref_slice %arg3[%mul3A_2, %dma_start3A_37] : memref<128x10000xf32, #tpu.memory_space<hbm>> -> memref<4x10000xf32, #tpu.memory_space<hbm>>
      tpu.enqueue_dma source(%dma_start3A_38 : memref<4x10000xf32, #tpu.memory_space<hbm>>) target(%arg9 : memref<4x10000xf32, #tpu.memory_space<vmem>>) target_semaphore(%run_scoped3A : memref<!tpu.dma_semaphore, #tpu.memory_space<semaphore_mem>>)
      %dma_wait3A_39 = arith.constant 0 : i32
      %dma_wait3A_40 = tpu.memref_slice %arg3[%mul3A_2, %dma_wait3A_39] : memref<128x10000xf32, #tpu.memory_space<hbm>> -> memref<4x10000xf32, #tpu.memory_space<hbm>>
      %dma_wait3A_41 = arith.constant 0 : i32
      %dma_wait3A_42 = tpu.memref_slice %arg3[%mul3A_2, %dma_wait3A_41] : memref<128x10000xf32, #tpu.memory_space<hbm>> -> memref<4x10000xf32, #tpu.memory_space<hbm>>
      tpu.wait_dma2 semaphore(%run_scoped3A : memref<!tpu.dma_semaphore, #tpu.memory_space<semaphore_mem>>) src(%dma_wait3A_42 : memref<4x10000xf32, #tpu.memory_space<hbm>>) dst(%arg9 : memref<4x10000xf32, #tpu.memory_space<vmem>>)
      tpu.yield
    }) : () -> ()
    %broadcast_in_dim3A = arith.constant 0 : i32
    %broadcast_in_dim3A_3 = vector.broadcast %broadcast_in_dim3A : i32 to vector<16xi32>
    %broadcast_in_dim3A_4 = arith.constant 1 : i32
    %broadcast_in_dim3A_5 = vector.broadcast %broadcast_in_dim3A_4 : i32 to vector<16xi32>
    %broadcast_in_dim3A_6 = arith.constant 2 : i32
    %broadcast_in_dim3A_7 = vector.broadcast %broadcast_in_dim3A_6 : i32 to vector<16xi32>
    %broadcast_in_dim3A_8 = arith.constant 3 : i32
    %broadcast_in_dim3A_9 = vector.broadcast %broadcast_in_dim3A_8 : i32 to vector<16xi32>
    %min3A = arith.constant 0 : i32
    %min3A_10 = arith.constant 79 : i32
    %min3A_11 = arith.minsi %min3A, %min3A_10 : i32
    %mul3A_12 = arith.constant 4000 : i32
    %mul3A_13 = arith.muli %min3A_11, %mul3A_12 : i32
    %multiple_of3A = tpu.assume_multiple %mul3A_13, 8 : i32
    %dma_start3A = tpu.memref_slice %arg4[%multiple_of3A] : memref<320000xi32, #tpu.memory_space<hbm>> -> memref<4000xi32, #tpu.memory_space<hbm>>
    %dma_start3A_14 = tpu.memref_slice %arg4[%multiple_of3A] : memref<320000xi32, #tpu.memory_space<hbm>> -> memref<4000xi32, #tpu.memory_space<hbm>>
    tpu.enqueue_dma source(%dma_start3A_14 : memref<4000xi32, #tpu.memory_space<hbm>>) target(%arg10 : memref<4000xi32, #tpu.memory_space<vmem>>) target_semaphore(%arg16 : memref<!tpu.dma_semaphore, #tpu.memory_space<semaphore_mem>>)
    %dma_start3A_15 = tpu.memref_slice %arg5[%multiple_of3A] : memref<320000xi32, #tpu.memory_space<hbm>> -> memref<4000xi32, #tpu.memory_space<hbm>>
    %dma_start3A_16 = tpu.memref_slice %arg5[%multiple_of3A] : memref<320000xi32, #tpu.memory_space<hbm>> -> memref<4000xi32, #tpu.memory_space<hbm>>
    tpu.enqueue_dma source(%dma_start3A_16 : memref<4000xi32, #tpu.memory_space<hbm>>) target(%arg11 : memref<4000xi32, #tpu.memory_space<vmem>>) target_semaphore(%arg16 : memref<!tpu.dma_semaphore, #tpu.memory_space<semaphore_mem>>)
    %dma_start3A_17 = tpu.memref_slice %arg6[%multiple_of3A] : memref<320000xf32, #tpu.memory_space<hbm>> -> memref<4000xf32, #tpu.memory_space<hbm>>
    %dma_start3A_18 = tpu.memref_slice %arg6[%multiple_of3A] : memref<320000xf32, #tpu.memory_space<hbm>> -> memref<4000xf32, #tpu.memory_space<hbm>>
    tpu.enqueue_dma source(%dma_start3A_18 : memref<4000xf32, #tpu.memory_space<hbm>>) target(%arg12 : memref<4000xf32, #tpu.memory_space<vmem>>) target_semaphore(%arg16 : memref<!tpu.dma_semaphore, #tpu.memory_space<semaphore_mem>>)
    %scan3A = arith.constant 0 : i32
    %scan3A_19 = arith.constant 0 : i32
    %scan3A_20 = arith.constant 40 : i32
    %scan3A_21 = arith.addi %scan3A_19, %scan3A_20 : i32
    %scan3A_22 = arith.constant 1 : i32
    scf.for %scan3A_35 = %scan3A_19 to %scan3A_21 step %scan3A_22  : i32 {
      %mul3A_36 = arith.constant 2 : i32
      %mul3A_37 = arith.muli %scan3A_35, %mul3A_36 : i32
      %dma_wait3A_38 = arith.constant 0 : i32
      %dma_wait3A_39 = tpu.memref_slice %arg4[%dma_wait3A_38] : memref<320000xi32, #tpu.memory_space<hbm>> -> memref<4000xi32, #tpu.memory_space<hbm>>
      %dma_wait3A_40 = arith.constant 0 : i32
      %dma_wait3A_41 = tpu.memref_slice %arg4[%dma_wait3A_40] : memref<320000xi32, #tpu.memory_space<hbm>> -> memref<4000xi32, #tpu.memory_space<hbm>>
      tpu.wait_dma2 semaphore(%arg16 : memref<!tpu.dma_semaphore, #tpu.memory_space<semaphore_mem>>) src(%dma_wait3A_41 : memref<4000xi32, #tpu.memory_space<hbm>>) dst(%arg10 : memref<4000xi32, #tpu.memory_space<vmem>>)
      %dma_wait3A_42 = arith.constant 0 : i32
      %dma_wait3A_43 = tpu.memref_slice %arg5[%dma_wait3A_42] : memref<320000xi32, #tpu.memory_space<hbm>> -> memref<4000xi32, #tpu.memory_space<hbm>>
      %dma_wait3A_44 = arith.constant 0 : i32
      %dma_wait3A_45 = tpu.memref_slice %arg5[%dma_wait3A_44] : memref<320000xi32, #tpu.memory_space<hbm>> -> memref<4000xi32, #tpu.memory_space<hbm>>
      tpu.wait_dma2 semaphore(%arg16 : memref<!tpu.dma_semaphore, #tpu.memory_space<semaphore_mem>>) src(%dma_wait3A_45 : memref<4000xi32, #tpu.memory_space<hbm>>) dst(%arg11 : memref<4000xi32, #tpu.memory_space<vmem>>)
      %dma_wait3A_46 = arith.constant 0 : i32
      %dma_wait3A_47 = tpu.memref_slice %arg6[%dma_wait3A_46] : memref<320000xf32, #tpu.memory_space<hbm>> -> memref<4000xf32, #tpu.memory_space<hbm>>
      %dma_wait3A_48 = arith.constant 0 : i32
      %dma_wait3A_49 = tpu.memref_slice %arg6[%dma_wait3A_48] : memref<320000xf32, #tpu.memory_space<hbm>> -> memref<4000xf32, #tpu.memory_space<hbm>>
      tpu.wait_dma2 semaphore(%arg16 : memref<!tpu.dma_semaphore, #tpu.memory_space<semaphore_mem>>) src(%dma_wait3A_49 : memref<4000xf32, #tpu.memory_space<hbm>>) dst(%arg12 : memref<4000xf32, #tpu.memory_space<vmem>>)
      %add3A_50 = arith.constant 1 : i32
      %add3A_51 = arith.addi %mul3A_37, %add3A_50 : i32
      %min3A_52 = arith.constant 79 : i32
      %min3A_53 = arith.minsi %add3A_51, %min3A_52 : i32
      %mul3A_54 = arith.constant 4000 : i32
      %mul3A_55 = arith.muli %min3A_53, %mul3A_54 : i32
      %multiple_of3A_56 = tpu.assume_multiple %mul3A_55, 8 : i32
      %dma_start3A_57 = tpu.memref_slice %arg4[%multiple_of3A_56] : memref<320000xi32, #tpu.memory_space<hbm>> -> memref<4000xi32, #tpu.memory_space<hbm>>
      %dma_start3A_58 = tpu.memref_slice %arg4[%multiple_of3A_56] : memref<320000xi32, #tpu.memory_space<hbm>> -> memref<4000xi32, #tpu.memory_space<hbm>>
      tpu.enqueue_dma source(%dma_start3A_58 : memref<4000xi32, #tpu.memory_space<hbm>>) target(%arg13 : memref<4000xi32, #tpu.memory_space<vmem>>) target_semaphore(%arg17 : memref<!tpu.dma_semaphore, #tpu.memory_space<semaphore_mem>>)
      %dma_start3A_59 = tpu.memref_slice %arg5[%multiple_of3A_56] : memref<320000xi32, #tpu.memory_space<hbm>> -> memref<4000xi32, #tpu.memory_space<hbm>>
      %dma_start3A_60 = tpu.memref_slice %arg5[%multiple_of3A_56] : memref<320000xi32, #tpu.memory_space<hbm>> -> memref<4000xi32, #tpu.memory_space<hbm>>
      tpu.enqueue_dma source(%dma_start3A_60 : memref<4000xi32, #tpu.memory_space<hbm>>) target(%arg14 : memref<4000xi32, #tpu.memory_space<vmem>>) target_semaphore(%arg17 : memref<!tpu.dma_semaphore, #tpu.memory_space<semaphore_mem>>)
      %dma_start3A_61 = tpu.memref_slice %arg6[%multiple_of3A_56] : memref<320000xf32, #tpu.memory_space<hbm>> -> memref<4000xf32, #tpu.memory_space<hbm>>
      %dma_start3A_62 = tpu.memref_slice %arg6[%multiple_of3A_56] : memref<320000xf32, #tpu.memory_space<hbm>> -> memref<4000xf32, #tpu.memory_space<hbm>>
      tpu.enqueue_dma source(%dma_start3A_62 : memref<4000xf32, #tpu.memory_space<hbm>>) target(%arg15 : memref<4000xf32, #tpu.memory_space<vmem>>) target_semaphore(%arg17 : memref<!tpu.dma_semaphore, #tpu.memory_space<semaphore_mem>>)
      %scan3A_63 = arith.constant 0 : i32
      %scan3A_64 = arith.constant 0 : i32
      %scan3A_65 = arith.constant 125 : i32
      %scan3A_66 = arith.addi %scan3A_64, %scan3A_65 : i32
      %scan3A_67 = arith.constant 1 : i32
      scf.for %scan3A_100 = %scan3A_64 to %scan3A_66 step %scan3A_67  : i32 {
        %mul3A_101 = arith.constant 2 : i32
        %mul3A_102 = arith.muli %scan3A_100, %mul3A_101 : i32
        %add3A_103 = arith.constant 0 : i32
        %add3A_104 = arith.addi %mul3A_102, %add3A_103 : i32
        %mul3A_105 = arith.constant 16 : i32
        %mul3A_106 = arith.muli %add3A_104, %mul3A_105 : i32
        %get3A = arith.index_cast %mul3A_106 : i32 to index
        %get3A_107 = tpu.vector_load %arg10[%get3A] {strides = array<i32>} : memref<4000xi32, #tpu.memory_space<vmem>>, vector<16xi32>,
        %get3A_108 = arith.index_cast %mul3A_106 : i32 to index
        %get3A_109 = tpu.vector_load %arg11[%get3A_108] {strides = array<i32>} : memref<4000xi32, #tpu.memory_space<vmem>>, vector<16xi32>,
        %get3A_110 = arith.index_cast %mul3A_106 : i32 to index
        %get3A_111 = tpu.vector_load %arg12[%get3A_110] {strides = array<i32>} : memref<4000xf32, #tpu.memory_space<vmem>>, vector<16xf32>,
        %gather3A = tpu.vector_load_idx %arg8[%broadcast_in_dim3A_3, %get3A_107] : memref<4x10000xf32, #tpu.memory_space<vmem>>[vector<16xi32>, vector<16xi32>], vector<16xf32>,
        %mul3A_112 = arith.mulf %gather3A, %get3A_111 : vector<16xf32>
        tpu.vector_store_idx %arg9[%broadcast_in_dim3A_3, %get3A_109], %mul3A_112 {add = true} : memref<4x10000xf32, #tpu.memory_space<vmem>>[vector<16xi32>, vector<16xi32>], vector<16xf32>,
        %gather3A_113 = tpu.vector_load_idx %arg8[%broadcast_in_dim3A_5, %get3A_107] : memref<4x10000xf32, #tpu.memory_space<vmem>>[vector<16xi32>, vector<16xi32>], vector<16xf32>,
        %mul3A_114 = arith.mulf %gather3A_113, %get3A_111 : vector<16xf32>
        tpu.vector_store_idx %arg9[%broadcast_in_dim3A_5, %get3A_109], %mul3A_114 {add = true} : memref<4x10000xf32, #tpu.memory_space<vmem>>[vector<16xi32>, vector<16xi32>], vector<16xf32>,
        %gather3A_115 = tpu.vector_load_idx %arg8[%broadcast_in_dim3A_7, %get3A_107] : memref<4x10000xf32, #tpu.memory_space<vmem>>[vector<16xi32>, vector<16xi32>], vector<16xf32>,
        %mul3A_116 = arith.mulf %gather3A_115, %get3A_111 : vector<16xf32>
        tpu.vector_store_idx %arg9[%broadcast_in_dim3A_7, %get3A_109], %mul3A_116 {add = true} : memref<4x10000xf32, #tpu.memory_space<vmem>>[vector<16xi32>, vector<16xi32>], vector<16xf32>,
        %gather3A_117 = tpu.vector_load_idx %arg8[%broadcast_in_dim3A_9, %get3A_107] : memref<4x10000xf32, #tpu.memory_space<vmem>>[vector<16xi32>, vector<16xi32>], vector<16xf32>,
        %mul3A_118 = arith.mulf %gather3A_117, %get3A_111 : vector<16xf32>
        tpu.vector_store_idx %arg9[%broadcast_in_dim3A_9, %get3A_109], %mul3A_118 {add = true} : memref<4x10000xf32, #tpu.memory_space<vmem>>[vector<16xi32>, vector<16xi32>], vector<16xf32>,
        %mul3A_119 = arith.constant 2 : i32
        %mul3A_120 = arith.muli %scan3A_100, %mul3A_119 : i32
        %add3A_121 = arith.constant 1 : i32
        %add3A_122 = arith.addi %mul3A_120, %add3A_121 : i32
        %mul3A_123 = arith.constant 16 : i32
        %mul3A_124 = arith.muli %add3A_122, %mul3A_123 : i32
        %get3A_125 = arith.index_cast %mul3A_124 : i32 to index
        %get3A_126 = tpu.vector_load %arg10[%get3A_125] {strides = array<i32>} : memref<4000xi32, #tpu.memory_space<vmem>>, vector<16xi32>,
        %get3A_127 = arith.index_cast %mul3A_124 : i32 to index
        %get3A_128 = tpu.vector_load %arg11[%get3A_127] {strides = array<i32>} : memref<4000xi32, #tpu.memory_space<vmem>>, vector<16xi32>,
        %get3A_129 = arith.index_cast %mul3A_124 : i32 to index
        %get3A_130 = tpu.vector_load %arg12[%get3A_129] {strides = array<i32>} : memref<4000xf32, #tpu.memory_space<vmem>>, vector<16xf32>,
        %gather3A_131 = tpu.vector_load_idx %arg8[%broadcast_in_dim3A_3, %get3A_126] : memref<4x10000xf32, #tpu.memory_space<vmem>>[vector<16xi32>, vector<16xi32>], vector<16xf32>,
        %mul3A_132 = arith.mulf %gather3A_131, %get3A_130 : vector<16xf32>
        tpu.vector_store_idx %arg9[%broadcast_in_dim3A_3, %get3A_128], %mul3A_132 {add = true} : memref<4x10000xf32, #tpu.memory_space<vmem>>[vector<16xi32>, vector<16xi32>], vector<16xf32>,
        %gather3A_133 = tpu.vector_load_idx %arg8[%broadcast_in_dim3A_5, %get3A_126] : memref<4x10000xf32, #tpu.memory_space<vmem>>[vector<16xi32>, vector<16xi32>], vector<16xf32>,
        %mul3A_134 = arith.mulf %gather3A_133, %get3A_130 : vector<16xf32>
        tpu.vector_store_idx %arg9[%broadcast_in_dim3A_5, %get3A_128], %mul3A_134 {add = true} : memref<4x10000xf32, #tpu.memory_space<vmem>>[vector<16xi32>, vector<16xi32>], vector<16xf32>,
        %gather3A_135 = tpu.vector_load_idx %arg8[%broadcast_in_dim3A_7, %get3A_126] : memref<4x10000xf32, #tpu.memory_space<vmem>>[vector<16xi32>, vector<16xi32>], vector<16xf32>,
        %mul3A_136 = arith.mulf %gather3A_135, %get3A_130 : vector<16xf32>
        tpu.vector_store_idx %arg9[%broadcast_in_dim3A_7, %get3A_128], %mul3A_136 {add = true} : memref<4x10000xf32, #tpu.memory_space<vmem>>[vector<16xi32>, vector<16xi32>], vector<16xf32>,
        %gather3A_137 = tpu.vector_load_idx %arg8[%broadcast_in_dim3A_9, %get3A_126] : memref<4x10000xf32, #tpu.memory_space<vmem>>[vector<16xi32>, vector<16xi32>], vector<16xf32>,
        %mul3A_138 = arith.mulf %gather3A_137, %get3A_130 : vector<16xf32>
        tpu.vector_store_idx %arg9[%broadcast_in_dim3A_9, %get3A_128], %mul3A_138 {add = true} : memref<4x10000xf32, #tpu.memory_space<vmem>>[vector<16xi32>, vector<16xi32>], vector<16xf32>,
      }
      %scan3A_68 = arith.constant 125 : i32
      %dma_wait3A_69 = arith.constant 0 : i32
      %dma_wait3A_70 = tpu.memref_slice %arg4[%dma_wait3A_69] : memref<320000xi32, #tpu.memory_space<hbm>> -> memref<4000xi32, #tpu.memory_space<hbm>>
      %dma_wait3A_71 = arith.constant 0 : i32
      %dma_wait3A_72 = tpu.memref_slice %arg4[%dma_wait3A_71] : memref<320000xi32, #tpu.memory_space<hbm>> -> memref<4000xi32, #tpu.memory_space<hbm>>
      tpu.wait_dma2 semaphore(%arg17 : memref<!tpu.dma_semaphore, #tpu.memory_space<semaphore_mem>>) src(%dma_wait3A_72 : memref<4000xi32, #tpu.memory_space<hbm>>) dst(%arg13 : memref<4000xi32, #tpu.memory_space<vmem>>)
      %dma_wait3A_73 = arith.constant 0 : i32
      %dma_wait3A_74 = tpu.memref_slice %arg5[%dma_wait3A_73] : memref<320000xi32, #tpu.memory_space<hbm>> -> memref<4000xi32, #tpu.memory_space<hbm>>
      %dma_wait3A_75 = arith.constant 0 : i32
      %dma_wait3A_76 = tpu.memref_slice %arg5[%dma_wait3A_75] : memref<320000xi32, #tpu.memory_space<hbm>> -> memref<4000xi32, #tpu.memory_space<hbm>>
      tpu.wait_dma2 semaphore(%arg17 : memref<!tpu.dma_semaphore, #tpu.memory_space<semaphore_mem>>) src(%dma_wait3A_76 : memref<4000xi32, #tpu.memory_space<hbm>>) dst(%arg14 : memref<4000xi32, #tpu.memory_space<vmem>>)
      %dma_wait3A_77 = arith.constant 0 : i32
      %dma_wait3A_78 = tpu.memref_slice %arg6[%dma_wait3A_77] : memref<320000xf32, #tpu.memory_space<hbm>> -> memref<4000xf32, #tpu.memory_space<hbm>>
      %dma_wait3A_79 = arith.constant 0 : i32
      %dma_wait3A_80 = tpu.memref_slice %arg6[%dma_wait3A_79] : memref<320000xf32, #tpu.memory_space<hbm>> -> memref<4000xf32, #tpu.memory_space<hbm>>
      tpu.wait_dma2 semaphore(%arg17 : memref<!tpu.dma_semaphore, #tpu.memory_space<semaphore_mem>>) src(%dma_wait3A_80 : memref<4000xf32, #tpu.memory_space<hbm>>) dst(%arg15 : memref<4000xf32, #tpu.memory_space<vmem>>)
      %add3A_81 = arith.constant 2 : i32
      %add3A_82 = arith.addi %mul3A_37, %add3A_81 : i32
      %min3A_83 = arith.constant 79 : i32
      %min3A_84 = arith.minsi %add3A_82, %min3A_83 : i32
      %mul3A_85 = arith.constant 4000 : i32
      %mul3A_86 = arith.muli %min3A_84, %mul3A_85 : i32
      %multiple_of3A_87 = tpu.assume_multiple %mul3A_86, 8 : i32
      %dma_start3A_88 = tpu.memref_slice %arg4[%multiple_of3A_87] : memref<320000xi32, #tpu.memory_space<hbm>> -> memref<4000xi32, #tpu.memory_space<hbm>>
      %dma_start3A_89 = tpu.memref_slice %arg4[%multiple_of3A_87] : memref<320000xi32, #tpu.memory_space<hbm>> -> memref<4000xi32, #tpu.memory_space<hbm>>
      tpu.enqueue_dma source(%dma_start3A_89 : memref<4000xi32, #tpu.memory_space<hbm>>) target(%arg10 : memref<4000xi32, #tpu.memory_space<vmem>>) target_semaphore(%arg16 : memref<!tpu.dma_semaphore, #tpu.memory_space<semaphore_mem>>)
      %dma_start3A_90 = tpu.memref_slice %arg5[%multiple_of3A_87] : memref<320000xi32, #tpu.memory_space<hbm>> -> memref<4000xi32, #tpu.memory_space<hbm>>
      %dma_start3A_91 = tpu.memref_slice %arg5[%multiple_of3A_87] : memref<320000xi32, #tpu.memory_space<hbm>> -> memref<4000xi32, #tpu.memory_space<hbm>>
      tpu.enqueue_dma source(%dma_start3A_91 : memref<4000xi32, #tpu.memory_space<hbm>>) target(%arg11 : memref<4000xi32, #tpu.memory_space<vmem>>) target_semaphore(%arg16 : memref<!tpu.dma_semaphore, #tpu.memory_space<semaphore_mem>>)
      %dma_start3A_92 = tpu.memref_slice %arg6[%multiple_of3A_87] : memref<320000xf32, #tpu.memory_space<hbm>> -> memref<4000xf32, #tpu.memory_space<hbm>>
      %dma_start3A_93 = tpu.memref_slice %arg6[%multiple_of3A_87] : memref<320000xf32, #tpu.memory_space<hbm>> -> memref<4000xf32, #tpu.memory_space<hbm>>
      tpu.enqueue_dma source(%dma_start3A_93 : memref<4000xf32, #tpu.memory_space<hbm>>) target(%arg12 : memref<4000xf32, #tpu.memory_space<vmem>>) target_semaphore(%arg16 : memref<!tpu.dma_semaphore, #tpu.memory_space<semaphore_mem>>)
      %scan3A_94 = arith.constant 0 : i32
      %scan3A_95 = arith.constant 0 : i32
      %scan3A_96 = arith.constant 125 : i32
      %scan3A_97 = arith.addi %scan3A_95, %scan3A_96 : i32
      %scan3A_98 = arith.constant 1 : i32
      scf.for %scan3A_100 = %scan3A_95 to %scan3A_97 step %scan3A_98  : i32 {
        %mul3A_101 = arith.constant 2 : i32
        %mul3A_102 = arith.muli %scan3A_100, %mul3A_101 : i32
        %add3A_103 = arith.constant 0 : i32
        %add3A_104 = arith.addi %mul3A_102, %add3A_103 : i32
        %mul3A_105 = arith.constant 16 : i32
        %mul3A_106 = arith.muli %add3A_104, %mul3A_105 : i32
        %get3A = arith.index_cast %mul3A_106 : i32 to index
        %get3A_107 = tpu.vector_load %arg13[%get3A] {strides = array<i32>} : memref<4000xi32, #tpu.memory_space<vmem>>, vector<16xi32>,
        %get3A_108 = arith.index_cast %mul3A_106 : i32 to index
        %get3A_109 = tpu.vector_load %arg14[%get3A_108] {strides = array<i32>} : memref<4000xi32, #tpu.memory_space<vmem>>, vector<16xi32>,
        %get3A_110 = arith.index_cast %mul3A_106 : i32 to index
        %get3A_111 = tpu.vector_load %arg15[%get3A_110] {strides = array<i32>} : memref<4000xf32, #tpu.memory_space<vmem>>, vector<16xf32>,
        %gather3A = tpu.vector_load_idx %arg8[%broadcast_in_dim3A_3, %get3A_107] : memref<4x10000xf32, #tpu.memory_space<vmem>>[vector<16xi32>, vector<16xi32>], vector<16xf32>,
        %mul3A_112 = arith.mulf %gather3A, %get3A_111 : vector<16xf32>
        tpu.vector_store_idx %arg9[%broadcast_in_dim3A_3, %get3A_109], %mul3A_112 {add = true} : memref<4x10000xf32, #tpu.memory_space<vmem>>[vector<16xi32>, vector<16xi32>], vector<16xf32>,
        %gather3A_113 = tpu.vector_load_idx %arg8[%broadcast_in_dim3A_5, %get3A_107] : memref<4x10000xf32, #tpu.memory_space<vmem>>[vector<16xi32>, vector<16xi32>], vector<16xf32>,
        %mul3A_114 = arith.mulf %gather3A_113, %get3A_111 : vector<16xf32>
        tpu.vector_store_idx %arg9[%broadcast_in_dim3A_5, %get3A_109], %mul3A_114 {add = true} : memref<4x10000xf32, #tpu.memory_space<vmem>>[vector<16xi32>, vector<16xi32>], vector<16xf32>,
        %gather3A_115 = tpu.vector_load_idx %arg8[%broadcast_in_dim3A_7, %get3A_107] : memref<4x10000xf32, #tpu.memory_space<vmem>>[vector<16xi32>, vector<16xi32>], vector<16xf32>,
        %mul3A_116 = arith.mulf %gather3A_115, %get3A_111 : vector<16xf32>
        tpu.vector_store_idx %arg9[%broadcast_in_dim3A_7, %get3A_109], %mul3A_116 {add = true} : memref<4x10000xf32, #tpu.memory_space<vmem>>[vector<16xi32>, vector<16xi32>], vector<16xf32>,
        %gather3A_117 = tpu.vector_load_idx %arg8[%broadcast_in_dim3A_9, %get3A_107] : memref<4x10000xf32, #tpu.memory_space<vmem>>[vector<16xi32>, vector<16xi32>], vector<16xf32>,
        %mul3A_118 = arith.mulf %gather3A_117, %get3A_111 : vector<16xf32>
        tpu.vector_store_idx %arg9[%broadcast_in_dim3A_9, %get3A_109], %mul3A_118 {add = true} : memref<4x10000xf32, #tpu.memory_space<vmem>>[vector<16xi32>, vector<16xi32>], vector<16xf32>,
        %mul3A_119 = arith.constant 2 : i32
        %mul3A_120 = arith.muli %scan3A_100, %mul3A_119 : i32
        %add3A_121 = arith.constant 1 : i32
        %add3A_122 = arith.addi %mul3A_120, %add3A_121 : i32
        %mul3A_123 = arith.constant 16 : i32
        %mul3A_124 = arith.muli %add3A_122, %mul3A_123 : i32
        %get3A_125 = arith.index_cast %mul3A_124 : i32 to index
        %get3A_126 = tpu.vector_load %arg13[%get3A_125] {strides = array<i32>} : memref<4000xi32, #tpu.memory_space<vmem>>, vector<16xi32>,
        %get3A_127 = arith.index_cast %mul3A_124 : i32 to index
        %get3A_128 = tpu.vector_load %arg14[%get3A_127] {strides = array<i32>} : memref<4000xi32, #tpu.memory_space<vmem>>, vector<16xi32>,
        %get3A_129 = arith.index_cast %mul3A_124 : i32 to index
        %get3A_130 = tpu.vector_load %arg15[%get3A_129] {strides = array<i32>} : memref<4000xf32, #tpu.memory_space<vmem>>, vector<16xf32>,
        %gather3A_131 = tpu.vector_load_idx %arg8[%broadcast_in_dim3A_3, %get3A_126] : memref<4x10000xf32, #tpu.memory_space<vmem>>[vector<16xi32>, vector<16xi32>], vector<16xf32>,
        %mul3A_132 = arith.mulf %gather3A_131, %get3A_130 : vector<16xf32>
        tpu.vector_store_idx %arg9[%broadcast_in_dim3A_3, %get3A_128], %mul3A_132 {add = true} : memref<4x10000xf32, #tpu.memory_space<vmem>>[vector<16xi32>, vector<16xi32>], vector<16xf32>,
        %gather3A_133 = tpu.vector_load_idx %arg8[%broadcast_in_dim3A_5, %get3A_126] : memref<4x10000xf32, #tpu.memory_space<vmem>>[vector<16xi32>, vector<16xi32>], vector<16xf32>,
        %mul3A_134 = arith.mulf %gather3A_133, %get3A_130 : vector<16xf32>
        tpu.vector_store_idx %arg9[%broadcast_in_dim3A_5, %get3A_128], %mul3A_134 {add = true} : memref<4x10000xf32, #tpu.memory_space<vmem>>[vector<16xi32>, vector<16xi32>], vector<16xf32>,
        %gather3A_135 = tpu.vector_load_idx %arg8[%broadcast_in_dim3A_7, %get3A_126] : memref<4x10000xf32, #tpu.memory_space<vmem>>[vector<16xi32>, vector<16xi32>], vector<16xf32>,
        %mul3A_136 = arith.mulf %gather3A_135, %get3A_130 : vector<16xf32>
        tpu.vector_store_idx %arg9[%broadcast_in_dim3A_7, %get3A_128], %mul3A_136 {add = true} : memref<4x10000xf32, #tpu.memory_space<vmem>>[vector<16xi32>, vector<16xi32>], vector<16xf32>,
        %gather3A_137 = tpu.vector_load_idx %arg8[%broadcast_in_dim3A_9, %get3A_126] : memref<4x10000xf32, #tpu.memory_space<vmem>>[vector<16xi32>, vector<16xi32>], vector<16xf32>,
        %mul3A_138 = arith.mulf %gather3A_137, %get3A_130 : vector<16xf32>
        tpu.vector_store_idx %arg9[%broadcast_in_dim3A_9, %get3A_128], %mul3A_138 {add = true} : memref<4x10000xf32, #tpu.memory_space<vmem>>[vector<16xi32>, vector<16xi32>], vector<16xf32>,
      }
      %scan3A_99 = arith.constant 125 : i32
    }
    %scan3A_23 = arith.constant 40 : i32
    %dma_wait3A = arith.constant 0 : i32
    %dma_wait3A_24 = tpu.memref_slice %arg4[%dma_wait3A] : memref<320000xi32, #tpu.memory_space<hbm>> -> memref<4000xi32, #tpu.memory_space<hbm>>
    %dma_wait3A_25 = arith.constant 0 : i32
    %dma_wait3A_26 = tpu.memref_slice %arg4[%dma_wait3A_25] : memref<320000xi32, #tpu.memory_space<hbm>> -> memref<4000xi32, #tpu.memory_space<hbm>>
    tpu.wait_dma2 semaphore(%arg16 : memref<!tpu.dma_semaphore, #tpu.memory_space<semaphore_mem>>) src(%dma_wait3A_26 : memref<4000xi32, #tpu.memory_space<hbm>>) dst(%arg10 : memref<4000xi32, #tpu.memory_space<vmem>>)
    %dma_wait3A_27 = arith.constant 0 : i32
    %dma_wait3A_28 = tpu.memref_slice %arg5[%dma_wait3A_27] : memref<320000xi32, #tpu.memory_space<hbm>> -> memref<4000xi32, #tpu.memory_space<hbm>>
    %dma_wait3A_29 = arith.constant 0 : i32
    %dma_wait3A_30 = tpu.memref_slice %arg5[%dma_wait3A_29] : memref<320000xi32, #tpu.memory_space<hbm>> -> memref<4000xi32, #tpu.memory_space<hbm>>
    tpu.wait_dma2 semaphore(%arg16 : memref<!tpu.dma_semaphore, #tpu.memory_space<semaphore_mem>>) src(%dma_wait3A_30 : memref<4000xi32, #tpu.memory_space<hbm>>) dst(%arg11 : memref<4000xi32, #tpu.memory_space<vmem>>)
    %dma_wait3A_31 = arith.constant 0 : i32
    %dma_wait3A_32 = tpu.memref_slice %arg6[%dma_wait3A_31] : memref<320000xf32, #tpu.memory_space<hbm>> -> memref<4000xf32, #tpu.memory_space<hbm>>
    %dma_wait3A_33 = arith.constant 0 : i32
    %dma_wait3A_34 = tpu.memref_slice %arg6[%dma_wait3A_33] : memref<320000xf32, #tpu.memory_space<hbm>> -> memref<4000xf32, #tpu.memory_space<hbm>>
    tpu.wait_dma2 semaphore(%arg16 : memref<!tpu.dma_semaphore, #tpu.memory_space<semaphore_mem>>) src(%dma_wait3A_34 : memref<4000xf32, #tpu.memory_space<hbm>>) dst(%arg12 : memref<4000xf32, #tpu.memory_space<vmem>>)
    "tpu.region"() ({
      %run_scoped3A = tpu.sem_alloc : memref<!tpu.dma_semaphore, #tpu.memory_space<semaphore_mem>>
      %dma_start3A_35 = arith.constant 0 : i32
      %dma_start3A_36 = tpu.memref_slice %arg7[%mul3A_2, %dma_start3A_35] : memref<128x10000xf32, #tpu.memory_space<hbm>> -> memref<4x10000xf32, #tpu.memory_space<hbm>>
      %dma_start3A_37 = arith.constant 0 : i32
      %dma_start3A_38 = tpu.memref_slice %arg7[%mul3A_2, %dma_start3A_37] : memref<128x10000xf32, #tpu.memory_space<hbm>> -> memref<4x10000xf32, #tpu.memory_space<hbm>>
      tpu.enqueue_dma source(%arg9 : memref<4x10000xf32, #tpu.memory_space<vmem>>) target(%dma_start3A_38 : memref<4x10000xf32, #tpu.memory_space<hbm>>) target_semaphore(%run_scoped3A : memref<!tpu.dma_semaphore, #tpu.memory_space<semaphore_mem>>)
      %dma_wait3A_39 = arith.constant 0 : i32
      %dma_wait3A_40 = tpu.memref_slice %arg7[%mul3A_2, %dma_wait3A_39] : memref<128x10000xf32, #tpu.memory_space<hbm>> -> memref<4x10000xf32, #tpu.memory_space<hbm>>
      %dma_wait3A_41 = arith.constant 0 : i32
      %dma_wait3A_42 = tpu.memref_slice %arg7[%mul3A_2, %dma_wait3A_41] : memref<128x10000xf32, #tpu.memory_space<hbm>> -> memref<4x10000xf32, #tpu.memory_space<hbm>>
      tpu.wait_dma2 semaphore(%run_scoped3A : memref<!tpu.dma_semaphore, #tpu.memory_space<semaphore_mem>>) src(%arg9 : memref<4x10000xf32, #tpu.memory_space<vmem>>) dst(%dma_wait3A_42 : memref<4x10000xf32, #tpu.memory_space<hbm>>)
      tpu.yield
    }) : () -> ()
    return
  }
}

#map = affine_map<(d0, d1) -> (0)>
#map1 = affine_map<(d0, d1) -> (0, 0)>
module attributes {stable_mosaic.version = 14 : i64} {
  func.func @_deg_kernel(%arg0: i32, %arg1: i32, %arg2: memref<320000xi32, #tpu.memory_space<hbm>>, %arg3: memref<320000xf32, #tpu.memory_space<hbm>>, %arg4: memref<32x10000xf32, #tpu.memory_space<hbm>>, %arg5: memref<10000xi32, #tpu.memory_space<vmem>>, %arg6: memref<10000xf32, #tpu.memory_space<vmem>>, %arg7: memref<10000xf32, #tpu.memory_space<vmem>>) attributes {dimension_semantics = [#tpu.dimension_semantics<core_parallel>, #tpu.dimension_semantics<subcore_parallel>], iteration_bounds = array<i64: 2, 16>, scalar_prefetch = 0 : i64, scratch_operands = 3 : i64, tpu.core_type = #tpu.core_type<sc_vector_subcore>, window_params = [{transform_indices = #map}, {transform_indices = #map}, {transform_indices = #map1}]} {
    %mul3A = arith.constant 2 : i32
    %mul3A_0 = arith.muli %arg1, %mul3A : i32
    %add3A = arith.addi %mul3A_0, %arg0 : i32
    %mul3A_1 = arith.constant 10000 : i32
    %mul3A_2 = arith.muli %add3A, %mul3A_1 : i32
    "tpu.region"() ({
      %run_scoped3A = tpu.sem_alloc : memref<!tpu.dma_semaphore, #tpu.memory_space<semaphore_mem>>
      %dma_start3A = tpu.memref_slice %arg2[%mul3A_2] : memref<320000xi32, #tpu.memory_space<hbm>> -> memref<10000xi32, #tpu.memory_space<hbm>>
      %dma_start3A_15 = tpu.memref_slice %arg2[%mul3A_2] : memref<320000xi32, #tpu.memory_space<hbm>> -> memref<10000xi32, #tpu.memory_space<hbm>>
      tpu.enqueue_dma source(%dma_start3A_15 : memref<10000xi32, #tpu.memory_space<hbm>>) target(%arg5 : memref<10000xi32, #tpu.memory_space<vmem>>) target_semaphore(%run_scoped3A : memref<!tpu.dma_semaphore, #tpu.memory_space<semaphore_mem>>)
      %dma_wait3A = tpu.memref_slice %arg2[%mul3A_2] : memref<320000xi32, #tpu.memory_space<hbm>> -> memref<10000xi32, #tpu.memory_space<hbm>>
      %dma_wait3A_16 = tpu.memref_slice %arg2[%mul3A_2] : memref<320000xi32, #tpu.memory_space<hbm>> -> memref<10000xi32, #tpu.memory_space<hbm>>
      tpu.wait_dma2 semaphore(%run_scoped3A : memref<!tpu.dma_semaphore, #tpu.memory_space<semaphore_mem>>) src(%dma_wait3A_16 : memref<10000xi32, #tpu.memory_space<hbm>>) dst(%arg5 : memref<10000xi32, #tpu.memory_space<vmem>>)
      tpu.yield
    }) : () -> ()
    "tpu.region"() ({
      %run_scoped3A = tpu.sem_alloc : memref<!tpu.dma_semaphore, #tpu.memory_space<semaphore_mem>>
      %dma_start3A = tpu.memref_slice %arg3[%mul3A_2] : memref<320000xf32, #tpu.memory_space<hbm>> -> memref<10000xf32, #tpu.memory_space<hbm>>
      %dma_start3A_15 = tpu.memref_slice %arg3[%mul3A_2] : memref<320000xf32, #tpu.memory_space<hbm>> -> memref<10000xf32, #tpu.memory_space<hbm>>
      tpu.enqueue_dma source(%dma_start3A_15 : memref<10000xf32, #tpu.memory_space<hbm>>) target(%arg6 : memref<10000xf32, #tpu.memory_space<vmem>>) target_semaphore(%run_scoped3A : memref<!tpu.dma_semaphore, #tpu.memory_space<semaphore_mem>>)
      %dma_wait3A = tpu.memref_slice %arg3[%mul3A_2] : memref<320000xf32, #tpu.memory_space<hbm>> -> memref<10000xf32, #tpu.memory_space<hbm>>
      %dma_wait3A_16 = tpu.memref_slice %arg3[%mul3A_2] : memref<320000xf32, #tpu.memory_space<hbm>> -> memref<10000xf32, #tpu.memory_space<hbm>>
      tpu.wait_dma2 semaphore(%run_scoped3A : memref<!tpu.dma_semaphore, #tpu.memory_space<semaphore_mem>>) src(%dma_wait3A_16 : memref<10000xf32, #tpu.memory_space<hbm>>) dst(%arg6 : memref<10000xf32, #tpu.memory_space<vmem>>)
      tpu.yield
    }) : () -> ()
    %broadcast_in_dim3A = arith.constant 0.000000e+00 : f32
    %broadcast_in_dim3A_3 = vector.broadcast %broadcast_in_dim3A : f32 to vector<16xf32>
    %scan3A = arith.constant 0 : i32
    %scan3A_4 = arith.constant 0 : i32
    %scan3A_5 = arith.constant 625 : i32
    %scan3A_6 = arith.addi %scan3A_4, %scan3A_5 : i32
    %scan3A_7 = arith.constant 1 : i32
    scf.for %scan3A_15 = %scan3A_4 to %scan3A_6 step %scan3A_7  : i32 {
      %mul3A_16 = arith.constant 16 : i32
      %mul3A_17 = arith.muli %scan3A_15, %mul3A_16 : i32
      %swap3A = arith.index_cast %mul3A_17 : i32 to index
      %swap3A_18 = tpu.vector_load %arg7[%swap3A] {strides = array<i32>} : memref<10000xf32, #tpu.memory_space<vmem>>, vector<16xf32>,
      tpu.vector_store %arg7[%swap3A], %broadcast_in_dim3A_3 {strides = array<i32>} : memref<10000xf32, #tpu.memory_space<vmem>>, vector<16xf32>,
    }
    %scan3A_8 = arith.constant 625 : i32
    %scan3A_9 = arith.constant 0 : i32
    %scan3A_10 = arith.constant 0 : i32
    %scan3A_11 = arith.constant 625 : i32
    %scan3A_12 = arith.addi %scan3A_10, %scan3A_11 : i32
    %scan3A_13 = arith.constant 1 : i32
    scf.for %scan3A_15 = %scan3A_10 to %scan3A_12 step %scan3A_13  : i32 {
      %mul3A_16 = arith.constant 16 : i32
      %mul3A_17 = arith.muli %scan3A_15, %mul3A_16 : i32
      %get3A = arith.index_cast %mul3A_17 : i32 to index
      %get3A_18 = tpu.vector_load %arg5[%get3A] {strides = array<i32>} : memref<10000xi32, #tpu.memory_space<vmem>>, vector<16xi32>,
      %get3A_19 = arith.index_cast %mul3A_17 : i32 to index
      %get3A_20 = tpu.vector_load %arg6[%get3A_19] {strides = array<i32>} : memref<10000xf32, #tpu.memory_space<vmem>>, vector<16xf32>,
      tpu.vector_store_idx %arg7[%get3A_18], %get3A_20 {add = true} : memref<10000xf32, #tpu.memory_space<vmem>>[vector<16xi32>], vector<16xf32>,
    }
    %scan3A_14 = arith.constant 625 : i32
    "tpu.region"() ({
      %run_scoped3A = tpu.sem_alloc : memref<!tpu.dma_semaphore, #tpu.memory_space<semaphore_mem>>
      %dma_start3A = arith.constant 0 : i32
      %dma_start3A_15 = tpu.memref_slice %arg4[%add3A, %dma_start3A] : memref<32x10000xf32, #tpu.memory_space<hbm>> -> memref<1x10000xf32, #tpu.memory_space<hbm>>
      %dma_start3A_16 = tpu.memref_squeeze %dma_start3A_15 : memref<1x10000xf32, #tpu.memory_space<hbm>> -> memref<10000xf32, #tpu.memory_space<hbm>>
      %dma_start3A_17 = arith.constant 0 : i32
      %dma_start3A_18 = tpu.memref_slice %arg4[%add3A, %dma_start3A_17] : memref<32x10000xf32, #tpu.memory_space<hbm>> -> memref<1x10000xf32, #tpu.memory_space<hbm>>
      %dma_start3A_19 = tpu.memref_squeeze %dma_start3A_18 : memref<1x10000xf32, #tpu.memory_space<hbm>> -> memref<10000xf32, #tpu.memory_space<hbm>>
      tpu.enqueue_dma source(%arg7 : memref<10000xf32, #tpu.memory_space<vmem>>) target(%dma_start3A_19 : memref<10000xf32, #tpu.memory_space<hbm>>) target_semaphore(%run_scoped3A : memref<!tpu.dma_semaphore, #tpu.memory_space<semaphore_mem>>)
      %dma_wait3A = arith.constant 0 : i32
      %dma_wait3A_20 = tpu.memref_slice %arg4[%add3A, %dma_wait3A] : memref<32x10000xf32, #tpu.memory_space<hbm>> -> memref<1x10000xf32, #tpu.memory_space<hbm>>
      %dma_wait3A_21 = tpu.memref_squeeze %dma_wait3A_20 : memref<1x10000xf32, #tpu.memory_space<hbm>> -> memref<10000xf32, #tpu.memory_space<hbm>>
      %dma_wait3A_22 = arith.constant 0 : i32
      %dma_wait3A_23 = tpu.memref_slice %arg4[%add3A, %dma_wait3A_22] : memref<32x10000xf32, #tpu.memory_space<hbm>> -> memref<1x10000xf32, #tpu.memory_space<hbm>>
      %dma_wait3A_24 = tpu.memref_squeeze %dma_wait3A_23 : memref<1x10000xf32, #tpu.memory_space<hbm>> -> memref<10000xf32, #tpu.memory_space<hbm>>
      tpu.wait_dma2 semaphore(%run_scoped3A : memref<!tpu.dma_semaphore, #tpu.memory_space<semaphore_mem>>) src(%arg7 : memref<10000xf32, #tpu.memory_space<vmem>>) dst(%dma_wait3A_24 : memref<10000xf32, #tpu.memory_space<hbm>>)
      tpu.yield
    }) : () -> ()
    return
  }
}

#map = affine_map<(d0, d1) -> (0, 0)>
#map1 = affine_map<(d0, d1) -> (0)>
module attributes {stable_mosaic.version = 14 : i64} {
  func.func @_msgpass_kernel(%arg0: i32, %arg1: i32, %arg2: memref<128x10000xf32, #tpu.memory_space<hbm>>, %arg3: memref<128x10000xf32, #tpu.memory_space<hbm>>, %arg4: memref<320000xi32, #tpu.memory_space<hbm>>, %arg5: memref<320000xi32, #tpu.memory_space<hbm>>, %arg6: memref<320000xf32, #tpu.memory_space<hbm>>, %arg7: memref<128x10000xf32, #tpu.memory_space<hbm>>, %arg8: memref<4x10000xf32, #tpu.memory_space<vmem>>, %arg9: memref<4x10000xf32, #tpu.memory_space<vmem>>, %arg10: memref<4000xi32, #tpu.memory_space<vmem>>, %arg11: memref<4000xi32, #tpu.memory_space<vmem>>, %arg12: memref<4000xf32, #tpu.memory_space<vmem>>, %arg13: memref<4000xi32, #tpu.memory_space<vmem>>, %arg14: memref<4000xi32, #tpu.memory_space<vmem>>, %arg15: memref<4000xf32, #tpu.memory_space<vmem>>, %arg16: memref<!tpu.dma_semaphore, #tpu.memory_space<semaphore_mem>>, %arg17: memref<!tpu.dma_semaphore, #tpu.memory_space<semaphore_mem>>) attributes {dimension_semantics = [#tpu.dimension_semantics<core_parallel>, #tpu.dimension_semantics<subcore_parallel>], iteration_bounds = array<i64: 2, 16>, scalar_prefetch = 0 : i64, scratch_operands = 10 : i64, tpu.core_type = #tpu.core_type<sc_vector_subcore>, window_params = [{transform_indices = #map}, {transform_indices = #map}, {transform_indices = #map1}, {transform_indices = #map1}, {transform_indices = #map1}, {transform_indices = #map}]} {
    %mul3A = arith.constant 2 : i32
    %mul3A_0 = arith.muli %arg1, %mul3A : i32
    %add3A = arith.addi %mul3A_0, %arg0 : i32
    %mul3A_1 = arith.constant 4 : i32
    %mul3A_2 = arith.muli %add3A, %mul3A_1 : i32
    "tpu.region"() ({
      %run_scoped3A = tpu.sem_alloc : memref<!tpu.dma_semaphore, #tpu.memory_space<semaphore_mem>>
      %dma_start3A_35 = arith.constant 0 : i32
      %dma_start3A_36 = tpu.memref_slice %arg2[%mul3A_2, %dma_start3A_35] : memref<128x10000xf32, #tpu.memory_space<hbm>> -> memref<4x10000xf32, #tpu.memory_space<hbm>>
      %dma_start3A_37 = arith.constant 0 : i32
      %dma_start3A_38 = tpu.memref_slice %arg2[%mul3A_2, %dma_start3A_37] : memref<128x10000xf32, #tpu.memory_space<hbm>> -> memref<4x10000xf32, #tpu.memory_space<hbm>>
      tpu.enqueue_dma source(%dma_start3A_38 : memref<4x10000xf32, #tpu.memory_space<hbm>>) target(%arg8 : memref<4x10000xf32, #tpu.memory_space<vmem>>) target_semaphore(%run_scoped3A : memref<!tpu.dma_semaphore, #tpu.memory_space<semaphore_mem>>)
      %dma_wait3A_39 = arith.constant 0 : i32
      %dma_wait3A_40 = tpu.memref_slice %arg2[%mul3A_2, %dma_wait3A_39] : memref<128x10000xf32, #tpu.memory_space<hbm>> -> memref<4x10000xf32, #tpu.memory_space<hbm>>
      %dma_wait3A_41 = arith.constant 0 : i32
      %dma_wait3A_42 = tpu.memref_slice %arg2[%mul3A_2, %dma_wait3A_41] : memref<128x10000xf32, #tpu.memory_space<hbm>> -> memref<4x10000xf32, #tpu.memory_space<hbm>>
      tpu.wait_dma2 semaphore(%run_scoped3A : memref<!tpu.dma_semaphore, #tpu.memory_space<semaphore_mem>>) src(%dma_wait3A_42 : memref<4x10000xf32, #tpu.memory_space<hbm>>) dst(%arg8 : memref<4x10000xf32, #tpu.memory_space<vmem>>)
      tpu.yield
    }) : () -> ()
    "tpu.region"() ({
      %run_scoped3A = tpu.sem_alloc : memref<!tpu.dma_semaphore, #tpu.memory_space<semaphore_mem>>
      %dma_start3A_35 = arith.constant 0 : i32
      %dma_start3A_36 = tpu.memref_slice %arg3[%mul3A_2, %dma_start3A_35] : memref<128x10000xf32, #tpu.memory_space<hbm>> -> memref<4x10000xf32, #tpu.memory_space<hbm>>
      %dma_start3A_37 = arith.constant 0 : i32
      %dma_start3A_38 = tpu.memref_slice %arg3[%mul3A_2, %dma_start3A_37] : memref<128x10000xf32, #tpu.memory_space<hbm>> -> memref<4x10000xf32, #tpu.memory_space<hbm>>
      tpu.enqueue_dma source(%dma_start3A_38 : memref<4x10000xf32, #tpu.memory_space<hbm>>) target(%arg9 : memref<4x10000xf32, #tpu.memory_space<vmem>>) target_semaphore(%run_scoped3A : memref<!tpu.dma_semaphore, #tpu.memory_space<semaphore_mem>>)
      %dma_wait3A_39 = arith.constant 0 : i32
      %dma_wait3A_40 = tpu.memref_slice %arg3[%mul3A_2, %dma_wait3A_39] : memref<128x10000xf32, #tpu.memory_space<hbm>> -> memref<4x10000xf32, #tpu.memory_space<hbm>>
      %dma_wait3A_41 = arith.constant 0 : i32
      %dma_wait3A_42 = tpu.memref_slice %arg3[%mul3A_2, %dma_wait3A_41] : memref<128x10000xf32, #tpu.memory_space<hbm>> -> memref<4x10000xf32, #tpu.memory_space<hbm>>
      tpu.wait_dma2 semaphore(%run_scoped3A : memref<!tpu.dma_semaphore, #tpu.memory_space<semaphore_mem>>) src(%dma_wait3A_42 : memref<4x10000xf32, #tpu.memory_space<hbm>>) dst(%arg9 : memref<4x10000xf32, #tpu.memory_space<vmem>>)
      tpu.yield
    }) : () -> ()
    %broadcast_in_dim3A = arith.constant 0 : i32
    %broadcast_in_dim3A_3 = vector.broadcast %broadcast_in_dim3A : i32 to vector<16xi32>
    %broadcast_in_dim3A_4 = arith.constant 1 : i32
    %broadcast_in_dim3A_5 = vector.broadcast %broadcast_in_dim3A_4 : i32 to vector<16xi32>
    %broadcast_in_dim3A_6 = arith.constant 2 : i32
    %broadcast_in_dim3A_7 = vector.broadcast %broadcast_in_dim3A_6 : i32 to vector<16xi32>
    %broadcast_in_dim3A_8 = arith.constant 3 : i32
    %broadcast_in_dim3A_9 = vector.broadcast %broadcast_in_dim3A_8 : i32 to vector<16xi32>
    %min3A = arith.constant 0 : i32
    %min3A_10 = arith.constant 79 : i32
    %min3A_11 = arith.minsi %min3A, %min3A_10 : i32
    %mul3A_12 = arith.constant 4000 : i32
    %mul3A_13 = arith.muli %min3A_11, %mul3A_12 : i32
    %multiple_of3A = tpu.assume_multiple %mul3A_13, 8 : i32
    %dma_start3A = tpu.memref_slice %arg4[%multiple_of3A] : memref<320000xi32, #tpu.memory_space<hbm>> -> memref<4000xi32, #tpu.memory_space<hbm>>
    %dma_start3A_14 = tpu.memref_slice %arg4[%multiple_of3A] : memref<320000xi32, #tpu.memory_space<hbm>> -> memref<4000xi32, #tpu.memory_space<hbm>>
    tpu.enqueue_dma source(%dma_start3A_14 : memref<4000xi32, #tpu.memory_space<hbm>>) target(%arg10 : memref<4000xi32, #tpu.memory_space<vmem>>) target_semaphore(%arg16 : memref<!tpu.dma_semaphore, #tpu.memory_space<semaphore_mem>>)
    %dma_start3A_15 = tpu.memref_slice %arg5[%multiple_of3A] : memref<320000xi32, #tpu.memory_space<hbm>> -> memref<4000xi32, #tpu.memory_space<hbm>>
    %dma_start3A_16 = tpu.memref_slice %arg5[%multiple_of3A] : memref<320000xi32, #tpu.memory_space<hbm>> -> memref<4000xi32, #tpu.memory_space<hbm>>
    tpu.enqueue_dma source(%dma_start3A_16 : memref<4000xi32, #tpu.memory_space<hbm>>) target(%arg11 : memref<4000xi32, #tpu.memory_space<vmem>>) target_semaphore(%arg16 : memref<!tpu.dma_semaphore, #tpu.memory_space<semaphore_mem>>)
    %dma_start3A_17 = tpu.memref_slice %arg6[%multiple_of3A] : memref<320000xf32, #tpu.memory_space<hbm>> -> memref<4000xf32, #tpu.memory_space<hbm>>
    %dma_start3A_18 = tpu.memref_slice %arg6[%multiple_of3A] : memref<320000xf32, #tpu.memory_space<hbm>> -> memref<4000xf32, #tpu.memory_space<hbm>>
    tpu.enqueue_dma source(%dma_start3A_18 : memref<4000xf32, #tpu.memory_space<hbm>>) target(%arg12 : memref<4000xf32, #tpu.memory_space<vmem>>) target_semaphore(%arg16 : memref<!tpu.dma_semaphore, #tpu.memory_space<semaphore_mem>>)
    %scan3A = arith.constant 0 : i32
    %scan3A_19 = arith.constant 0 : i32
    %scan3A_20 = arith.constant 40 : i32
    %scan3A_21 = arith.addi %scan3A_19, %scan3A_20 : i32
    %scan3A_22 = arith.constant 1 : i32
    scf.for %scan3A_35 = %scan3A_19 to %scan3A_21 step %scan3A_22  : i32 {
      %mul3A_36 = arith.constant 2 : i32
      %mul3A_37 = arith.muli %scan3A_35, %mul3A_36 : i32
      %dma_wait3A_38 = arith.constant 0 : i32
      %dma_wait3A_39 = tpu.memref_slice %arg4[%dma_wait3A_38] : memref<320000xi32, #tpu.memory_space<hbm>> -> memref<4000xi32, #tpu.memory_space<hbm>>
      %dma_wait3A_40 = arith.constant 0 : i32
      %dma_wait3A_41 = tpu.memref_slice %arg4[%dma_wait3A_40] : memref<320000xi32, #tpu.memory_space<hbm>> -> memref<4000xi32, #tpu.memory_space<hbm>>
      tpu.wait_dma2 semaphore(%arg16 : memref<!tpu.dma_semaphore, #tpu.memory_space<semaphore_mem>>) src(%dma_wait3A_41 : memref<4000xi32, #tpu.memory_space<hbm>>) dst(%arg10 : memref<4000xi32, #tpu.memory_space<vmem>>)
      %dma_wait3A_42 = arith.constant 0 : i32
      %dma_wait3A_43 = tpu.memref_slice %arg5[%dma_wait3A_42] : memref<320000xi32, #tpu.memory_space<hbm>> -> memref<4000xi32, #tpu.memory_space<hbm>>
      %dma_wait3A_44 = arith.constant 0 : i32
      %dma_wait3A_45 = tpu.memref_slice %arg5[%dma_wait3A_44] : memref<320000xi32, #tpu.memory_space<hbm>> -> memref<4000xi32, #tpu.memory_space<hbm>>
      tpu.wait_dma2 semaphore(%arg16 : memref<!tpu.dma_semaphore, #tpu.memory_space<semaphore_mem>>) src(%dma_wait3A_45 : memref<4000xi32, #tpu.memory_space<hbm>>) dst(%arg11 : memref<4000xi32, #tpu.memory_space<vmem>>)
      %dma_wait3A_46 = arith.constant 0 : i32
      %dma_wait3A_47 = tpu.memref_slice %arg6[%dma_wait3A_46] : memref<320000xf32, #tpu.memory_space<hbm>> -> memref<4000xf32, #tpu.memory_space<hbm>>
      %dma_wait3A_48 = arith.constant 0 : i32
      %dma_wait3A_49 = tpu.memref_slice %arg6[%dma_wait3A_48] : memref<320000xf32, #tpu.memory_space<hbm>> -> memref<4000xf32, #tpu.memory_space<hbm>>
      tpu.wait_dma2 semaphore(%arg16 : memref<!tpu.dma_semaphore, #tpu.memory_space<semaphore_mem>>) src(%dma_wait3A_49 : memref<4000xf32, #tpu.memory_space<hbm>>) dst(%arg12 : memref<4000xf32, #tpu.memory_space<vmem>>)
      %add3A_50 = arith.constant 1 : i32
      %add3A_51 = arith.addi %mul3A_37, %add3A_50 : i32
      %min3A_52 = arith.constant 79 : i32
      %min3A_53 = arith.minsi %add3A_51, %min3A_52 : i32
      %mul3A_54 = arith.constant 4000 : i32
      %mul3A_55 = arith.muli %min3A_53, %mul3A_54 : i32
      %multiple_of3A_56 = tpu.assume_multiple %mul3A_55, 8 : i32
      %dma_start3A_57 = tpu.memref_slice %arg4[%multiple_of3A_56] : memref<320000xi32, #tpu.memory_space<hbm>> -> memref<4000xi32, #tpu.memory_space<hbm>>
      %dma_start3A_58 = tpu.memref_slice %arg4[%multiple_of3A_56] : memref<320000xi32, #tpu.memory_space<hbm>> -> memref<4000xi32, #tpu.memory_space<hbm>>
      tpu.enqueue_dma source(%dma_start3A_58 : memref<4000xi32, #tpu.memory_space<hbm>>) target(%arg13 : memref<4000xi32, #tpu.memory_space<vmem>>) target_semaphore(%arg17 : memref<!tpu.dma_semaphore, #tpu.memory_space<semaphore_mem>>)
      %dma_start3A_59 = tpu.memref_slice %arg5[%multiple_of3A_56] : memref<320000xi32, #tpu.memory_space<hbm>> -> memref<4000xi32, #tpu.memory_space<hbm>>
      %dma_start3A_60 = tpu.memref_slice %arg5[%multiple_of3A_56] : memref<320000xi32, #tpu.memory_space<hbm>> -> memref<4000xi32, #tpu.memory_space<hbm>>
      tpu.enqueue_dma source(%dma_start3A_60 : memref<4000xi32, #tpu.memory_space<hbm>>) target(%arg14 : memref<4000xi32, #tpu.memory_space<vmem>>) target_semaphore(%arg17 : memref<!tpu.dma_semaphore, #tpu.memory_space<semaphore_mem>>)
      %dma_start3A_61 = tpu.memref_slice %arg6[%multiple_of3A_56] : memref<320000xf32, #tpu.memory_space<hbm>> -> memref<4000xf32, #tpu.memory_space<hbm>>
      %dma_start3A_62 = tpu.memref_slice %arg6[%multiple_of3A_56] : memref<320000xf32, #tpu.memory_space<hbm>> -> memref<4000xf32, #tpu.memory_space<hbm>>
      tpu.enqueue_dma source(%dma_start3A_62 : memref<4000xf32, #tpu.memory_space<hbm>>) target(%arg15 : memref<4000xf32, #tpu.memory_space<vmem>>) target_semaphore(%arg17 : memref<!tpu.dma_semaphore, #tpu.memory_space<semaphore_mem>>)
      %scan3A_63 = arith.constant 0 : i32
      %scan3A_64 = arith.constant 0 : i32
      %scan3A_65 = arith.constant 125 : i32
      %scan3A_66 = arith.addi %scan3A_64, %scan3A_65 : i32
      %scan3A_67 = arith.constant 1 : i32
      scf.for %scan3A_100 = %scan3A_64 to %scan3A_66 step %scan3A_67  : i32 {
        %mul3A_101 = arith.constant 2 : i32
        %mul3A_102 = arith.muli %scan3A_100, %mul3A_101 : i32
        %add3A_103 = arith.constant 0 : i32
        %add3A_104 = arith.addi %mul3A_102, %add3A_103 : i32
        %mul3A_105 = arith.constant 16 : i32
        %mul3A_106 = arith.muli %add3A_104, %mul3A_105 : i32
        %get3A = arith.index_cast %mul3A_106 : i32 to index
        %get3A_107 = tpu.vector_load %arg10[%get3A] {strides = array<i32>} : memref<4000xi32, #tpu.memory_space<vmem>>, vector<16xi32>,
        %get3A_108 = arith.index_cast %mul3A_106 : i32 to index
        %get3A_109 = tpu.vector_load %arg11[%get3A_108] {strides = array<i32>} : memref<4000xi32, #tpu.memory_space<vmem>>, vector<16xi32>,
        %get3A_110 = arith.index_cast %mul3A_106 : i32 to index
        %get3A_111 = tpu.vector_load %arg12[%get3A_110] {strides = array<i32>} : memref<4000xf32, #tpu.memory_space<vmem>>, vector<16xf32>,
        %gather3A = tpu.vector_load_idx %arg8[%broadcast_in_dim3A_3, %get3A_107] : memref<4x10000xf32, #tpu.memory_space<vmem>>[vector<16xi32>, vector<16xi32>], vector<16xf32>,
        %mul3A_112 = arith.mulf %gather3A, %get3A_111 : vector<16xf32>
        tpu.vector_store_idx %arg9[%broadcast_in_dim3A_3, %get3A_109], %mul3A_112 {add = true} : memref<4x10000xf32, #tpu.memory_space<vmem>>[vector<16xi32>, vector<16xi32>], vector<16xf32>,
        %gather3A_113 = tpu.vector_load_idx %arg8[%broadcast_in_dim3A_5, %get3A_107] : memref<4x10000xf32, #tpu.memory_space<vmem>>[vector<16xi32>, vector<16xi32>], vector<16xf32>,
        %mul3A_114 = arith.mulf %gather3A_113, %get3A_111 : vector<16xf32>
        tpu.vector_store_idx %arg9[%broadcast_in_dim3A_5, %get3A_109], %mul3A_114 {add = true} : memref<4x10000xf32, #tpu.memory_space<vmem>>[vector<16xi32>, vector<16xi32>], vector<16xf32>,
        %gather3A_115 = tpu.vector_load_idx %arg8[%broadcast_in_dim3A_7, %get3A_107] : memref<4x10000xf32, #tpu.memory_space<vmem>>[vector<16xi32>, vector<16xi32>], vector<16xf32>,
        %mul3A_116 = arith.mulf %gather3A_115, %get3A_111 : vector<16xf32>
        tpu.vector_store_idx %arg9[%broadcast_in_dim3A_7, %get3A_109], %mul3A_116 {add = true} : memref<4x10000xf32, #tpu.memory_space<vmem>>[vector<16xi32>, vector<16xi32>], vector<16xf32>,
        %gather3A_117 = tpu.vector_load_idx %arg8[%broadcast_in_dim3A_9, %get3A_107] : memref<4x10000xf32, #tpu.memory_space<vmem>>[vector<16xi32>, vector<16xi32>], vector<16xf32>,
        %mul3A_118 = arith.mulf %gather3A_117, %get3A_111 : vector<16xf32>
        tpu.vector_store_idx %arg9[%broadcast_in_dim3A_9, %get3A_109], %mul3A_118 {add = true} : memref<4x10000xf32, #tpu.memory_space<vmem>>[vector<16xi32>, vector<16xi32>], vector<16xf32>,
        %mul3A_119 = arith.constant 2 : i32
        %mul3A_120 = arith.muli %scan3A_100, %mul3A_119 : i32
        %add3A_121 = arith.constant 1 : i32
        %add3A_122 = arith.addi %mul3A_120, %add3A_121 : i32
        %mul3A_123 = arith.constant 16 : i32
        %mul3A_124 = arith.muli %add3A_122, %mul3A_123 : i32
        %get3A_125 = arith.index_cast %mul3A_124 : i32 to index
        %get3A_126 = tpu.vector_load %arg10[%get3A_125] {strides = array<i32>} : memref<4000xi32, #tpu.memory_space<vmem>>, vector<16xi32>,
        %get3A_127 = arith.index_cast %mul3A_124 : i32 to index
        %get3A_128 = tpu.vector_load %arg11[%get3A_127] {strides = array<i32>} : memref<4000xi32, #tpu.memory_space<vmem>>, vector<16xi32>,
        %get3A_129 = arith.index_cast %mul3A_124 : i32 to index
        %get3A_130 = tpu.vector_load %arg12[%get3A_129] {strides = array<i32>} : memref<4000xf32, #tpu.memory_space<vmem>>, vector<16xf32>,
        %gather3A_131 = tpu.vector_load_idx %arg8[%broadcast_in_dim3A_3, %get3A_126] : memref<4x10000xf32, #tpu.memory_space<vmem>>[vector<16xi32>, vector<16xi32>], vector<16xf32>,
        %mul3A_132 = arith.mulf %gather3A_131, %get3A_130 : vector<16xf32>
        tpu.vector_store_idx %arg9[%broadcast_in_dim3A_3, %get3A_128], %mul3A_132 {add = true} : memref<4x10000xf32, #tpu.memory_space<vmem>>[vector<16xi32>, vector<16xi32>], vector<16xf32>,
        %gather3A_133 = tpu.vector_load_idx %arg8[%broadcast_in_dim3A_5, %get3A_126] : memref<4x10000xf32, #tpu.memory_space<vmem>>[vector<16xi32>, vector<16xi32>], vector<16xf32>,
        %mul3A_134 = arith.mulf %gather3A_133, %get3A_130 : vector<16xf32>
        tpu.vector_store_idx %arg9[%broadcast_in_dim3A_5, %get3A_128], %mul3A_134 {add = true} : memref<4x10000xf32, #tpu.memory_space<vmem>>[vector<16xi32>, vector<16xi32>], vector<16xf32>,
        %gather3A_135 = tpu.vector_load_idx %arg8[%broadcast_in_dim3A_7, %get3A_126] : memref<4x10000xf32, #tpu.memory_space<vmem>>[vector<16xi32>, vector<16xi32>], vector<16xf32>,
        %mul3A_136 = arith.mulf %gather3A_135, %get3A_130 : vector<16xf32>
        tpu.vector_store_idx %arg9[%broadcast_in_dim3A_7, %get3A_128], %mul3A_136 {add = true} : memref<4x10000xf32, #tpu.memory_space<vmem>>[vector<16xi32>, vector<16xi32>], vector<16xf32>,
        %gather3A_137 = tpu.vector_load_idx %arg8[%broadcast_in_dim3A_9, %get3A_126] : memref<4x10000xf32, #tpu.memory_space<vmem>>[vector<16xi32>, vector<16xi32>], vector<16xf32>,
        %mul3A_138 = arith.mulf %gather3A_137, %get3A_130 : vector<16xf32>
        tpu.vector_store_idx %arg9[%broadcast_in_dim3A_9, %get3A_128], %mul3A_138 {add = true} : memref<4x10000xf32, #tpu.memory_space<vmem>>[vector<16xi32>, vector<16xi32>], vector<16xf32>,
      }
      %scan3A_68 = arith.constant 125 : i32
      %dma_wait3A_69 = arith.constant 0 : i32
      %dma_wait3A_70 = tpu.memref_slice %arg4[%dma_wait3A_69] : memref<320000xi32, #tpu.memory_space<hbm>> -> memref<4000xi32, #tpu.memory_space<hbm>>
      %dma_wait3A_71 = arith.constant 0 : i32
      %dma_wait3A_72 = tpu.memref_slice %arg4[%dma_wait3A_71] : memref<320000xi32, #tpu.memory_space<hbm>> -> memref<4000xi32, #tpu.memory_space<hbm>>
      tpu.wait_dma2 semaphore(%arg17 : memref<!tpu.dma_semaphore, #tpu.memory_space<semaphore_mem>>) src(%dma_wait3A_72 : memref<4000xi32, #tpu.memory_space<hbm>>) dst(%arg13 : memref<4000xi32, #tpu.memory_space<vmem>>)
      %dma_wait3A_73 = arith.constant 0 : i32
      %dma_wait3A_74 = tpu.memref_slice %arg5[%dma_wait3A_73] : memref<320000xi32, #tpu.memory_space<hbm>> -> memref<4000xi32, #tpu.memory_space<hbm>>
      %dma_wait3A_75 = arith.constant 0 : i32
      %dma_wait3A_76 = tpu.memref_slice %arg5[%dma_wait3A_75] : memref<320000xi32, #tpu.memory_space<hbm>> -> memref<4000xi32, #tpu.memory_space<hbm>>
      tpu.wait_dma2 semaphore(%arg17 : memref<!tpu.dma_semaphore, #tpu.memory_space<semaphore_mem>>) src(%dma_wait3A_76 : memref<4000xi32, #tpu.memory_space<hbm>>) dst(%arg14 : memref<4000xi32, #tpu.memory_space<vmem>>)
      %dma_wait3A_77 = arith.constant 0 : i32
      %dma_wait3A_78 = tpu.memref_slice %arg6[%dma_wait3A_77] : memref<320000xf32, #tpu.memory_space<hbm>> -> memref<4000xf32, #tpu.memory_space<hbm>>
      %dma_wait3A_79 = arith.constant 0 : i32
      %dma_wait3A_80 = tpu.memref_slice %arg6[%dma_wait3A_79] : memref<320000xf32, #tpu.memory_space<hbm>> -> memref<4000xf32, #tpu.memory_space<hbm>>
      tpu.wait_dma2 semaphore(%arg17 : memref<!tpu.dma_semaphore, #tpu.memory_space<semaphore_mem>>) src(%dma_wait3A_80 : memref<4000xf32, #tpu.memory_space<hbm>>) dst(%arg15 : memref<4000xf32, #tpu.memory_space<vmem>>)
      %add3A_81 = arith.constant 2 : i32
      %add3A_82 = arith.addi %mul3A_37, %add3A_81 : i32
      %min3A_83 = arith.constant 79 : i32
      %min3A_84 = arith.minsi %add3A_82, %min3A_83 : i32
      %mul3A_85 = arith.constant 4000 : i32
      %mul3A_86 = arith.muli %min3A_84, %mul3A_85 : i32
      %multiple_of3A_87 = tpu.assume_multiple %mul3A_86, 8 : i32
      %dma_start3A_88 = tpu.memref_slice %arg4[%multiple_of3A_87] : memref<320000xi32, #tpu.memory_space<hbm>> -> memref<4000xi32, #tpu.memory_space<hbm>>
      %dma_start3A_89 = tpu.memref_slice %arg4[%multiple_of3A_87] : memref<320000xi32, #tpu.memory_space<hbm>> -> memref<4000xi32, #tpu.memory_space<hbm>>
      tpu.enqueue_dma source(%dma_start3A_89 : memref<4000xi32, #tpu.memory_space<hbm>>) target(%arg10 : memref<4000xi32, #tpu.memory_space<vmem>>) target_semaphore(%arg16 : memref<!tpu.dma_semaphore, #tpu.memory_space<semaphore_mem>>)
      %dma_start3A_90 = tpu.memref_slice %arg5[%multiple_of3A_87] : memref<320000xi32, #tpu.memory_space<hbm>> -> memref<4000xi32, #tpu.memory_space<hbm>>
      %dma_start3A_91 = tpu.memref_slice %arg5[%multiple_of3A_87] : memref<320000xi32, #tpu.memory_space<hbm>> -> memref<4000xi32, #tpu.memory_space<hbm>>
      tpu.enqueue_dma source(%dma_start3A_91 : memref<4000xi32, #tpu.memory_space<hbm>>) target(%arg11 : memref<4000xi32, #tpu.memory_space<vmem>>) target_semaphore(%arg16 : memref<!tpu.dma_semaphore, #tpu.memory_space<semaphore_mem>>)
      %dma_start3A_92 = tpu.memref_slice %arg6[%multiple_of3A_87] : memref<320000xf32, #tpu.memory_space<hbm>> -> memref<4000xf32, #tpu.memory_space<hbm>>
      %dma_start3A_93 = tpu.memref_slice %arg6[%multiple_of3A_87] : memref<320000xf32, #tpu.memory_space<hbm>> -> memref<4000xf32, #tpu.memory_space<hbm>>
      tpu.enqueue_dma source(%dma_start3A_93 : memref<4000xf32, #tpu.memory_space<hbm>>) target(%arg12 : memref<4000xf32, #tpu.memory_space<vmem>>) target_semaphore(%arg16 : memref<!tpu.dma_semaphore, #tpu.memory_space<semaphore_mem>>)
      %scan3A_94 = arith.constant 0 : i32
      %scan3A_95 = arith.constant 0 : i32
      %scan3A_96 = arith.constant 125 : i32
      %scan3A_97 = arith.addi %scan3A_95, %scan3A_96 : i32
      %scan3A_98 = arith.constant 1 : i32
      scf.for %scan3A_100 = %scan3A_95 to %scan3A_97 step %scan3A_98  : i32 {
        %mul3A_101 = arith.constant 2 : i32
        %mul3A_102 = arith.muli %scan3A_100, %mul3A_101 : i32
        %add3A_103 = arith.constant 0 : i32
        %add3A_104 = arith.addi %mul3A_102, %add3A_103 : i32
        %mul3A_105 = arith.constant 16 : i32
        %mul3A_106 = arith.muli %add3A_104, %mul3A_105 : i32
        %get3A = arith.index_cast %mul3A_106 : i32 to index
        %get3A_107 = tpu.vector_load %arg13[%get3A] {strides = array<i32>} : memref<4000xi32, #tpu.memory_space<vmem>>, vector<16xi32>,
        %get3A_108 = arith.index_cast %mul3A_106 : i32 to index
        %get3A_109 = tpu.vector_load %arg14[%get3A_108] {strides = array<i32>} : memref<4000xi32, #tpu.memory_space<vmem>>, vector<16xi32>,
        %get3A_110 = arith.index_cast %mul3A_106 : i32 to index
        %get3A_111 = tpu.vector_load %arg15[%get3A_110] {strides = array<i32>} : memref<4000xf32, #tpu.memory_space<vmem>>, vector<16xf32>,
        %gather3A = tpu.vector_load_idx %arg8[%broadcast_in_dim3A_3, %get3A_107] : memref<4x10000xf32, #tpu.memory_space<vmem>>[vector<16xi32>, vector<16xi32>], vector<16xf32>,
        %mul3A_112 = arith.mulf %gather3A, %get3A_111 : vector<16xf32>
        tpu.vector_store_idx %arg9[%broadcast_in_dim3A_3, %get3A_109], %mul3A_112 {add = true} : memref<4x10000xf32, #tpu.memory_space<vmem>>[vector<16xi32>, vector<16xi32>], vector<16xf32>,
        %gather3A_113 = tpu.vector_load_idx %arg8[%broadcast_in_dim3A_5, %get3A_107] : memref<4x10000xf32, #tpu.memory_space<vmem>>[vector<16xi32>, vector<16xi32>], vector<16xf32>,
        %mul3A_114 = arith.mulf %gather3A_113, %get3A_111 : vector<16xf32>
        tpu.vector_store_idx %arg9[%broadcast_in_dim3A_5, %get3A_109], %mul3A_114 {add = true} : memref<4x10000xf32, #tpu.memory_space<vmem>>[vector<16xi32>, vector<16xi32>], vector<16xf32>,
        %gather3A_115 = tpu.vector_load_idx %arg8[%broadcast_in_dim3A_7, %get3A_107] : memref<4x10000xf32, #tpu.memory_space<vmem>>[vector<16xi32>, vector<16xi32>], vector<16xf32>,
        %mul3A_116 = arith.mulf %gather3A_115, %get3A_111 : vector<16xf32>
        tpu.vector_store_idx %arg9[%broadcast_in_dim3A_7, %get3A_109], %mul3A_116 {add = true} : memref<4x10000xf32, #tpu.memory_space<vmem>>[vector<16xi32>, vector<16xi32>], vector<16xf32>,
        %gather3A_117 = tpu.vector_load_idx %arg8[%broadcast_in_dim3A_9, %get3A_107] : memref<4x10000xf32, #tpu.memory_space<vmem>>[vector<16xi32>, vector<16xi32>], vector<16xf32>,
        %mul3A_118 = arith.mulf %gather3A_117, %get3A_111 : vector<16xf32>
        tpu.vector_store_idx %arg9[%broadcast_in_dim3A_9, %get3A_109], %mul3A_118 {add = true} : memref<4x10000xf32, #tpu.memory_space<vmem>>[vector<16xi32>, vector<16xi32>], vector<16xf32>,
        %mul3A_119 = arith.constant 2 : i32
        %mul3A_120 = arith.muli %scan3A_100, %mul3A_119 : i32
        %add3A_121 = arith.constant 1 : i32
        %add3A_122 = arith.addi %mul3A_120, %add3A_121 : i32
        %mul3A_123 = arith.constant 16 : i32
        %mul3A_124 = arith.muli %add3A_122, %mul3A_123 : i32
        %get3A_125 = arith.index_cast %mul3A_124 : i32 to index
        %get3A_126 = tpu.vector_load %arg13[%get3A_125] {strides = array<i32>} : memref<4000xi32, #tpu.memory_space<vmem>>, vector<16xi32>,
        %get3A_127 = arith.index_cast %mul3A_124 : i32 to index
        %get3A_128 = tpu.vector_load %arg14[%get3A_127] {strides = array<i32>} : memref<4000xi32, #tpu.memory_space<vmem>>, vector<16xi32>,
        %get3A_129 = arith.index_cast %mul3A_124 : i32 to index
        %get3A_130 = tpu.vector_load %arg15[%get3A_129] {strides = array<i32>} : memref<4000xf32, #tpu.memory_space<vmem>>, vector<16xf32>,
        %gather3A_131 = tpu.vector_load_idx %arg8[%broadcast_in_dim3A_3, %get3A_126] : memref<4x10000xf32, #tpu.memory_space<vmem>>[vector<16xi32>, vector<16xi32>], vector<16xf32>,
        %mul3A_132 = arith.mulf %gather3A_131, %get3A_130 : vector<16xf32>
        tpu.vector_store_idx %arg9[%broadcast_in_dim3A_3, %get3A_128], %mul3A_132 {add = true} : memref<4x10000xf32, #tpu.memory_space<vmem>>[vector<16xi32>, vector<16xi32>], vector<16xf32>,
        %gather3A_133 = tpu.vector_load_idx %arg8[%broadcast_in_dim3A_5, %get3A_126] : memref<4x10000xf32, #tpu.memory_space<vmem>>[vector<16xi32>, vector<16xi32>], vector<16xf32>,
        %mul3A_134 = arith.mulf %gather3A_133, %get3A_130 : vector<16xf32>
        tpu.vector_store_idx %arg9[%broadcast_in_dim3A_5, %get3A_128], %mul3A_134 {add = true} : memref<4x10000xf32, #tpu.memory_space<vmem>>[vector<16xi32>, vector<16xi32>], vector<16xf32>,
        %gather3A_135 = tpu.vector_load_idx %arg8[%broadcast_in_dim3A_7, %get3A_126] : memref<4x10000xf32, #tpu.memory_space<vmem>>[vector<16xi32>, vector<16xi32>], vector<16xf32>,
        %mul3A_136 = arith.mulf %gather3A_135, %get3A_130 : vector<16xf32>
        tpu.vector_store_idx %arg9[%broadcast_in_dim3A_7, %get3A_128], %mul3A_136 {add = true} : memref<4x10000xf32, #tpu.memory_space<vmem>>[vector<16xi32>, vector<16xi32>], vector<16xf32>,
        %gather3A_137 = tpu.vector_load_idx %arg8[%broadcast_in_dim3A_9, %get3A_126] : memref<4x10000xf32, #tpu.memory_space<vmem>>[vector<16xi32>, vector<16xi32>], vector<16xf32>,
        %mul3A_138 = arith.mulf %gather3A_137, %get3A_130 : vector<16xf32>
        tpu.vector_store_idx %arg9[%broadcast_in_dim3A_9, %get3A_128], %mul3A_138 {add = true} : memref<4x10000xf32, #tpu.memory_space<vmem>>[vector<16xi32>, vector<16xi32>], vector<16xf32>,
      }
      %scan3A_99 = arith.constant 125 : i32
    }
    %scan3A_23 = arith.constant 40 : i32
    %dma_wait3A = arith.constant 0 : i32
    %dma_wait3A_24 = tpu.memref_slice %arg4[%dma_wait3A] : memref<320000xi32, #tpu.memory_space<hbm>> -> memref<4000xi32, #tpu.memory_space<hbm>>
    %dma_wait3A_25 = arith.constant 0 : i32
    %dma_wait3A_26 = tpu.memref_slice %arg4[%dma_wait3A_25] : memref<320000xi32, #tpu.memory_space<hbm>> -> memref<4000xi32, #tpu.memory_space<hbm>>
    tpu.wait_dma2 semaphore(%arg16 : memref<!tpu.dma_semaphore, #tpu.memory_space<semaphore_mem>>) src(%dma_wait3A_26 : memref<4000xi32, #tpu.memory_space<hbm>>) dst(%arg10 : memref<4000xi32, #tpu.memory_space<vmem>>)
    %dma_wait3A_27 = arith.constant 0 : i32
    %dma_wait3A_28 = tpu.memref_slice %arg5[%dma_wait3A_27] : memref<320000xi32, #tpu.memory_space<hbm>> -> memref<4000xi32, #tpu.memory_space<hbm>>
    %dma_wait3A_29 = arith.constant 0 : i32
    %dma_wait3A_30 = tpu.memref_slice %arg5[%dma_wait3A_29] : memref<320000xi32, #tpu.memory_space<hbm>> -> memref<4000xi32, #tpu.memory_space<hbm>>
    tpu.wait_dma2 semaphore(%arg16 : memref<!tpu.dma_semaphore, #tpu.memory_space<semaphore_mem>>) src(%dma_wait3A_30 : memref<4000xi32, #tpu.memory_space<hbm>>) dst(%arg11 : memref<4000xi32, #tpu.memory_space<vmem>>)
    %dma_wait3A_31 = arith.constant 0 : i32
    %dma_wait3A_32 = tpu.memref_slice %arg6[%dma_wait3A_31] : memref<320000xf32, #tpu.memory_space<hbm>> -> memref<4000xf32, #tpu.memory_space<hbm>>
    %dma_wait3A_33 = arith.constant 0 : i32
    %dma_wait3A_34 = tpu.memref_slice %arg6[%dma_wait3A_33] : memref<320000xf32, #tpu.memory_space<hbm>> -> memref<4000xf32, #tpu.memory_space<hbm>>
    tpu.wait_dma2 semaphore(%arg16 : memref<!tpu.dma_semaphore, #tpu.memory_space<semaphore_mem>>) src(%dma_wait3A_34 : memref<4000xf32, #tpu.memory_space<hbm>>) dst(%arg12 : memref<4000xf32, #tpu.memory_space<vmem>>)
    "tpu.region"() ({
      %run_scoped3A = tpu.sem_alloc : memref<!tpu.dma_semaphore, #tpu.memory_space<semaphore_mem>>
      %dma_start3A_35 = arith.constant 0 : i32
      %dma_start3A_36 = tpu.memref_slice %arg7[%mul3A_2, %dma_start3A_35] : memref<128x10000xf32, #tpu.memory_space<hbm>> -> memref<4x10000xf32, #tpu.memory_space<hbm>>
      %dma_start3A_37 = arith.constant 0 : i32
      %dma_start3A_38 = tpu.memref_slice %arg7[%mul3A_2, %dma_start3A_37] : memref<128x10000xf32, #tpu.memory_space<hbm>> -> memref<4x10000xf32, #tpu.memory_space<hbm>>
      tpu.enqueue_dma source(%arg9 : memref<4x10000xf32, #tpu.memory_space<vmem>>) target(%dma_start3A_38 : memref<4x10000xf32, #tpu.memory_space<hbm>>) target_semaphore(%run_scoped3A : memref<!tpu.dma_semaphore, #tpu.memory_space<semaphore_mem>>)
      %dma_wait3A_39 = arith.constant 0 : i32
      %dma_wait3A_40 = tpu.memref_slice %arg7[%mul3A_2, %dma_wait3A_39] : memref<128x10000xf32, #tpu.memory_space<hbm>> -> memref<4x10000xf32, #tpu.memory_space<hbm>>
      %dma_wait3A_41 = arith.constant 0 : i32
      %dma_wait3A_42 = tpu.memref_slice %arg7[%mul3A_2, %dma_wait3A_41] : memref<128x10000xf32, #tpu.memory_space<hbm>> -> memref<4x10000xf32, #tpu.memory_space<hbm>>
      tpu.wait_dma2 semaphore(%run_scoped3A : memref<!tpu.dma_semaphore, #tpu.memory_space<semaphore_mem>>) src(%arg9 : memref<4x10000xf32, #tpu.memory_space<vmem>>) dst(%dma_wait3A_42 : memref<4x10000xf32, #tpu.memory_space<hbm>>)
      tpu.yield
    }) : () -> ()
    return
  }
}

#map = affine_map<(d0, d1) -> (0)>
module attributes {stable_mosaic.version = 14 : i64} {
  func.func @_norm_kernel(%arg0: i32, %arg1: i32, %arg2: memref<320000xi32, #tpu.memory_space<hbm>>, %arg3: memref<320000xi32, #tpu.memory_space<hbm>>, %arg4: memref<320000xf32, #tpu.memory_space<hbm>>, %arg5: memref<10000xf32, #tpu.memory_space<hbm>>, %arg6: memref<320000xf32, #tpu.memory_space<hbm>>, %arg7: memref<10000xi32, #tpu.memory_space<vmem>>, %arg8: memref<10000xi32, #tpu.memory_space<vmem>>, %arg9: memref<10000xf32, #tpu.memory_space<vmem>>, %arg10: memref<10000xf32, #tpu.memory_space<vmem>>, %arg11: memref<10000xf32, #tpu.memory_space<vmem>>) attributes {dimension_semantics = [#tpu.dimension_semantics<core_parallel>, #tpu.dimension_semantics<subcore_parallel>], iteration_bounds = array<i64: 2, 16>, scalar_prefetch = 0 : i64, scratch_operands = 5 : i64, tpu.core_type = #tpu.core_type<sc_vector_subcore>, window_params = [{transform_indices = #map}, {transform_indices = #map}, {transform_indices = #map}, {transform_indices = #map}, {transform_indices = #map}]} {
    %mul3A = arith.constant 2 : i32
    %mul3A_0 = arith.muli %arg1, %mul3A : i32
    %add3A = arith.addi %mul3A_0, %arg0 : i32
    %mul3A_1 = arith.constant 10000 : i32
    %mul3A_2 = arith.muli %add3A, %mul3A_1 : i32
    "tpu.region"() ({
      %run_scoped3A = tpu.sem_alloc : memref<!tpu.dma_semaphore, #tpu.memory_space<semaphore_mem>>
      %dma_start3A = tpu.memref_slice %arg2[%mul3A_2] : memref<320000xi32, #tpu.memory_space<hbm>> -> memref<10000xi32, #tpu.memory_space<hbm>>
      %dma_start3A_8 = tpu.memref_slice %arg2[%mul3A_2] : memref<320000xi32, #tpu.memory_space<hbm>> -> memref<10000xi32, #tpu.memory_space<hbm>>
      tpu.enqueue_dma source(%dma_start3A_8 : memref<10000xi32, #tpu.memory_space<hbm>>) target(%arg7 : memref<10000xi32, #tpu.memory_space<vmem>>) target_semaphore(%run_scoped3A : memref<!tpu.dma_semaphore, #tpu.memory_space<semaphore_mem>>)
      %dma_wait3A = tpu.memref_slice %arg2[%mul3A_2] : memref<320000xi32, #tpu.memory_space<hbm>> -> memref<10000xi32, #tpu.memory_space<hbm>>
      %dma_wait3A_9 = tpu.memref_slice %arg2[%mul3A_2] : memref<320000xi32, #tpu.memory_space<hbm>> -> memref<10000xi32, #tpu.memory_space<hbm>>
      tpu.wait_dma2 semaphore(%run_scoped3A : memref<!tpu.dma_semaphore, #tpu.memory_space<semaphore_mem>>) src(%dma_wait3A_9 : memref<10000xi32, #tpu.memory_space<hbm>>) dst(%arg7 : memref<10000xi32, #tpu.memory_space<vmem>>)
      tpu.yield
    }) : () -> ()
    "tpu.region"() ({
      %run_scoped3A = tpu.sem_alloc : memref<!tpu.dma_semaphore, #tpu.memory_space<semaphore_mem>>
      %dma_start3A = tpu.memref_slice %arg3[%mul3A_2] : memref<320000xi32, #tpu.memory_space<hbm>> -> memref<10000xi32, #tpu.memory_space<hbm>>
      %dma_start3A_8 = tpu.memref_slice %arg3[%mul3A_2] : memref<320000xi32, #tpu.memory_space<hbm>> -> memref<10000xi32, #tpu.memory_space<hbm>>
      tpu.enqueue_dma source(%dma_start3A_8 : memref<10000xi32, #tpu.memory_space<hbm>>) target(%arg8 : memref<10000xi32, #tpu.memory_space<vmem>>) target_semaphore(%run_scoped3A : memref<!tpu.dma_semaphore, #tpu.memory_space<semaphore_mem>>)
      %dma_wait3A = tpu.memref_slice %arg3[%mul3A_2] : memref<320000xi32, #tpu.memory_space<hbm>> -> memref<10000xi32, #tpu.memory_space<hbm>>
      %dma_wait3A_9 = tpu.memref_slice %arg3[%mul3A_2] : memref<320000xi32, #tpu.memory_space<hbm>> -> memref<10000xi32, #tpu.memory_space<hbm>>
      tpu.wait_dma2 semaphore(%run_scoped3A : memref<!tpu.dma_semaphore, #tpu.memory_space<semaphore_mem>>) src(%dma_wait3A_9 : memref<10000xi32, #tpu.memory_space<hbm>>) dst(%arg8 : memref<10000xi32, #tpu.memory_space<vmem>>)
      tpu.yield
    }) : () -> ()
    "tpu.region"() ({
      %run_scoped3A = tpu.sem_alloc : memref<!tpu.dma_semaphore, #tpu.memory_space<semaphore_mem>>
      %dma_start3A = tpu.memref_slice %arg4[%mul3A_2] : memref<320000xf32, #tpu.memory_space<hbm>> -> memref<10000xf32, #tpu.memory_space<hbm>>
      %dma_start3A_8 = tpu.memref_slice %arg4[%mul3A_2] : memref<320000xf32, #tpu.memory_space<hbm>> -> memref<10000xf32, #tpu.memory_space<hbm>>
      tpu.enqueue_dma source(%dma_start3A_8 : memref<10000xf32, #tpu.memory_space<hbm>>) target(%arg9 : memref<10000xf32, #tpu.memory_space<vmem>>) target_semaphore(%run_scoped3A : memref<!tpu.dma_semaphore, #tpu.memory_space<semaphore_mem>>)
      %dma_wait3A = tpu.memref_slice %arg4[%mul3A_2] : memref<320000xf32, #tpu.memory_space<hbm>> -> memref<10000xf32, #tpu.memory_space<hbm>>
      %dma_wait3A_9 = tpu.memref_slice %arg4[%mul3A_2] : memref<320000xf32, #tpu.memory_space<hbm>> -> memref<10000xf32, #tpu.memory_space<hbm>>
      tpu.wait_dma2 semaphore(%run_scoped3A : memref<!tpu.dma_semaphore, #tpu.memory_space<semaphore_mem>>) src(%dma_wait3A_9 : memref<10000xf32, #tpu.memory_space<hbm>>) dst(%arg9 : memref<10000xf32, #tpu.memory_space<vmem>>)
      tpu.yield
    }) : () -> ()
    "tpu.region"() ({
      %run_scoped3A = tpu.sem_alloc : memref<!tpu.dma_semaphore, #tpu.memory_space<semaphore_mem>>
      tpu.enqueue_dma source(%arg5 : memref<10000xf32, #tpu.memory_space<hbm>>) target(%arg11 : memref<10000xf32, #tpu.memory_space<vmem>>) target_semaphore(%run_scoped3A : memref<!tpu.dma_semaphore, #tpu.memory_space<semaphore_mem>>)
      tpu.wait_dma2 semaphore(%run_scoped3A : memref<!tpu.dma_semaphore, #tpu.memory_space<semaphore_mem>>) src(%arg5 : memref<10000xf32, #tpu.memory_space<hbm>>) dst(%arg11 : memref<10000xf32, #tpu.memory_space<vmem>>)
      tpu.yield
    }) : () -> ()
    %scan3A = arith.constant 0 : i32
    %scan3A_3 = arith.constant 0 : i32
    %scan3A_4 = arith.constant 625 : i32
    %scan3A_5 = arith.addi %scan3A_3, %scan3A_4 : i32
    %scan3A_6 = arith.constant 1 : i32
    scf.for %scan3A_8 = %scan3A_3 to %scan3A_5 step %scan3A_6  : i32 {
      %mul3A_9 = arith.constant 16 : i32
      %mul3A_10 = arith.muli %scan3A_8, %mul3A_9 : i32
      %get3A = arith.index_cast %mul3A_10 : i32 to index
      %get3A_11 = tpu.vector_load %arg7[%get3A] {strides = array<i32>} : memref<10000xi32, #tpu.memory_space<vmem>>, vector<16xi32>,
      %get3A_12 = arith.index_cast %mul3A_10 : i32 to index
      %get3A_13 = tpu.vector_load %arg8[%get3A_12] {strides = array<i32>} : memref<10000xi32, #tpu.memory_space<vmem>>, vector<16xi32>,
      %get3A_14 = arith.index_cast %mul3A_10 : i32 to index
      %get3A_15 = tpu.vector_load %arg9[%get3A_14] {strides = array<i32>} : memref<10000xf32, #tpu.memory_space<vmem>>, vector<16xf32>,
      %gather3A = tpu.vector_load_idx %arg11[%get3A_11] : memref<10000xf32, #tpu.memory_space<vmem>>[vector<16xi32>], vector<16xf32>,
      %gather3A_16 = tpu.vector_load_idx %arg11[%get3A_13] : memref<10000xf32, #tpu.memory_space<vmem>>[vector<16xi32>], vector<16xf32>,
      %mul3A_17 = arith.mulf %gather3A, %get3A_15 : vector<16xf32>
      %mul3A_18 = arith.mulf %mul3A_17, %gather3A_16 : vector<16xf32>
      %swap3A = arith.index_cast %mul3A_10 : i32 to index
      %swap3A_19 = tpu.vector_load %arg10[%swap3A] {strides = array<i32>} : memref<10000xf32, #tpu.memory_space<vmem>>, vector<16xf32>,
      tpu.vector_store %arg10[%swap3A], %mul3A_18 {strides = array<i32>} : memref<10000xf32, #tpu.memory_space<vmem>>, vector<16xf32>,
    }
    %scan3A_7 = arith.constant 625 : i32
    "tpu.region"() ({
      %run_scoped3A = tpu.sem_alloc : memref<!tpu.dma_semaphore, #tpu.memory_space<semaphore_mem>>
      %dma_start3A = tpu.memref_slice %arg6[%mul3A_2] : memref<320000xf32, #tpu.memory_space<hbm>> -> memref<10000xf32, #tpu.memory_space<hbm>>
      %dma_start3A_8 = tpu.memref_slice %arg6[%mul3A_2] : memref<320000xf32, #tpu.memory_space<hbm>> -> memref<10000xf32, #tpu.memory_space<hbm>>
      tpu.enqueue_dma source(%arg10 : memref<10000xf32, #tpu.memory_space<vmem>>) target(%dma_start3A_8 : memref<10000xf32, #tpu.memory_space<hbm>>) target_semaphore(%run_scoped3A : memref<!tpu.dma_semaphore, #tpu.memory_space<semaphore_mem>>)
      %dma_wait3A = tpu.memref_slice %arg6[%mul3A_2] : memref<320000xf32, #tpu.memory_space<hbm>> -> memref<10000xf32, #tpu.memory_space<hbm>>
      %dma_wait3A_9 = tpu.memref_slice %arg6[%mul3A_2] : memref<320000xf32, #tpu.memory_space<hbm>> -> memref<10000xf32, #tpu.memory_space<hbm>>
      tpu.wait_dma2 semaphore(%run_scoped3A : memref<!tpu.dma_semaphore, #tpu.memory_space<semaphore_mem>>) src(%arg10 : memref<10000xf32, #tpu.memory_space<vmem>>) dst(%dma_wait3A_9 : memref<10000xf32, #tpu.memory_space<hbm>>)
      tpu.yield
    }) : () -> ()
    return
  }
}

#map = affine_map<(d0, d1) -> (0, 0)>
#map1 = affine_map<(d0, d1) -> (0)>
module attributes {stable_mosaic.version = 14 : i64} {
  func.func @_msgpass_kernel(%arg0: i32, %arg1: i32, %arg2: memref<128x10000xf32, #tpu.memory_space<hbm>>, %arg3: memref<128x10000xf32, #tpu.memory_space<hbm>>, %arg4: memref<320000xi32, #tpu.memory_space<hbm>>, %arg5: memref<320000xi32, #tpu.memory_space<hbm>>, %arg6: memref<320000xf32, #tpu.memory_space<hbm>>, %arg7: memref<128x10000xf32, #tpu.memory_space<hbm>>, %arg8: memref<4x10000xf32, #tpu.memory_space<vmem>>, %arg9: memref<4x10000xf32, #tpu.memory_space<vmem>>, %arg10: memref<4000xi32, #tpu.memory_space<vmem>>, %arg11: memref<4000xi32, #tpu.memory_space<vmem>>, %arg12: memref<4000xf32, #tpu.memory_space<vmem>>, %arg13: memref<4000xi32, #tpu.memory_space<vmem>>, %arg14: memref<4000xi32, #tpu.memory_space<vmem>>, %arg15: memref<4000xf32, #tpu.memory_space<vmem>>, %arg16: memref<!tpu.dma_semaphore, #tpu.memory_space<semaphore_mem>>, %arg17: memref<!tpu.dma_semaphore, #tpu.memory_space<semaphore_mem>>) attributes {dimension_semantics = [#tpu.dimension_semantics<core_parallel>, #tpu.dimension_semantics<subcore_parallel>], iteration_bounds = array<i64: 2, 16>, scalar_prefetch = 0 : i64, scratch_operands = 10 : i64, tpu.core_type = #tpu.core_type<sc_vector_subcore>, window_params = [{transform_indices = #map}, {transform_indices = #map}, {transform_indices = #map1}, {transform_indices = #map1}, {transform_indices = #map1}, {transform_indices = #map}]} {
    %mul3A = arith.constant 2 : i32
    %mul3A_0 = arith.muli %arg1, %mul3A : i32
    %add3A = arith.addi %mul3A_0, %arg0 : i32
    %mul3A_1 = arith.constant 4 : i32
    %mul3A_2 = arith.muli %add3A, %mul3A_1 : i32
    "tpu.region"() ({
      %run_scoped3A = tpu.sem_alloc : memref<!tpu.dma_semaphore, #tpu.memory_space<semaphore_mem>>
      %dma_start3A_35 = arith.constant 0 : i32
      %dma_start3A_36 = tpu.memref_slice %arg2[%mul3A_2, %dma_start3A_35] : memref<128x10000xf32, #tpu.memory_space<hbm>> -> memref<4x10000xf32, #tpu.memory_space<hbm>>
      %dma_start3A_37 = arith.constant 0 : i32
      %dma_start3A_38 = tpu.memref_slice %arg2[%mul3A_2, %dma_start3A_37] : memref<128x10000xf32, #tpu.memory_space<hbm>> -> memref<4x10000xf32, #tpu.memory_space<hbm>>
      tpu.enqueue_dma source(%dma_start3A_38 : memref<4x10000xf32, #tpu.memory_space<hbm>>) target(%arg8 : memref<4x10000xf32, #tpu.memory_space<vmem>>) target_semaphore(%run_scoped3A : memref<!tpu.dma_semaphore, #tpu.memory_space<semaphore_mem>>)
      %dma_wait3A_39 = arith.constant 0 : i32
      %dma_wait3A_40 = tpu.memref_slice %arg2[%mul3A_2, %dma_wait3A_39] : memref<128x10000xf32, #tpu.memory_space<hbm>> -> memref<4x10000xf32, #tpu.memory_space<hbm>>
      %dma_wait3A_41 = arith.constant 0 : i32
      %dma_wait3A_42 = tpu.memref_slice %arg2[%mul3A_2, %dma_wait3A_41] : memref<128x10000xf32, #tpu.memory_space<hbm>> -> memref<4x10000xf32, #tpu.memory_space<hbm>>
      tpu.wait_dma2 semaphore(%run_scoped3A : memref<!tpu.dma_semaphore, #tpu.memory_space<semaphore_mem>>) src(%dma_wait3A_42 : memref<4x10000xf32, #tpu.memory_space<hbm>>) dst(%arg8 : memref<4x10000xf32, #tpu.memory_space<vmem>>)
      tpu.yield
    }) : () -> ()
    "tpu.region"() ({
      %run_scoped3A = tpu.sem_alloc : memref<!tpu.dma_semaphore, #tpu.memory_space<semaphore_mem>>
      %dma_start3A_35 = arith.constant 0 : i32
      %dma_start3A_36 = tpu.memref_slice %arg3[%mul3A_2, %dma_start3A_35] : memref<128x10000xf32, #tpu.memory_space<hbm>> -> memref<4x10000xf32, #tpu.memory_space<hbm>>
      %dma_start3A_37 = arith.constant 0 : i32
      %dma_start3A_38 = tpu.memref_slice %arg3[%mul3A_2, %dma_start3A_37] : memref<128x10000xf32, #tpu.memory_space<hbm>> -> memref<4x10000xf32, #tpu.memory_space<hbm>>
      tpu.enqueue_dma source(%dma_start3A_38 : memref<4x10000xf32, #tpu.memory_space<hbm>>) target(%arg9 : memref<4x10000xf32, #tpu.memory_space<vmem>>) target_semaphore(%run_scoped3A : memref<!tpu.dma_semaphore, #tpu.memory_space<semaphore_mem>>)
      %dma_wait3A_39 = arith.constant 0 : i32
      %dma_wait3A_40 = tpu.memref_slice %arg3[%mul3A_2, %dma_wait3A_39] : memref<128x10000xf32, #tpu.memory_space<hbm>> -> memref<4x10000xf32, #tpu.memory_space<hbm>>
      %dma_wait3A_41 = arith.constant 0 : i32
      %dma_wait3A_42 = tpu.memref_slice %arg3[%mul3A_2, %dma_wait3A_41] : memref<128x10000xf32, #tpu.memory_space<hbm>> -> memref<4x10000xf32, #tpu.memory_space<hbm>>
      tpu.wait_dma2 semaphore(%run_scoped3A : memref<!tpu.dma_semaphore, #tpu.memory_space<semaphore_mem>>) src(%dma_wait3A_42 : memref<4x10000xf32, #tpu.memory_space<hbm>>) dst(%arg9 : memref<4x10000xf32, #tpu.memory_space<vmem>>)
      tpu.yield
    }) : () -> ()
    %broadcast_in_dim3A = arith.constant 0 : i32
    %broadcast_in_dim3A_3 = vector.broadcast %broadcast_in_dim3A : i32 to vector<16xi32>
    %broadcast_in_dim3A_4 = arith.constant 1 : i32
    %broadcast_in_dim3A_5 = vector.broadcast %broadcast_in_dim3A_4 : i32 to vector<16xi32>
    %broadcast_in_dim3A_6 = arith.constant 2 : i32
    %broadcast_in_dim3A_7 = vector.broadcast %broadcast_in_dim3A_6 : i32 to vector<16xi32>
    %broadcast_in_dim3A_8 = arith.constant 3 : i32
    %broadcast_in_dim3A_9 = vector.broadcast %broadcast_in_dim3A_8 : i32 to vector<16xi32>
    %min3A = arith.constant 0 : i32
    %min3A_10 = arith.constant 79 : i32
    %min3A_11 = arith.minsi %min3A, %min3A_10 : i32
    %mul3A_12 = arith.constant 4000 : i32
    %mul3A_13 = arith.muli %min3A_11, %mul3A_12 : i32
    %multiple_of3A = tpu.assume_multiple %mul3A_13, 8 : i32
    %dma_start3A = tpu.memref_slice %arg4[%multiple_of3A] : memref<320000xi32, #tpu.memory_space<hbm>> -> memref<4000xi32, #tpu.memory_space<hbm>>
    %dma_start3A_14 = tpu.memref_slice %arg4[%multiple_of3A] : memref<320000xi32, #tpu.memory_space<hbm>> -> memref<4000xi32, #tpu.memory_space<hbm>>
    tpu.enqueue_dma source(%dma_start3A_14 : memref<4000xi32, #tpu.memory_space<hbm>>) target(%arg10 : memref<4000xi32, #tpu.memory_space<vmem>>) target_semaphore(%arg16 : memref<!tpu.dma_semaphore, #tpu.memory_space<semaphore_mem>>)
    %dma_start3A_15 = tpu.memref_slice %arg5[%multiple_of3A] : memref<320000xi32, #tpu.memory_space<hbm>> -> memref<4000xi32, #tpu.memory_space<hbm>>
    %dma_start3A_16 = tpu.memref_slice %arg5[%multiple_of3A] : memref<320000xi32, #tpu.memory_space<hbm>> -> memref<4000xi32, #tpu.memory_space<hbm>>
    tpu.enqueue_dma source(%dma_start3A_16 : memref<4000xi32, #tpu.memory_space<hbm>>) target(%arg11 : memref<4000xi32, #tpu.memory_space<vmem>>) target_semaphore(%arg16 : memref<!tpu.dma_semaphore, #tpu.memory_space<semaphore_mem>>)
    %dma_start3A_17 = tpu.memref_slice %arg6[%multiple_of3A] : memref<320000xf32, #tpu.memory_space<hbm>> -> memref<4000xf32, #tpu.memory_space<hbm>>
    %dma_start3A_18 = tpu.memref_slice %arg6[%multiple_of3A] : memref<320000xf32, #tpu.memory_space<hbm>> -> memref<4000xf32, #tpu.memory_space<hbm>>
    tpu.enqueue_dma source(%dma_start3A_18 : memref<4000xf32, #tpu.memory_space<hbm>>) target(%arg12 : memref<4000xf32, #tpu.memory_space<vmem>>) target_semaphore(%arg16 : memref<!tpu.dma_semaphore, #tpu.memory_space<semaphore_mem>>)
    %scan3A = arith.constant 0 : i32
    %scan3A_19 = arith.constant 0 : i32
    %scan3A_20 = arith.constant 40 : i32
    %scan3A_21 = arith.addi %scan3A_19, %scan3A_20 : i32
    %scan3A_22 = arith.constant 1 : i32
    scf.for %scan3A_35 = %scan3A_19 to %scan3A_21 step %scan3A_22  : i32 {
      %mul3A_36 = arith.constant 2 : i32
      %mul3A_37 = arith.muli %scan3A_35, %mul3A_36 : i32
      %dma_wait3A_38 = arith.constant 0 : i32
      %dma_wait3A_39 = tpu.memref_slice %arg4[%dma_wait3A_38] : memref<320000xi32, #tpu.memory_space<hbm>> -> memref<4000xi32, #tpu.memory_space<hbm>>
      %dma_wait3A_40 = arith.constant 0 : i32
      %dma_wait3A_41 = tpu.memref_slice %arg4[%dma_wait3A_40] : memref<320000xi32, #tpu.memory_space<hbm>> -> memref<4000xi32, #tpu.memory_space<hbm>>
      tpu.wait_dma2 semaphore(%arg16 : memref<!tpu.dma_semaphore, #tpu.memory_space<semaphore_mem>>) src(%dma_wait3A_41 : memref<4000xi32, #tpu.memory_space<hbm>>) dst(%arg10 : memref<4000xi32, #tpu.memory_space<vmem>>)
      %dma_wait3A_42 = arith.constant 0 : i32
      %dma_wait3A_43 = tpu.memref_slice %arg5[%dma_wait3A_42] : memref<320000xi32, #tpu.memory_space<hbm>> -> memref<4000xi32, #tpu.memory_space<hbm>>
      %dma_wait3A_44 = arith.constant 0 : i32
      %dma_wait3A_45 = tpu.memref_slice %arg5[%dma_wait3A_44] : memref<320000xi32, #tpu.memory_space<hbm>> -> memref<4000xi32, #tpu.memory_space<hbm>>
      tpu.wait_dma2 semaphore(%arg16 : memref<!tpu.dma_semaphore, #tpu.memory_space<semaphore_mem>>) src(%dma_wait3A_45 : memref<4000xi32, #tpu.memory_space<hbm>>) dst(%arg11 : memref<4000xi32, #tpu.memory_space<vmem>>)
      %dma_wait3A_46 = arith.constant 0 : i32
      %dma_wait3A_47 = tpu.memref_slice %arg6[%dma_wait3A_46] : memref<320000xf32, #tpu.memory_space<hbm>> -> memref<4000xf32, #tpu.memory_space<hbm>>
      %dma_wait3A_48 = arith.constant 0 : i32
      %dma_wait3A_49 = tpu.memref_slice %arg6[%dma_wait3A_48] : memref<320000xf32, #tpu.memory_space<hbm>> -> memref<4000xf32, #tpu.memory_space<hbm>>
      tpu.wait_dma2 semaphore(%arg16 : memref<!tpu.dma_semaphore, #tpu.memory_space<semaphore_mem>>) src(%dma_wait3A_49 : memref<4000xf32, #tpu.memory_space<hbm>>) dst(%arg12 : memref<4000xf32, #tpu.memory_space<vmem>>)
      %add3A_50 = arith.constant 1 : i32
      %add3A_51 = arith.addi %mul3A_37, %add3A_50 : i32
      %min3A_52 = arith.constant 79 : i32
      %min3A_53 = arith.minsi %add3A_51, %min3A_52 : i32
      %mul3A_54 = arith.constant 4000 : i32
      %mul3A_55 = arith.muli %min3A_53, %mul3A_54 : i32
      %multiple_of3A_56 = tpu.assume_multiple %mul3A_55, 8 : i32
      %dma_start3A_57 = tpu.memref_slice %arg4[%multiple_of3A_56] : memref<320000xi32, #tpu.memory_space<hbm>> -> memref<4000xi32, #tpu.memory_space<hbm>>
      %dma_start3A_58 = tpu.memref_slice %arg4[%multiple_of3A_56] : memref<320000xi32, #tpu.memory_space<hbm>> -> memref<4000xi32, #tpu.memory_space<hbm>>
      tpu.enqueue_dma source(%dma_start3A_58 : memref<4000xi32, #tpu.memory_space<hbm>>) target(%arg13 : memref<4000xi32, #tpu.memory_space<vmem>>) target_semaphore(%arg17 : memref<!tpu.dma_semaphore, #tpu.memory_space<semaphore_mem>>)
      %dma_start3A_59 = tpu.memref_slice %arg5[%multiple_of3A_56] : memref<320000xi32, #tpu.memory_space<hbm>> -> memref<4000xi32, #tpu.memory_space<hbm>>
      %dma_start3A_60 = tpu.memref_slice %arg5[%multiple_of3A_56] : memref<320000xi32, #tpu.memory_space<hbm>> -> memref<4000xi32, #tpu.memory_space<hbm>>
      tpu.enqueue_dma source(%dma_start3A_60 : memref<4000xi32, #tpu.memory_space<hbm>>) target(%arg14 : memref<4000xi32, #tpu.memory_space<vmem>>) target_semaphore(%arg17 : memref<!tpu.dma_semaphore, #tpu.memory_space<semaphore_mem>>)
      %dma_start3A_61 = tpu.memref_slice %arg6[%multiple_of3A_56] : memref<320000xf32, #tpu.memory_space<hbm>> -> memref<4000xf32, #tpu.memory_space<hbm>>
      %dma_start3A_62 = tpu.memref_slice %arg6[%multiple_of3A_56] : memref<320000xf32, #tpu.memory_space<hbm>> -> memref<4000xf32, #tpu.memory_space<hbm>>
      tpu.enqueue_dma source(%dma_start3A_62 : memref<4000xf32, #tpu.memory_space<hbm>>) target(%arg15 : memref<4000xf32, #tpu.memory_space<vmem>>) target_semaphore(%arg17 : memref<!tpu.dma_semaphore, #tpu.memory_space<semaphore_mem>>)
      %scan3A_63 = arith.constant 0 : i32
      %scan3A_64 = arith.constant 0 : i32
      %scan3A_65 = arith.constant 125 : i32
      %scan3A_66 = arith.addi %scan3A_64, %scan3A_65 : i32
      %scan3A_67 = arith.constant 1 : i32
      scf.for %scan3A_100 = %scan3A_64 to %scan3A_66 step %scan3A_67  : i32 {
        %mul3A_101 = arith.constant 2 : i32
        %mul3A_102 = arith.muli %scan3A_100, %mul3A_101 : i32
        %add3A_103 = arith.constant 0 : i32
        %add3A_104 = arith.addi %mul3A_102, %add3A_103 : i32
        %mul3A_105 = arith.constant 16 : i32
        %mul3A_106 = arith.muli %add3A_104, %mul3A_105 : i32
        %get3A = arith.index_cast %mul3A_106 : i32 to index
        %get3A_107 = tpu.vector_load %arg10[%get3A] {strides = array<i32>} : memref<4000xi32, #tpu.memory_space<vmem>>, vector<16xi32>,
        %get3A_108 = arith.index_cast %mul3A_106 : i32 to index
        %get3A_109 = tpu.vector_load %arg11[%get3A_108] {strides = array<i32>} : memref<4000xi32, #tpu.memory_space<vmem>>, vector<16xi32>,
        %get3A_110 = arith.index_cast %mul3A_106 : i32 to index
        %get3A_111 = tpu.vector_load %arg12[%get3A_110] {strides = array<i32>} : memref<4000xf32, #tpu.memory_space<vmem>>, vector<16xf32>,
        %gather3A = tpu.vector_load_idx %arg8[%broadcast_in_dim3A_3, %get3A_107] : memref<4x10000xf32, #tpu.memory_space<vmem>>[vector<16xi32>, vector<16xi32>], vector<16xf32>,
        %mul3A_112 = arith.mulf %gather3A, %get3A_111 : vector<16xf32>
        tpu.vector_store_idx %arg9[%broadcast_in_dim3A_3, %get3A_109], %mul3A_112 {add = true} : memref<4x10000xf32, #tpu.memory_space<vmem>>[vector<16xi32>, vector<16xi32>], vector<16xf32>,
        %gather3A_113 = tpu.vector_load_idx %arg8[%broadcast_in_dim3A_5, %get3A_107] : memref<4x10000xf32, #tpu.memory_space<vmem>>[vector<16xi32>, vector<16xi32>], vector<16xf32>,
        %mul3A_114 = arith.mulf %gather3A_113, %get3A_111 : vector<16xf32>
        tpu.vector_store_idx %arg9[%broadcast_in_dim3A_5, %get3A_109], %mul3A_114 {add = true} : memref<4x10000xf32, #tpu.memory_space<vmem>>[vector<16xi32>, vector<16xi32>], vector<16xf32>,
        %gather3A_115 = tpu.vector_load_idx %arg8[%broadcast_in_dim3A_7, %get3A_107] : memref<4x10000xf32, #tpu.memory_space<vmem>>[vector<16xi32>, vector<16xi32>], vector<16xf32>,
        %mul3A_116 = arith.mulf %gather3A_115, %get3A_111 : vector<16xf32>
        tpu.vector_store_idx %arg9[%broadcast_in_dim3A_7, %get3A_109], %mul3A_116 {add = true} : memref<4x10000xf32, #tpu.memory_space<vmem>>[vector<16xi32>, vector<16xi32>], vector<16xf32>,
        %gather3A_117 = tpu.vector_load_idx %arg8[%broadcast_in_dim3A_9, %get3A_107] : memref<4x10000xf32, #tpu.memory_space<vmem>>[vector<16xi32>, vector<16xi32>], vector<16xf32>,
        %mul3A_118 = arith.mulf %gather3A_117, %get3A_111 : vector<16xf32>
        tpu.vector_store_idx %arg9[%broadcast_in_dim3A_9, %get3A_109], %mul3A_118 {add = true} : memref<4x10000xf32, #tpu.memory_space<vmem>>[vector<16xi32>, vector<16xi32>], vector<16xf32>,
        %mul3A_119 = arith.constant 2 : i32
        %mul3A_120 = arith.muli %scan3A_100, %mul3A_119 : i32
        %add3A_121 = arith.constant 1 : i32
        %add3A_122 = arith.addi %mul3A_120, %add3A_121 : i32
        %mul3A_123 = arith.constant 16 : i32
        %mul3A_124 = arith.muli %add3A_122, %mul3A_123 : i32
        %get3A_125 = arith.index_cast %mul3A_124 : i32 to index
        %get3A_126 = tpu.vector_load %arg10[%get3A_125] {strides = array<i32>} : memref<4000xi32, #tpu.memory_space<vmem>>, vector<16xi32>,
        %get3A_127 = arith.index_cast %mul3A_124 : i32 to index
        %get3A_128 = tpu.vector_load %arg11[%get3A_127] {strides = array<i32>} : memref<4000xi32, #tpu.memory_space<vmem>>, vector<16xi32>,
        %get3A_129 = arith.index_cast %mul3A_124 : i32 to index
        %get3A_130 = tpu.vector_load %arg12[%get3A_129] {strides = array<i32>} : memref<4000xf32, #tpu.memory_space<vmem>>, vector<16xf32>,
        %gather3A_131 = tpu.vector_load_idx %arg8[%broadcast_in_dim3A_3, %get3A_126] : memref<4x10000xf32, #tpu.memory_space<vmem>>[vector<16xi32>, vector<16xi32>], vector<16xf32>,
        %mul3A_132 = arith.mulf %gather3A_131, %get3A_130 : vector<16xf32>
        tpu.vector_store_idx %arg9[%broadcast_in_dim3A_3, %get3A_128], %mul3A_132 {add = true} : memref<4x10000xf32, #tpu.memory_space<vmem>>[vector<16xi32>, vector<16xi32>], vector<16xf32>,
        %gather3A_133 = tpu.vector_load_idx %arg8[%broadcast_in_dim3A_5, %get3A_126] : memref<4x10000xf32, #tpu.memory_space<vmem>>[vector<16xi32>, vector<16xi32>], vector<16xf32>,
        %mul3A_134 = arith.mulf %gather3A_133, %get3A_130 : vector<16xf32>
        tpu.vector_store_idx %arg9[%broadcast_in_dim3A_5, %get3A_128], %mul3A_134 {add = true} : memref<4x10000xf32, #tpu.memory_space<vmem>>[vector<16xi32>, vector<16xi32>], vector<16xf32>,
        %gather3A_135 = tpu.vector_load_idx %arg8[%broadcast_in_dim3A_7, %get3A_126] : memref<4x10000xf32, #tpu.memory_space<vmem>>[vector<16xi32>, vector<16xi32>], vector<16xf32>,
        %mul3A_136 = arith.mulf %gather3A_135, %get3A_130 : vector<16xf32>
        tpu.vector_store_idx %arg9[%broadcast_in_dim3A_7, %get3A_128], %mul3A_136 {add = true} : memref<4x10000xf32, #tpu.memory_space<vmem>>[vector<16xi32>, vector<16xi32>], vector<16xf32>,
        %gather3A_137 = tpu.vector_load_idx %arg8[%broadcast_in_dim3A_9, %get3A_126] : memref<4x10000xf32, #tpu.memory_space<vmem>>[vector<16xi32>, vector<16xi32>], vector<16xf32>,
        %mul3A_138 = arith.mulf %gather3A_137, %get3A_130 : vector<16xf32>
        tpu.vector_store_idx %arg9[%broadcast_in_dim3A_9, %get3A_128], %mul3A_138 {add = true} : memref<4x10000xf32, #tpu.memory_space<vmem>>[vector<16xi32>, vector<16xi32>], vector<16xf32>,
      }
      %scan3A_68 = arith.constant 125 : i32
      %dma_wait3A_69 = arith.constant 0 : i32
      %dma_wait3A_70 = tpu.memref_slice %arg4[%dma_wait3A_69] : memref<320000xi32, #tpu.memory_space<hbm>> -> memref<4000xi32, #tpu.memory_space<hbm>>
      %dma_wait3A_71 = arith.constant 0 : i32
      %dma_wait3A_72 = tpu.memref_slice %arg4[%dma_wait3A_71] : memref<320000xi32, #tpu.memory_space<hbm>> -> memref<4000xi32, #tpu.memory_space<hbm>>
      tpu.wait_dma2 semaphore(%arg17 : memref<!tpu.dma_semaphore, #tpu.memory_space<semaphore_mem>>) src(%dma_wait3A_72 : memref<4000xi32, #tpu.memory_space<hbm>>) dst(%arg13 : memref<4000xi32, #tpu.memory_space<vmem>>)
      %dma_wait3A_73 = arith.constant 0 : i32
      %dma_wait3A_74 = tpu.memref_slice %arg5[%dma_wait3A_73] : memref<320000xi32, #tpu.memory_space<hbm>> -> memref<4000xi32, #tpu.memory_space<hbm>>
      %dma_wait3A_75 = arith.constant 0 : i32
      %dma_wait3A_76 = tpu.memref_slice %arg5[%dma_wait3A_75] : memref<320000xi32, #tpu.memory_space<hbm>> -> memref<4000xi32, #tpu.memory_space<hbm>>
      tpu.wait_dma2 semaphore(%arg17 : memref<!tpu.dma_semaphore, #tpu.memory_space<semaphore_mem>>) src(%dma_wait3A_76 : memref<4000xi32, #tpu.memory_space<hbm>>) dst(%arg14 : memref<4000xi32, #tpu.memory_space<vmem>>)
      %dma_wait3A_77 = arith.constant 0 : i32
      %dma_wait3A_78 = tpu.memref_slice %arg6[%dma_wait3A_77] : memref<320000xf32, #tpu.memory_space<hbm>> -> memref<4000xf32, #tpu.memory_space<hbm>>
      %dma_wait3A_79 = arith.constant 0 : i32
      %dma_wait3A_80 = tpu.memref_slice %arg6[%dma_wait3A_79] : memref<320000xf32, #tpu.memory_space<hbm>> -> memref<4000xf32, #tpu.memory_space<hbm>>
      tpu.wait_dma2 semaphore(%arg17 : memref<!tpu.dma_semaphore, #tpu.memory_space<semaphore_mem>>) src(%dma_wait3A_80 : memref<4000xf32, #tpu.memory_space<hbm>>) dst(%arg15 : memref<4000xf32, #tpu.memory_space<vmem>>)
      %add3A_81 = arith.constant 2 : i32
      %add3A_82 = arith.addi %mul3A_37, %add3A_81 : i32
      %min3A_83 = arith.constant 79 : i32
      %min3A_84 = arith.minsi %add3A_82, %min3A_83 : i32
      %mul3A_85 = arith.constant 4000 : i32
      %mul3A_86 = arith.muli %min3A_84, %mul3A_85 : i32
      %multiple_of3A_87 = tpu.assume_multiple %mul3A_86, 8 : i32
      %dma_start3A_88 = tpu.memref_slice %arg4[%multiple_of3A_87] : memref<320000xi32, #tpu.memory_space<hbm>> -> memref<4000xi32, #tpu.memory_space<hbm>>
      %dma_start3A_89 = tpu.memref_slice %arg4[%multiple_of3A_87] : memref<320000xi32, #tpu.memory_space<hbm>> -> memref<4000xi32, #tpu.memory_space<hbm>>
      tpu.enqueue_dma source(%dma_start3A_89 : memref<4000xi32, #tpu.memory_space<hbm>>) target(%arg10 : memref<4000xi32, #tpu.memory_space<vmem>>) target_semaphore(%arg16 : memref<!tpu.dma_semaphore, #tpu.memory_space<semaphore_mem>>)
      %dma_start3A_90 = tpu.memref_slice %arg5[%multiple_of3A_87] : memref<320000xi32, #tpu.memory_space<hbm>> -> memref<4000xi32, #tpu.memory_space<hbm>>
      %dma_start3A_91 = tpu.memref_slice %arg5[%multiple_of3A_87] : memref<320000xi32, #tpu.memory_space<hbm>> -> memref<4000xi32, #tpu.memory_space<hbm>>
      tpu.enqueue_dma source(%dma_start3A_91 : memref<4000xi32, #tpu.memory_space<hbm>>) target(%arg11 : memref<4000xi32, #tpu.memory_space<vmem>>) target_semaphore(%arg16 : memref<!tpu.dma_semaphore, #tpu.memory_space<semaphore_mem>>)
      %dma_start3A_92 = tpu.memref_slice %arg6[%multiple_of3A_87] : memref<320000xf32, #tpu.memory_space<hbm>> -> memref<4000xf32, #tpu.memory_space<hbm>>
      %dma_start3A_93 = tpu.memref_slice %arg6[%multiple_of3A_87] : memref<320000xf32, #tpu.memory_space<hbm>> -> memref<4000xf32, #tpu.memory_space<hbm>>
      tpu.enqueue_dma source(%dma_start3A_93 : memref<4000xf32, #tpu.memory_space<hbm>>) target(%arg12 : memref<4000xf32, #tpu.memory_space<vmem>>) target_semaphore(%arg16 : memref<!tpu.dma_semaphore, #tpu.memory_space<semaphore_mem>>)
      %scan3A_94 = arith.constant 0 : i32
      %scan3A_95 = arith.constant 0 : i32
      %scan3A_96 = arith.constant 125 : i32
      %scan3A_97 = arith.addi %scan3A_95, %scan3A_96 : i32
      %scan3A_98 = arith.constant 1 : i32
      scf.for %scan3A_100 = %scan3A_95 to %scan3A_97 step %scan3A_98  : i32 {
        %mul3A_101 = arith.constant 2 : i32
        %mul3A_102 = arith.muli %scan3A_100, %mul3A_101 : i32
        %add3A_103 = arith.constant 0 : i32
        %add3A_104 = arith.addi %mul3A_102, %add3A_103 : i32
        %mul3A_105 = arith.constant 16 : i32
        %mul3A_106 = arith.muli %add3A_104, %mul3A_105 : i32
        %get3A = arith.index_cast %mul3A_106 : i32 to index
        %get3A_107 = tpu.vector_load %arg13[%get3A] {strides = array<i32>} : memref<4000xi32, #tpu.memory_space<vmem>>, vector<16xi32>,
        %get3A_108 = arith.index_cast %mul3A_106 : i32 to index
        %get3A_109 = tpu.vector_load %arg14[%get3A_108] {strides = array<i32>} : memref<4000xi32, #tpu.memory_space<vmem>>, vector<16xi32>,
        %get3A_110 = arith.index_cast %mul3A_106 : i32 to index
        %get3A_111 = tpu.vector_load %arg15[%get3A_110] {strides = array<i32>} : memref<4000xf32, #tpu.memory_space<vmem>>, vector<16xf32>,
        %gather3A = tpu.vector_load_idx %arg8[%broadcast_in_dim3A_3, %get3A_107] : memref<4x10000xf32, #tpu.memory_space<vmem>>[vector<16xi32>, vector<16xi32>], vector<16xf32>,
        %mul3A_112 = arith.mulf %gather3A, %get3A_111 : vector<16xf32>
        tpu.vector_store_idx %arg9[%broadcast_in_dim3A_3, %get3A_109], %mul3A_112 {add = true} : memref<4x10000xf32, #tpu.memory_space<vmem>>[vector<16xi32>, vector<16xi32>], vector<16xf32>,
        %gather3A_113 = tpu.vector_load_idx %arg8[%broadcast_in_dim3A_5, %get3A_107] : memref<4x10000xf32, #tpu.memory_space<vmem>>[vector<16xi32>, vector<16xi32>], vector<16xf32>,
        %mul3A_114 = arith.mulf %gather3A_113, %get3A_111 : vector<16xf32>
        tpu.vector_store_idx %arg9[%broadcast_in_dim3A_5, %get3A_109], %mul3A_114 {add = true} : memref<4x10000xf32, #tpu.memory_space<vmem>>[vector<16xi32>, vector<16xi32>], vector<16xf32>,
        %gather3A_115 = tpu.vector_load_idx %arg8[%broadcast_in_dim3A_7, %get3A_107] : memref<4x10000xf32, #tpu.memory_space<vmem>>[vector<16xi32>, vector<16xi32>], vector<16xf32>,
        %mul3A_116 = arith.mulf %gather3A_115, %get3A_111 : vector<16xf32>
        tpu.vector_store_idx %arg9[%broadcast_in_dim3A_7, %get3A_109], %mul3A_116 {add = true} : memref<4x10000xf32, #tpu.memory_space<vmem>>[vector<16xi32>, vector<16xi32>], vector<16xf32>,
        %gather3A_117 = tpu.vector_load_idx %arg8[%broadcast_in_dim3A_9, %get3A_107] : memref<4x10000xf32, #tpu.memory_space<vmem>>[vector<16xi32>, vector<16xi32>], vector<16xf32>,
        %mul3A_118 = arith.mulf %gather3A_117, %get3A_111 : vector<16xf32>
        tpu.vector_store_idx %arg9[%broadcast_in_dim3A_9, %get3A_109], %mul3A_118 {add = true} : memref<4x10000xf32, #tpu.memory_space<vmem>>[vector<16xi32>, vector<16xi32>], vector<16xf32>,
        %mul3A_119 = arith.constant 2 : i32
        %mul3A_120 = arith.muli %scan3A_100, %mul3A_119 : i32
        %add3A_121 = arith.constant 1 : i32
        %add3A_122 = arith.addi %mul3A_120, %add3A_121 : i32
        %mul3A_123 = arith.constant 16 : i32
        %mul3A_124 = arith.muli %add3A_122, %mul3A_123 : i32
        %get3A_125 = arith.index_cast %mul3A_124 : i32 to index
        %get3A_126 = tpu.vector_load %arg13[%get3A_125] {strides = array<i32>} : memref<4000xi32, #tpu.memory_space<vmem>>, vector<16xi32>,
        %get3A_127 = arith.index_cast %mul3A_124 : i32 to index
        %get3A_128 = tpu.vector_load %arg14[%get3A_127] {strides = array<i32>} : memref<4000xi32, #tpu.memory_space<vmem>>, vector<16xi32>,
        %get3A_129 = arith.index_cast %mul3A_124 : i32 to index
        %get3A_130 = tpu.vector_load %arg15[%get3A_129] {strides = array<i32>} : memref<4000xf32, #tpu.memory_space<vmem>>, vector<16xf32>,
        %gather3A_131 = tpu.vector_load_idx %arg8[%broadcast_in_dim3A_3, %get3A_126] : memref<4x10000xf32, #tpu.memory_space<vmem>>[vector<16xi32>, vector<16xi32>], vector<16xf32>,
        %mul3A_132 = arith.mulf %gather3A_131, %get3A_130 : vector<16xf32>
        tpu.vector_store_idx %arg9[%broadcast_in_dim3A_3, %get3A_128], %mul3A_132 {add = true} : memref<4x10000xf32, #tpu.memory_space<vmem>>[vector<16xi32>, vector<16xi32>], vector<16xf32>,
        %gather3A_133 = tpu.vector_load_idx %arg8[%broadcast_in_dim3A_5, %get3A_126] : memref<4x10000xf32, #tpu.memory_space<vmem>>[vector<16xi32>, vector<16xi32>], vector<16xf32>,
        %mul3A_134 = arith.mulf %gather3A_133, %get3A_130 : vector<16xf32>
        tpu.vector_store_idx %arg9[%broadcast_in_dim3A_5, %get3A_128], %mul3A_134 {add = true} : memref<4x10000xf32, #tpu.memory_space<vmem>>[vector<16xi32>, vector<16xi32>], vector<16xf32>,
        %gather3A_135 = tpu.vector_load_idx %arg8[%broadcast_in_dim3A_7, %get3A_126] : memref<4x10000xf32, #tpu.memory_space<vmem>>[vector<16xi32>, vector<16xi32>], vector<16xf32>,
        %mul3A_136 = arith.mulf %gather3A_135, %get3A_130 : vector<16xf32>
        tpu.vector_store_idx %arg9[%broadcast_in_dim3A_7, %get3A_128], %mul3A_136 {add = true} : memref<4x10000xf32, #tpu.memory_space<vmem>>[vector<16xi32>, vector<16xi32>], vector<16xf32>,
        %gather3A_137 = tpu.vector_load_idx %arg8[%broadcast_in_dim3A_9, %get3A_126] : memref<4x10000xf32, #tpu.memory_space<vmem>>[vector<16xi32>, vector<16xi32>], vector<16xf32>,
        %mul3A_138 = arith.mulf %gather3A_137, %get3A_130 : vector<16xf32>
        tpu.vector_store_idx %arg9[%broadcast_in_dim3A_9, %get3A_128], %mul3A_138 {add = true} : memref<4x10000xf32, #tpu.memory_space<vmem>>[vector<16xi32>, vector<16xi32>], vector<16xf32>,
      }
      %scan3A_99 = arith.constant 125 : i32
    }
    %scan3A_23 = arith.constant 40 : i32
    %dma_wait3A = arith.constant 0 : i32
    %dma_wait3A_24 = tpu.memref_slice %arg4[%dma_wait3A] : memref<320000xi32, #tpu.memory_space<hbm>> -> memref<4000xi32, #tpu.memory_space<hbm>>
    %dma_wait3A_25 = arith.constant 0 : i32
    %dma_wait3A_26 = tpu.memref_slice %arg4[%dma_wait3A_25] : memref<320000xi32, #tpu.memory_space<hbm>> -> memref<4000xi32, #tpu.memory_space<hbm>>
    tpu.wait_dma2 semaphore(%arg16 : memref<!tpu.dma_semaphore, #tpu.memory_space<semaphore_mem>>) src(%dma_wait3A_26 : memref<4000xi32, #tpu.memory_space<hbm>>) dst(%arg10 : memref<4000xi32, #tpu.memory_space<vmem>>)
    %dma_wait3A_27 = arith.constant 0 : i32
    %dma_wait3A_28 = tpu.memref_slice %arg5[%dma_wait3A_27] : memref<320000xi32, #tpu.memory_space<hbm>> -> memref<4000xi32, #tpu.memory_space<hbm>>
    %dma_wait3A_29 = arith.constant 0 : i32
    %dma_wait3A_30 = tpu.memref_slice %arg5[%dma_wait3A_29] : memref<320000xi32, #tpu.memory_space<hbm>> -> memref<4000xi32, #tpu.memory_space<hbm>>
    tpu.wait_dma2 semaphore(%arg16 : memref<!tpu.dma_semaphore, #tpu.memory_space<semaphore_mem>>) src(%dma_wait3A_30 : memref<4000xi32, #tpu.memory_space<hbm>>) dst(%arg11 : memref<4000xi32, #tpu.memory_space<vmem>>)
    %dma_wait3A_31 = arith.constant 0 : i32
    %dma_wait3A_32 = tpu.memref_slice %arg6[%dma_wait3A_31] : memref<320000xf32, #tpu.memory_space<hbm>> -> memref<4000xf32, #tpu.memory_space<hbm>>
    %dma_wait3A_33 = arith.constant 0 : i32
    %dma_wait3A_34 = tpu.memref_slice %arg6[%dma_wait3A_33] : memref<320000xf32, #tpu.memory_space<hbm>> -> memref<4000xf32, #tpu.memory_space<hbm>>
    tpu.wait_dma2 semaphore(%arg16 : memref<!tpu.dma_semaphore, #tpu.memory_space<semaphore_mem>>) src(%dma_wait3A_34 : memref<4000xf32, #tpu.memory_space<hbm>>) dst(%arg12 : memref<4000xf32, #tpu.memory_space<vmem>>)
    "tpu.region"() ({
      %run_scoped3A = tpu.sem_alloc : memref<!tpu.dma_semaphore, #tpu.memory_space<semaphore_mem>>
      %dma_start3A_35 = arith.constant 0 : i32
      %dma_start3A_36 = tpu.memref_slice %arg7[%mul3A_2, %dma_start3A_35] : memref<128x10000xf32, #tpu.memory_space<hbm>> -> memref<4x10000xf32, #tpu.memory_space<hbm>>
      %dma_start3A_37 = arith.constant 0 : i32
      %dma_start3A_38 = tpu.memref_slice %arg7[%mul3A_2, %dma_start3A_37] : memref<128x10000xf32, #tpu.memory_space<hbm>> -> memref<4x10000xf32, #tpu.memory_space<hbm>>
      tpu.enqueue_dma source(%arg9 : memref<4x10000xf32, #tpu.memory_space<vmem>>) target(%dma_start3A_38 : memref<4x10000xf32, #tpu.memory_space<hbm>>) target_semaphore(%run_scoped3A : memref<!tpu.dma_semaphore, #tpu.memory_space<semaphore_mem>>)
      %dma_wait3A_39 = arith.constant 0 : i32
      %dma_wait3A_40 = tpu.memref_slice %arg7[%mul3A_2, %dma_wait3A_39] : memref<128x10000xf32, #tpu.memory_space<hbm>> -> memref<4x10000xf32, #tpu.memory_space<hbm>>
      %dma_wait3A_41 = arith.constant 0 : i32
      %dma_wait3A_42 = tpu.memref_slice %arg7[%mul3A_2, %dma_wait3A_41] : memref<128x10000xf32, #tpu.memory_space<hbm>> -> memref<4x10000xf32, #tpu.memory_space<hbm>>
      tpu.wait_dma2 semaphore(%run_scoped3A : memref<!tpu.dma_semaphore, #tpu.memory_space<semaphore_mem>>) src(%arg9 : memref<4x10000xf32, #tpu.memory_space<vmem>>) dst(%dma_wait3A_42 : memref<4x10000xf32, #tpu.memory_space<hbm>>)
      tpu.yield
    }) : () -> ()
    return
  }
}

module attributes {stable_mosaic.version = 14 : i64} {
  func.func @_mm0_body(%arg0: memref<10000x128xf32, #tpu.memory_space<vmem>>, %arg1: memref<128x128xf32, #tpu.memory_space<vmem>>, %arg2: memref<1x10000xf32, #tpu.memory_space<vmem>>, %arg3: memref<128x10000xf32, #tpu.memory_space<vmem>>, %arg4: memref<128x10000xf32, #tpu.memory_space<vmem>>) attributes {dimension_semantics = [], scalar_prefetch = 0 : i64, scratch_operands = 0 : i64, tpu.core_type = #tpu.core_type<tc>} {
    %get3A = arith.constant 0 : index
    %get3A_0 = arith.constant 0 : index
    %get3A_1 = vector.load %arg1[%get3A, %get3A_0] : memref<128x128xf32, #tpu.memory_space<vmem>>, vector<128x128xf32>
    %get3A_2 = arith.constant 0 : index
    %get3A_3 = arith.constant 0 : index
    %get3A_4 = vector.load %arg0[%get3A_2, %get3A_3] : memref<10000x128xf32, #tpu.memory_space<vmem>>, vector<10000x128xf32>
    %dot_general3A = arith.constant dense<0.000000e+00> : vector<128x10000xf32>
    %dot_general3A_5 = tpu.matmul %get3A_1, %get3A_4, %dot_general3A {dimension_numbers = #tpu.dot_dimension_numbers<[0], [1], [1], [0], [0, 1, 1, 0], [], []>, transpose_lhs_hint = false} : vector<128x128xf32>, vector<10000x128xf32>, vector<128x10000xf32> -> vector<128x10000xf32>
    %swap3A = arith.constant 0 : index
    %swap3A_6 = arith.constant 0 : index
    %swap3A_7 = vector.load %arg3[%swap3A, %swap3A_6] : memref<128x10000xf32, #tpu.memory_space<vmem>>, vector<128x10000xf32>
    tpu.vector_store %arg3[%swap3A, %swap3A_6], %dot_general3A_5 {strides = array<i32>} : memref<128x10000xf32, #tpu.memory_space<vmem>>, vector<128x10000xf32>,
    %get3A_8 = arith.constant 0 : index
    %get3A_9 = arith.constant 0 : index
    %get3A_10 = vector.load %arg2[%get3A_8, %get3A_9] : memref<1x10000xf32, #tpu.memory_space<vmem>>, vector<1x10000xf32>
    %mul3A = vector.broadcast %get3A_10 : vector<1x10000xf32> to vector<128x10000xf32>
    %mul3A_11 = arith.mulf %dot_general3A_5, %mul3A : vector<128x10000xf32>
    %swap3A_12 = arith.constant 0 : index
    %swap3A_13 = arith.constant 0 : index
    %swap3A_14 = vector.load %arg4[%swap3A_12, %swap3A_13] : memref<128x10000xf32, #tpu.memory_space<vmem>>, vector<128x10000xf32>
    tpu.vector_store %arg4[%swap3A_12, %swap3A_13], %mul3A_11 {strides = array<i32>} : memref<128x10000xf32, #tpu.memory_space<vmem>>, vector<128x10000xf32>,
    return
  }
}

module attributes {stable_mosaic.version = 14 : i64} {
  func.func @_prep_body(%arg0: memref<32x10000xf32, #tpu.memory_space<vmem>>, %arg1: memref<1x10000xf32, #tpu.memory_space<vmem>>, %arg2: memref<1x10000xf32, #tpu.memory_space<vmem>>) attributes {dimension_semantics = [], scalar_prefetch = 0 : i64, scratch_operands = 0 : i64, tpu.core_type = #tpu.core_type<tc>} {
    %get3A = arith.constant 0 : index
    %get3A_0 = arith.constant 0 : index
    %get3A_1 = vector.load %arg0[%get3A, %get3A_0] : memref<32x10000xf32, #tpu.memory_space<vmem>>, vector<32x10000xf32>
    %reduce_sum3A = arith.constant dense<0.000000e+00> : vector<10000xf32>
    %reduce_sum3A_2 = vector.multi_reduction <add>, %get3A_1, %reduce_sum3A [0] : vector<32x10000xf32> to vector<10000xf32>
    %broadcast_in_dim3A = vector.shape_cast %reduce_sum3A_2 : vector<10000xf32> to vector<1x10000xf32>
    %add3A = arith.constant 1.000000e+00 : f32
    %add3A_3 = vector.broadcast %add3A : f32 to vector<1x10000xf32>
    %add3A_4 = arith.addf %broadcast_in_dim3A, %add3A_3 : vector<1x10000xf32>
    %rsqrt3A = math.rsqrt %add3A_4 : vector<1x10000xf32>
    %swap3A = arith.constant 0 : index
    %swap3A_5 = arith.constant 0 : index
    %swap3A_6 = vector.load %arg1[%swap3A, %swap3A_5] : memref<1x10000xf32, #tpu.memory_space<vmem>>, vector<1x10000xf32>
    tpu.vector_store %arg1[%swap3A, %swap3A_5], %rsqrt3A {strides = array<i32>} : memref<1x10000xf32, #tpu.memory_space<vmem>>, vector<1x10000xf32>,
    %mul3A = arith.mulf %rsqrt3A, %rsqrt3A : vector<1x10000xf32>
    %swap3A_7 = arith.constant 0 : index
    %swap3A_8 = arith.constant 0 : index
    %swap3A_9 = vector.load %arg2[%swap3A_7, %swap3A_8] : memref<1x10000xf32, #tpu.memory_space<vmem>>, vector<1x10000xf32>
    tpu.vector_store %arg2[%swap3A_7, %swap3A_8], %mul3A {strides = array<i32>} : memref<1x10000xf32, #tpu.memory_space<vmem>>, vector<1x10000xf32>,
    return
  }
}

module attributes {stable_mosaic.version = 14 : i64} {
  func.func @_mmn_body(%arg0: memref<128x10000xf32, #tpu.memory_space<vmem>>, %arg1: memref<128x1xf32, #tpu.memory_space<vmem>>, %arg2: memref<128x128xf32, #tpu.memory_space<vmem>>, %arg3: memref<1x10000xf32, #tpu.memory_space<vmem>>, %arg4: memref<128x1xf32, #tpu.memory_space<vmem>>, %arg5: memref<128x10000xf32, #tpu.memory_space<vmem>>, %arg6: memref<128x10000xf32, #tpu.memory_space<vmem>>) attributes {dimension_semantics = [], scalar_prefetch = 0 : i64, scratch_operands = 0 : i64, tpu.core_type = #tpu.core_type<tc>} {
    %get3A = arith.constant 0 : index
    %get3A_0 = arith.constant 0 : index
    %get3A_1 = vector.load %arg0[%get3A, %get3A_0] : memref<128x10000xf32, #tpu.memory_space<vmem>>, vector<128x10000xf32>
    %get3A_2 = arith.constant 0 : index
    %get3A_3 = arith.constant 0 : index
    %get3A_4 = vector.load %arg1[%get3A_2, %get3A_3] : memref<128x1xf32, #tpu.memory_space<vmem>>, vector<128x1xf32>
    %add3A = vector.broadcast %get3A_4 : vector<128x1xf32> to vector<128x10000xf32>
    %add3A_5 = arith.addf %get3A_1, %add3A : vector<128x10000xf32>
    %max3A = arith.constant 0.000000e+00 : f32
    %max3A_6 = vector.broadcast %max3A : f32 to vector<128x10000xf32>
    %max3A_7 = arith.maximumf %add3A_5, %max3A_6 : vector<128x10000xf32>
    %get3A_8 = arith.constant 0 : index
    %get3A_9 = arith.constant 0 : index
    %get3A_10 = vector.load %arg2[%get3A_8, %get3A_9] : memref<128x128xf32, #tpu.memory_space<vmem>>, vector<128x128xf32>
    %dot_general3A = arith.constant dense<0.000000e+00> : vector<128x10000xf32>
    %dot_general3A_11 = tpu.matmul %get3A_10, %max3A_7, %dot_general3A {dimension_numbers = #tpu.dot_dimension_numbers<[0], [0], [1], [1], [0, 1, 1, 1], [], []>, transpose_lhs_hint = false} : vector<128x128xf32>, vector<128x10000xf32>, vector<128x10000xf32> -> vector<128x10000xf32>
    %swap3A = arith.constant 0 : index
    %swap3A_12 = arith.constant 0 : index
    %swap3A_13 = vector.load %arg5[%swap3A, %swap3A_12] : memref<128x10000xf32, #tpu.memory_space<vmem>>, vector<128x10000xf32>
    tpu.vector_store %arg5[%swap3A, %swap3A_12], %dot_general3A_11 {strides = array<i32>} : memref<128x10000xf32, #tpu.memory_space<vmem>>, vector<128x10000xf32>,
    %get3A_14 = arith.constant 0 : index
    %get3A_15 = arith.constant 0 : index
    %get3A_16 = vector.load %arg3[%get3A_14, %get3A_15] : memref<1x10000xf32, #tpu.memory_space<vmem>>, vector<1x10000xf32>
    %mul3A = vector.broadcast %get3A_16 : vector<1x10000xf32> to vector<128x10000xf32>
    %mul3A_17 = arith.mulf %dot_general3A_11, %mul3A : vector<128x10000xf32>
    %get3A_18 = arith.constant 0 : index
    %get3A_19 = arith.constant 0 : index
    %get3A_20 = vector.load %arg4[%get3A_18, %get3A_19] : memref<128x1xf32, #tpu.memory_space<vmem>>, vector<128x1xf32>
    %add3A_21 = vector.broadcast %get3A_20 : vector<128x1xf32> to vector<128x10000xf32>
    %add3A_22 = arith.addf %mul3A_17, %add3A_21 : vector<128x10000xf32>
    %swap3A_23 = arith.constant 0 : index
    %swap3A_24 = arith.constant 0 : index
    %swap3A_25 = vector.load %arg6[%swap3A_23, %swap3A_24] : memref<128x10000xf32, #tpu.memory_space<vmem>>, vector<128x10000xf32>
    tpu.vector_store %arg6[%swap3A_23, %swap3A_24], %add3A_22 {strides = array<i32>} : memref<128x10000xf32, #tpu.memory_space<vmem>>, vector<128x10000xf32>,
    return
  }
}

module attributes {stable_mosaic.version = 14 : i64} {
  func.func @_final_body(%arg0: memref<128x10000xf32, #tpu.memory_space<vmem>>, %arg1: memref<128x1xf32, #tpu.memory_space<vmem>>, %arg2: memref<128x10000xf32, #tpu.memory_space<vmem>>) attributes {dimension_semantics = [], scalar_prefetch = 0 : i64, scratch_operands = 0 : i64, tpu.core_type = #tpu.core_type<tc>} {
    %get3A = arith.constant 0 : index
    %get3A_0 = arith.constant 0 : index
    %get3A_1 = vector.load %arg0[%get3A, %get3A_0] : memref<128x10000xf32, #tpu.memory_space<vmem>>, vector<128x10000xf32>
    %get3A_2 = arith.constant 0 : index
    %get3A_3 = arith.constant 0 : index
    %get3A_4 = vector.load %arg1[%get3A_2, %get3A_3] : memref<128x1xf32, #tpu.memory_space<vmem>>, vector<128x1xf32>
    %add3A = vector.broadcast %get3A_4 : vector<128x1xf32> to vector<128x10000xf32>
    %add3A_5 = arith.addf %get3A_1, %add3A : vector<128x10000xf32>
    %swap3A = arith.constant 0 : index
    %swap3A_6 = arith.constant 0 : index
    %swap3A_7 = vector.load %arg2[%swap3A, %swap3A_6] : memref<128x10000xf32, #tpu.memory_space<vmem>>, vector<128x10000xf32>
    tpu.vector_store %arg2[%swap3A, %swap3A_6], %add3A_5 {strides = array<i32>} : memref<128x10000xf32, #tpu.memory_space<vmem>>, vector<128x10000xf32>,
    return
  }
}

</mosaic_0001>

<sc_bundles>
// kernel: kernel.12.cloned.1.call-start
scs
__scs_entry_jumppad:
0x0: {  	(pc) =	sbr.rel $0x88, $3  }
0x1: {  	(tag) =	ssettag $0x0;
	lr =	simm.s32 $0x1  }
0x2: {  	[smem:$0x3F98] =	sst lr;
	_ =	strace $0xD0000000  }
0x3: {  	_ = 	snop  }
0x4: {  	_ = 	snop  }
0x5: {  	_ = 	snop  }
0x6: {  	_ = 	snop  }
0x7: {  	_ = 	snop  }
__scs_overlays_trampoline_lowered:
0x8: {  	[smem:$0x3FA7] =	sst s0  }
0x9: {  	[smem:$0x3FA8] =	sst s1  }
0xa: {  	[smem:$0x3FA9] =	sst s2  }
0xb: {  	[smem:$0x3FAA] =	sst s3  }
0xc: {  	[smem:$0x3FAB] =	sst s4  }
0xd: {  	[smem:$0x3FAC] =	sst s5  }
0xe: {  	[smem:$0x3FAD] =	sst s6  }
0xf: {  	[smem:$0x3FAE] =	sst s7  }
0x10: {  	[smem:$0x3FAF] =	sst s8  }
0x11: {  	[smem:$0x3FB0] =	sst s9;
	s0 =	simm.s32 @!p0 $0x0  }
0x12: {  	s1 =	sld [smem:$0x3F96];
	s0 =	simm.s32 @p0 $0x1  }
0x13: {  	[smem:$0x3FB1] =	sst s0;
	s0 =	simm.s32 @!p1 $0x0  }
0x14: {  	s2 =	sld [smem:$0x3F95];
	s0 =	simm.s32 @p1 $0x1  }
0x15: {  	[smem:$0x3FB2] =	sst s0;
	s0 =	simm.s32 @!p2 $0x0  }
0x16: {  	s3 =	sld [smem:$0x3FDB];
	s0 =	simm.s32 @p2 $0x1  }
0x17: {  	s4 =	simm.s32 $0x1BF5;
	[smem:$0x3FB4] =	sst s0  }
0x18: {  	s0 =	sld [smem:$0x3F97];
	_ =	swait.ge [sflag:s4], $0x0  }
0x19: {  	s7 =	sld [smem:$0x3F98]  }
0x1a: {  	s8 =	sadd.s32 $0xFFFFE003, lr  }
0x1b: {  	s9 =	sadd.s32 $0xFFFFFEF7, lr;
	s5 =	simm.s32 $0xFFFFFFFF;
	p2 =	slt.u32 s8, $0xFFFFF086  }
0x1c: {  	p1 =	slt.u32 s9, $0xF7A;
	s5 =	simm.s32 @!p2 $0x0  }
0x1d: {  	s5 =	simm.s32 @p1 $0x1;
	p0 =	seq.s32 s7, s2  }
0x1e: {  	s7 =	smul.u32 @!p0 $0xF7A, s2;
	p2 =	seq.s32 @!p0 s5, $0x0  }
0x1f: {  	s9 =	smul.u32 $0xF7A, s1;
	s8 =	simm.s32 @!p0 $0x1BF5;
	p2 =	por !p2, p0  }
0x20: {  	[sflag:s8] =	ssyncset.s32 @!p0 $0xFFFFF086;
	s6 =	sadd.s32 @!p0 s3, s7;
	s7 =	simm.s32 @!p0 $0x108  }
0x21: {  	s3 =	sadd.s32 s3, s9;
	s6 =	sadd.s32 @!p0 $0x88, s6;
	s7 =	simm.s32 @p2 $0x1082  }
0x22: {  	[simem:s7], [sflag:s8] =	dma.local @!p0 [hbm:s6], $0xF7A  }
0x23: {  	s9 =	sor.u32 $0xD0000000, s2;
	s6 =	simm.s32 $0x108;
	_ =	swait.ge @!p0 [sflag:s8], $0x0  }
0x24: {  	s3 =	sadd.s32 $0x88, s3;
	s6 =	simm.s32 @!p1 $0x1082;
	[sflag:s4] =	ssyncset.s32 $0xFFFFF086  }
0x25: {  	[simem:s6], [sflag:s4] =	dma.local [hbm:s3], $0xF7A  }
0x26: {  	[smem:$0x3F98] =	sst s1;
	(tag) =	ssettag s2;
	_ =	strace s9  }
0x27: {  	s1 =	sld [smem:$0x3FA8]  }
0x28: {  	s2 =	sld [smem:$0x3FA9]  }
0x29: {  	s4 =	sld [smem:$0x3FAB]  }
0x2a: {  	p0 =	seq.s32 s5, $0x0;
	s5 =	sld [smem:$0x3FAC]  }
0x2b: {  	s6 =	sld [smem:$0x3FAD]  }
0x2c: {  	s7 =	sld [smem:$0x3FAE]  }
0x2d: {  	s3 =	simm.s32 $0x108;
	s8 =	sld [smem:$0x3FAF]  }
0x2e: {  	s3 =	simm.s32 @!p0 $0x1082;
	s9 =	sld [smem:$0x3FB0]  }
0x2f: {  	lr =	sadd.s32 s0, s3;
	s0 =	sld [smem:$0x3FA7]  }
0x30: {  	s3 =	sld [smem:$0x3FAA]  }
0x31: {  	[smem:$0x3FB3] =	sst s10  }
0x32: {  	s10 =	sld [smem:$0x3FB1];
	_ =	sdelay $0x3  }
0x33: {  	p0 =	seq.s32 s10, $0x1;
	s10 =	sld [smem:$0x3FB3];
	_ =	sdelay $0x3  }
0x34: {  	[smem:$0x3FB3] =	sst s10  }
0x35: {  	s10 =	sld [smem:$0x3FB2];
	_ =	sdelay $0x3  }
0x36: {  	p1 =	seq.s32 s10, $0x1;
	s10 =	sld [smem:$0x3FB3];
	_ =	sdelay $0x3  }
0x37: {  	[smem:$0x3FB3] =	sst s10  }
0x38: {  	s10 =	sld [smem:$0x3FB4]  }
0x39: {  	_ = 	snop;
	(pc) =	sbr.ind lr, $3  }
0x3a: {  	_ = 	snop  }
0x3b: {  	_ = 	snop  }
0x3c: {  	p2 =	seq.s32 s10, $0x1;
	s10 =	sld [smem:$0x3FB3]  }
0x3d: {  	_ =	shalt  }
0x3e: {  	_ =	shalt  }
0x3f: {  	_ =	shalt  }
0x40: {  	_ =	shalt  }
0x41: {  	_ =	shalt  }
0x42: {  	_ =	shalt  }
0x43: {  	_ =	shalt  }
0x44: {  	_ =	shalt  }
0x45: {  	_ =	shalt  }
0x46: {  	_ =	shalt  }
0x47: {  	_ =	shalt  }
0x48: {  	_ =	shalt  }
0x49: {  	_ =	shalt  }
0x4a: {  	_ =	shalt  }
0x4b: {  	_ =	shalt  }
0x4c: {  	_ =	shalt  }
0x4d: {  	_ =	shalt  }
0x4e: {  	_ =	shalt  }
0x4f: {  	_ =	shalt  }
0x50: {  	_ =	shalt  }
0x51: {  	_ =	shalt  }
0x52: {  	_ =	shalt  }
0x53: {  	_ =	shalt  }
0x54: {  	_ =	shalt  }
0x55: {  	_ =	shalt  }
0x56: {  	_ =	shalt  }
0x57: {  	_ =	shalt  }
0x58: {  	_ =	shalt  }
0x59: {  	_ =	shalt  }
0x5a: {  	_ =	shalt  }
0x5b: {  	_ =	shalt  }
0x5c: {  	_ =	shalt  }
0x5d: {  	_ =	shalt  }
0x5e: {  	_ =	shalt  }
0x5f: {  	_ =	shalt  }
0x60: {  	_ =	shalt  }
0x61: {  	_ =	shalt  }
0x62: {  	_ =	shalt  }
0x63: {  	_ =	shalt  }
0x64: {  	_ =	shalt  }
0x65: {  	_ =	shalt  }
0x66: {  	_ =	shalt  }
0x67: {  	_ =	shalt  }
0x68: {  	_ =	shalt  }
0x69: {  	_ =	shalt  }
0x6a: {  	_ =	shalt  }
0x6b: {  	_ =	shalt  }
0x6c: {  	_ =	shalt  }
0x6d: {  	_ =	shalt  }
0x6e: {  	_ =	shalt  }
0x6f: {  	_ =	shalt  }
0x70: {  	_ =	shalt  }
0x71: {  	_ =	shalt  }
0x72: {  	_ =	shalt  }
0x73: {  	_ =	shalt  }
0x74: {  	_ =	shalt  }
0x75: {  	_ =	shalt  }
0x76: {  	_ =	shalt  }
0x77: {  	_ =	shalt  }
0x78: {  	_ =	shalt  }
0x79: {  	_ =	shalt  }
0x7a: {  	_ =	shalt  }
0x7b: {  	_ =	shalt  }
0x7c: {  	_ =	shalt  }
0x7d: {  	_ =	shalt  }
0x7e: {  	_ =	shalt  }
0x7f: {  	_ =	shalt  }
0x80: {  	_ =	shalt  }
0x81: {  	_ =	shalt  }
0x82: {  	_ =	shalt  }
0x83: {  	_ =	shalt  }
0x84: {  	_ =	shalt  }
0x85: {  	_ =	shalt  }
0x86: {  	_ =	shalt  }
0x87: {  	_ =	shalt  }
.Lfunc_end0:
.L_simem_size_0:
called_computation_lowered:
.L_overlay_start_0:
0x88: {  	s2 =	sld [smem:$0x3FD9]  }
0x89: {  	s3 =	sld [smem:$0x3FFE];
	_ =	sdelay $0x1  }
0x8a: {  	s1 =	srdreg.scid  }
0x8b: {  	s0 =	sand.u32 $0x1, s1  }
0x8c: {  	s17 =	sshll.u32 s0, $0xA;
	s2 =	sadd.s32 s3, s2  }
0x8d: {  	s2 =	sadd.s32 s2, s17  }
0x8e: {  	[smem:$0x3FBF] =	sst s2  }
0x8f: {  	_ = 	snop  }
0x90: {  	s2 =	sld [smem:$0x3FC7]  }
0x91: {  	s18 =	sld [smem:$0x3FD0];
	(tm) =	ssettm $0x1  }
0x92: {  	s4 =	sld [smem:$0x3FFB];
	_ =	sdelay $0x3  }
0x93: {  	_ =	strace s4  }
0x94: {  	s4 =	sld [smem:$0x3FFC];
	_ =	sdelay $0x3  }
0x95: {  	_ =	strace s4  }
0x96: {  	s4 =	sld [smem:$0x3FFD];
	_ =	sdelay $0x3  }
0x97: {  	_ =	strace s4  }
0x98: {  	_ =	strace $0x8FFFFFFF  }
0x99: {  	s19 =	sld [smem:$0x3FDB];
	_ =	sdelay $0x1  }
0x9a: {  	s5 =	simm.s32 $_scs_section_size  }
0x9b: {  	s6 =	simm.s32 $_size__tile_overlayer_lowered;
	s7 =	simm.s32 $_tile_overlayer_lowered  }
0x9c: {  	s22 =	simm.s32 $0x1BFF;
	s21 =	sshll.u32 s7, $0x1;
	s4 =	sadd.s32 s5, s19  }
0x9d: {  	s8 =	simm.s32 $0x0;
	s20 =	sshll.u32 s6, $0x1;
	s6 =	sadd.s32 s21, s4  }
0x9e: {  	[timem:s8], [sflag:s22] =	dma.local [hbm:s6], s20  }
0x9f: {  	_ =	swait.ge [sflag:s22], s20  }
0xa0: {  	s5 =	ssub.s32 $0x0, s20;
	[sflag:s22] =	ssyncset.done $0x0  }
0xa1: {  	[sflag:s22] =	ssyncadd.s32 s5;
	_ =	sdelay $0x1  }
0xa2: {  	s23 =	simm.s32 $0x1B8B  }
0xa3: {  	_ =	swait.ge [sflag:s23], $0x1  }
0xa4: {  	[sflag:s23] =	ssyncset.done $0x0  }
0xa5: {  	s25 =	simm.s32 $0x1B8E;
	s24 =	sld [smem:$0x3FFE];
	[sflag:s23] =	ssyncadd.s32 $0xFFFFFFFF  }
0xa6: {  	s26 =	simm.s32 $execute0_lowered;
	[smem:$0x3FD2] =	sst s25  }
0xa7: {  	s6 =	sshll.u32 s26, $0x1;
	_ =	strace $0x80000046;
	[dreg:$0x1] =	wrdreg $0xFFFFFFFF  }
0xa8: {  	s28 =	simm.s32 $_size_execute0_lowered;
	s4 =	sadd.s32 s4, s6;
	[dreg:$0x0] =	wrdreg $0x0  }
0xa9: {  	s6 =	sshll.u32 s28, $0x1;
	[dreg:$0x2] =	wrdreg s4  }
0xaa: {  	[dreg:$0x3] =	wrdreg s6  }
0xab: {  	[dreg:$0x4] =	wrdreg $0xC0  }
0xac: {  	_ =	task [dreg:s8], $0x5FFFF  }
0xad: {  	[dreg:$0x1] =	wrdreg $0xFFFFFFFF  }
0xae: {  	[dreg:$0x0] =	wrdreg $0x60  }
0xaf: {  	[dreg:$0x2] =	wrdreg s24  }
0xb0: {  	[dreg:$0x3] =	wrdreg s2  }
0xb1: {  	[dreg:$0x4] =	wrdreg s18  }
0xb2: {  	[dreg:$0x5] =	wrdreg $0x9  }
0xb3: {  	_ =	task.clear_ibuf [dreg:s8], $0x6FFFF;
	_ =	strace $0x90000046  }
0xb4: {  	s29 =	simm.s32 $0x9;
	_ =	strace $0x80000048  }
0xb5: {  	_ =	swait.ge [sflag:s29], $0x1  }
0xb6: {  	[sflag:s29] =	ssyncadd.s32 $0xFFFFFFFF  }
0xb7: {  	_ =	strace $0x90000048  }
0xb8: {  	_ =	sfence  }
0xb9: {  	s30 =	sld [smem:$0x0];
	_ =	sdelay $0x2  }
0xba: {  	s31 =	sshll.u32 s1, $0xD;
	s1 =	sshrl.u32 s1, $0x2  }
0xbb: {  	s3 =	sand.u32 $0x4000, s31;
	s1 =	sadd.s32 s1, s30  }
0xbc: {  	s0 =	sor.u32 s3, s0;
	s1 =	sshll.u32 s1, $0x11  }
0xbd: {  	s0 =	sor.u32 s1, s0  }
0xbe: {  	s0 =	sadd.s32 $0x8F2B, s0  }
0xbf: {  	[sflag:s0] =	ssyncadd.remote.s32 $0x1  }
0xc0: {  	_ =	sfence.sel $0xFFFF  }
0xc1: {  	[dreg:$0x0] =	wrdreg $0xFFFFFFFF;
	(pc) =	sbr.abs _section_cstart, $3  }
0xc2: {  	[dreg:$0x1] =	wrdreg $0xFFFFFFFF  }
0xc3: {  	_ =	task.clear_ibuf [dreg:s8], $0x2FFFF;
	_ =	strace $0x9FFFFFFF  }
0xc4: {  	(tm) =	ssettm $0x7FFFFFFF  }
0xc5: {  	_ =	shalt  }
tec
execute0_lowered:
.L_overlay_start_1:
0x0: {  	(tag) =	ssettag $0x1  }
0x1: {  	s3 =	rddreg [dreg:$0x0]  }
0x2: {  	s4 =	rddreg [dreg:$0x1];
	s1 =	srdreg.scid  }
0x3: {  	s0 =	stileid.u32;
	s5 =	rddreg [dreg:$0x2];
	s11 =	simm.s32 $0x400  }
0x4: {  	s12 =	simm.s32 $0x0;
	s6 =	sand.u32 $0x1, s1;
	s2 =	sshll.u32 s0, $0x1  }
0x5: {  	s1 =	rddreg [dreg:$0x3];
	s9 =	sshrl.u32 s0, $0x2;
	s7 =	sor.u32 s6, s2  }
0x6: {  	s2 =	simm.s32 $0x0;
	s9 =	smul.u32 $0x13C00, s9;
	s6 =	ssub.s32 $0x2, s6  }
0x7: {  	s8 =	smul.u32 $0x4E2, s7;
	[smem:$0x7FF] =	sst s2;
	s7 =	sshll.u32 s7, $0x7  }
0x8: {  	s10 =	sshrl.u32 s6, $0x1;
	_ =	strace $0x80000047;
	s7 =	sand.u32 $0x380, s7  }
0x9: {  	s6 =	ssub.s32 s6, s10;
	s10 =	simm.s32 $0x80;
	s3 =	sadd.s32 s8, s3  }
0xa: {  	s7 =	sor.u32 s9, s7;
	s4 =	sadd.s32 s4, s8;
	s6 =	smax.u32 s6, $0x1  }
0xb: {  	s8 =	simm.s32 $0x2780;
	s9 =	simm.s32 $0x4F00;
	s7 =	sshrl.u32 s7, $0x3  }
0xc: {  	v0 =	vimm.f32 $0.0e+00;
	s3 =	sadd.s32 $0xD400, s3;
	s5 =	sadd.s32 s5, s7;
	s7 =	simm.s32 $0x1  }
.LBB2_1:
0xd: {  	[tilespmem:s2], [sflag:$0x1] =	stream.linear.gather [hbm4b:s3+s2], $0x2710, $0x38;
	[tilespmem:$0x7680] =	vst v63  }
0xe: {  	_ =	swait.ge [sflag:s7], $0x2710  }
0xf: {  	[sflag:s7] =	ssyncset.done $0x0  }
0x10: {  	[sflag:s7] =	ssyncadd.s32 $0xFFFFD8F0  }
0x11: {  	[tilespmem:s8], [sflag:$0x1] =	stream.linear.gather [hbm4b:s4+s2], $0x2710, $0x38;
	[tilespmem:$0x7680] =	vst v63  }
0x12: {  	_ =	swait.ge [sflag:s7], $0x2710  }
0x13: {  	[sflag:s7] =	ssyncset.done $0x0  }
0x14: {  	s13 =	simm.s32 $0x0;
	[sflag:s7] =	ssyncadd.s32 $0xFFFFD8F0  }
.LBB2_2:
0x15: {  	p0 =	sne.s32 s13, $0x9C00  }
.Ltmp0:
0x16: {  	_ = 	snop;
	(pc) =	sbr.rel @p0 .LBB2_2-.Ltmp0, $3  }
0x17: {  	_ =	sdelay $0x1  }
0x18: {  	s14 =	sshra.s32 s13, $0x2  }
0x19: {  	s13 =	sadd.s32 $0x40, s13;
	[tilespmem:s14+$0x4F00] =	vst v0  }
0x1a: {  	s14 =	simm.s32 $0x0;
	s13 =	simm.s32 $0x40  }
.LBB2_4:
0x1b: {  	p0 =	sne.s32 s13, $0x9C00;
	v1 =	vld [tilespmem:s14+$0x0];
	_ =	sdelay $0x2  }
0x1c: {  	v2 =	vld [tilespmem:s14+$0x2780]  }
.Ltmp1:
0x1d: {  	(pc) =	sbr.rel @p0 .LBB2_4-.Ltmp1, $2  }
0x1e: {  	_ =	sdelay $0x2  }
0x1f: {  	s14 =	sshra.s32 s13, $0x2;
	s13 =	sadd.s32 $0x40, s13;
	[tilespmem:v1+s9+$0x0] =	vst.idx.add.f32.msk $0xffff, v2  }
0x20: {  	v1 =	vld [tilespmem:s14+$0x0];
	_ =	sdelay $0x2  }
0x21: {  	v2 =	vld [tilespmem:s14+$0x2780];
	_ =	sdelay $0x2  }
0x22: {  	s12 =	sadd.s32 $0x1, s12  }
0x23: {  	p0 =	sne.s32 s12, s6  }
.Ltmp2:
0x24: {  	[tilespmem:v1+s9+$0x0] =	vst.idx.add.f32.msk $0xffff, v2;
	(pc) =	sbr.rel @p0 .LBB2_1-.Ltmp2, $4  }
0x25: {  	[hbm4b:s5+s10] =	stream.strided.scatter [tilespmem:s9], [sflag:$0x1], $0x2780, s11, s10, $0x38;
	[tilespmem:$0x7680] =	vst v63  }
0x26: {  	_ =	swait.ge [sflag:s7], $0x2780  }
0x27: {  	[sflag:s7] =	ssyncset.done $0x0  }
0x28: {  	[sflag:s7] =	ssyncadd.s32 $0xFFFFD880  }
0x29: {  	_ =	sfence.sel $0x180000  }
0x2a: {  	[bflag:$0x0] =	sbarrier.arrive $0xFFFF  }
0x2b: {  	p0 =	sne.s32 s0, $0x0;
	_ =	strace $0x90000047  }
0x2c: {  	s0 =	sadd.s32 @!p0 $0x100000, s1;
	[bflag:$0x2] =	sbarrier.arrive $0xFFFF  }
0x2d: {  	[sflag:s0] =	ssyncadd.tile.s32 @!p0 $0x1;
	_ =	shalt  }
.Lfunc_end2:
_tile_overlayer_lowered:
.L_overlay_start_2:
0x2e: {  	(tag) =	ssettag $0x2  }
0x2f: {  	s0 =	rddreg [dreg:$0x0];
	s2 =	stileid.u32  }
0x30: {  	s1 =	rddreg [dreg:$0x1];
	p0 =	sne.s32 s2, $0x0  }
0x31: {  	s3 =	rddreg [dreg:$0x2];
	[bflag:$0x3] =	sbarrier.arrive $0xFFFF;
	s2 =	simm.s32 @!p0 $0x1C01  }
0x32: {  	[timem:s3], [sflag:s2] =	dma.local @!p0 [hbm:s0], s1  }
0x33: {  	s0 =	simm.s32 @!p0 $0x1  }
0x34: {  	_ =	swait.ge @!p0 [sflag:s0], s1  }
0x35: {  	s1 =	ssub.s32 @!p0 $0x0, s1;
	[sflag:s0] =	ssyncset.done @!p0 $0x0  }
0x36: {  	[sflag:s0] =	ssyncadd.s32 @!p0 s1  }
0x37: {  	[bflag:$0x3] =	sbarrier.arrive $0xFFFF  }
0x38: {  	_ =	shalt  }

// kernel: kernel.15.cloned.1.call-start
scs
__scs_entry_jumppad:
0x0: {  	(pc) =	sbr.rel $0x88, $3  }
0x1: {  	(tag) =	ssettag $0x0;
	lr =	simm.s32 $0x1  }
0x2: {  	[smem:$0x3F98] =	sst lr;
	_ =	strace $0xD0000000  }
0x3: {  	_ = 	snop  }
0x4: {  	_ = 	snop  }
0x5: {  	_ = 	snop  }
0x6: {  	_ = 	snop  }
0x7: {  	_ = 	snop  }
__scs_overlays_trampoline_lowered:
0x8: {  	[smem:$0x3FA7] =	sst s0  }
0x9: {  	[smem:$0x3FA8] =	sst s1  }
0xa: {  	[smem:$0x3FA9] =	sst s2  }
0xb: {  	[smem:$0x3FAA] =	sst s3  }
0xc: {  	[smem:$0x3FAB] =	sst s4  }
0xd: {  	[smem:$0x3FAC] =	sst s5  }
0xe: {  	[smem:$0x3FAD] =	sst s6  }
0xf: {  	[smem:$0x3FAE] =	sst s7  }
0x10: {  	[smem:$0x3FAF] =	sst s8  }
0x11: {  	[smem:$0x3FB0] =	sst s9;
	s0 =	simm.s32 @!p0 $0x0  }
0x12: {  	s1 =	sld [smem:$0x3F96];
	s0 =	simm.s32 @p0 $0x1  }
0x13: {  	[smem:$0x3FB1] =	sst s0;
	s0 =	simm.s32 @!p1 $0x0  }
0x14: {  	s2 =	sld [smem:$0x3F95];
	s0 =	simm.s32 @p1 $0x1  }
0x15: {  	[smem:$0x3FB2] =	sst s0;
	s0 =	simm.s32 @!p2 $0x0  }
0x16: {  	s3 =	sld [smem:$0x3FDB];
	s0 =	simm.s32 @p2 $0x1  }
0x17: {  	s4 =	simm.s32 $0x1BF5;
	[smem:$0x3FB4] =	sst s0  }
0x18: {  	s0 =	sld [smem:$0x3F97];
	_ =	swait.ge [sflag:s4], $0x0  }
0x19: {  	s7 =	sld [smem:$0x3F98]  }
0x1a: {  	s8 =	sadd.s32 $0xFFFFE003, lr  }
0x1b: {  	s9 =	sadd.s32 $0xFFFFFEF7, lr;
	s5 =	simm.s32 $0xFFFFFFFF;
	p2 =	slt.u32 s8, $0xFFFFF086  }
0x1c: {  	p1 =	slt.u32 s9, $0xF7A;
	s5 =	simm.s32 @!p2 $0x0  }
0x1d: {  	s5 =	simm.s32 @p1 $0x1;
	p0 =	seq.s32 s7, s2  }
0x1e: {  	s7 =	smul.u32 @!p0 $0xF7A, s2;
	p2 =	seq.s32 @!p0 s5, $0x0  }
0x1f: {  	s9 =	smul.u32 $0xF7A, s1;
	s8 =	simm.s32 @!p0 $0x1BF5;
	p2 =	por !p2, p0  }
0x20: {  	[sflag:s8] =	ssyncset.s32 @!p0 $0xFFFFF086;
	s6 =	sadd.s32 @!p0 s3, s7;
	s7 =	simm.s32 @!p0 $0x108  }
0x21: {  	s3 =	sadd.s32 s3, s9;
	s6 =	sadd.s32 @!p0 $0x88, s6;
	s7 =	simm.s32 @p2 $0x1082  }
0x22: {  	[simem:s7], [sflag:s8] =	dma.local @!p0 [hbm:s6], $0xF7A  }
0x23: {  	s9 =	sor.u32 $0xD0000000, s2;
	s6 =	simm.s32 $0x108;
	_ =	swait.ge @!p0 [sflag:s8], $0x0  }
0x24: {  	s3 =	sadd.s32 $0x88, s3;
	s6 =	simm.s32 @!p1 $0x1082;
	[sflag:s4] =	ssyncset.s32 $0xFFFFF086  }
0x25: {  	[simem:s6], [sflag:s4] =	dma.local [hbm:s3], $0xF7A  }
0x26: {  	[smem:$0x3F98] =	sst s1;
	(tag) =	ssettag s2;
	_ =	strace s9  }
0x27: {  	s1 =	sld [smem:$0x3FA8]  }
0x28: {  	s2 =	sld [smem:$0x3FA9]  }
0x29: {  	s4 =	sld [smem:$0x3FAB]  }
0x2a: {  	p0 =	seq.s32 s5, $0x0;
	s5 =	sld [smem:$0x3FAC]  }
0x2b: {  	s6 =	sld [smem:$0x3FAD]  }
0x2c: {  	s7 =	sld [smem:$0x3FAE]  }
0x2d: {  	s3 =	simm.s32 $0x108;
	s8 =	sld [smem:$0x3FAF]  }
0x2e: {  	s3 =	simm.s32 @!p0 $0x1082;
	s9 =	sld [smem:$0x3FB0]  }
0x2f: {  	lr =	sadd.s32 s0, s3;
	s0 =	sld [smem:$0x3FA7]  }
0x30: {  	s3 =	sld [smem:$0x3FAA]  }
0x31: {  	[smem:$0x3FB3] =	sst s10  }
0x32: {  	s10 =	sld [smem:$0x3FB1];
	_ =	sdelay $0x3  }
0x33: {  	p0 =	seq.s32 s10, $0x1;
	s10 =	sld [smem:$0x3FB3];
	_ =	sdelay $0x3  }
0x34: {  	[smem:$0x3FB3] =	sst s10  }
0x35: {  	s10 =	sld [smem:$0x3FB2];
	_ =	sdelay $0x3  }
0x36: {  	p1 =	seq.s32 s10, $0x1;
	s10 =	sld [smem:$0x3FB3];
	_ =	sdelay $0x3  }
0x37: {  	[smem:$0x3FB3] =	sst s10  }
0x38: {  	s10 =	sld [smem:$0x3FB4]  }
0x39: {  	_ = 	snop;
	(pc) =	sbr.ind lr, $3  }
0x3a: {  	_ = 	snop  }
0x3b: {  	_ = 	snop  }
0x3c: {  	p2 =	seq.s32 s10, $0x1;
	s10 =	sld [smem:$0x3FB3]  }
0x3d: {  	_ =	shalt  }
0x3e: {  	_ =	shalt  }
0x3f: {  	_ =	shalt  }
0x40: {  	_ =	shalt  }
0x41: {  	_ =	shalt  }
0x42: {  	_ =	shalt  }
0x43: {  	_ =	shalt  }
0x44: {  	_ =	shalt  }
0x45: {  	_ =	shalt  }
0x46: {  	_ =	shalt  }
0x47: {  	_ =	shalt  }
0x48: {  	_ =	shalt  }
0x49: {  	_ =	shalt  }
0x4a: {  	_ =	shalt  }
0x4b: {  	_ =	shalt  }
0x4c: {  	_ =	shalt  }
0x4d: {  	_ =	shalt  }
0x4e: {  	_ =	shalt  }
0x4f: {  	_ =	shalt  }
0x50: {  	_ =	shalt  }
0x51: {  	_ =	shalt  }
0x52: {  	_ =	shalt  }
0x53: {  	_ =	shalt  }
0x54: {  	_ =	shalt  }
0x55: {  	_ =	shalt  }
0x56: {  	_ =	shalt  }
0x57: {  	_ =	shalt  }
0x58: {  	_ =	shalt  }
0x59: {  	_ =	shalt  }
0x5a: {  	_ =	shalt  }
0x5b: {  	_ =	shalt  }
0x5c: {  	_ =	shalt  }
0x5d: {  	_ =	shalt  }
0x5e: {  	_ =	shalt  }
0x5f: {  	_ =	shalt  }
0x60: {  	_ =	shalt  }
0x61: {  	_ =	shalt  }
0x62: {  	_ =	shalt  }
0x63: {  	_ =	shalt  }
0x64: {  	_ =	shalt  }
0x65: {  	_ =	shalt  }
0x66: {  	_ =	shalt  }
0x67: {  	_ =	shalt  }
0x68: {  	_ =	shalt  }
0x69: {  	_ =	shalt  }
0x6a: {  	_ =	shalt  }
0x6b: {  	_ =	shalt  }
0x6c: {  	_ =	shalt  }
0x6d: {  	_ =	shalt  }
0x6e: {  	_ =	shalt  }
0x6f: {  	_ =	shalt  }
0x70: {  	_ =	shalt  }
0x71: {  	_ =	shalt  }
0x72: {  	_ =	shalt  }
0x73: {  	_ =	shalt  }
0x74: {  	_ =	shalt  }
0x75: {  	_ =	shalt  }
0x76: {  	_ =	shalt  }
0x77: {  	_ =	shalt  }
0x78: {  	_ =	shalt  }
0x79: {  	_ =	shalt  }
0x7a: {  	_ =	shalt  }
0x7b: {  	_ =	shalt  }
0x7c: {  	_ =	shalt  }
0x7d: {  	_ =	shalt  }
0x7e: {  	_ =	shalt  }
0x7f: {  	_ =	shalt  }
0x80: {  	_ =	shalt  }
0x81: {  	_ =	shalt  }
0x82: {  	_ =	shalt  }
0x83: {  	_ =	shalt  }
0x84: {  	_ =	shalt  }
0x85: {  	_ =	shalt  }
0x86: {  	_ =	shalt  }
0x87: {  	_ =	shalt  }
.Lfunc_end0:
.L_simem_size_0:
called_computation.1_lowered:
.L_overlay_start_0:
0x88: {  	s2 =	sld [smem:$0x3FD9]  }
0x89: {  	s3 =	sld [smem:$0x3FFE];
	_ =	sdelay $0x1  }
0x8a: {  	s1 =	srdreg.scid  }
0x8b: {  	s0 =	sand.u32 $0x1, s1  }
0x8c: {  	s17 =	sshll.u32 s0, $0xA;
	s2 =	sadd.s32 s3, s2  }
0x8d: {  	s2 =	sadd.s32 s2, s17  }
0x8e: {  	[smem:$0x3FBF] =	sst s2  }
0x8f: {  	_ = 	snop  }
0x90: {  	s2 =	sld [smem:$0x3FC7]  }
0x91: {  	s18 =	sld [smem:$0x3FD0];
	(tm) =	ssettm $0x1  }
0x92: {  	s4 =	sld [smem:$0x3FFB];
	_ =	sdelay $0x3  }
0x93: {  	_ =	strace s4  }
0x94: {  	s4 =	sld [smem:$0x3FFC];
	_ =	sdelay $0x3  }
0x95: {  	_ =	strace s4  }
0x96: {  	s4 =	sld [smem:$0x3FFD];
	_ =	sdelay $0x3  }
0x97: {  	_ =	strace s4  }
0x98: {  	_ =	strace $0x8FFFFFFF  }
0x99: {  	s19 =	sld [smem:$0x3FDB];
	_ =	sdelay $0x1  }
0x9a: {  	s5 =	simm.s32 $_scs_section_size  }
0x9b: {  	s6 =	simm.s32 $_size__tile_overlayer_lowered;
	s7 =	simm.s32 $_tile_overlayer_lowered  }
0x9c: {  	s22 =	simm.s32 $0x1BFF;
	s21 =	sshll.u32 s7, $0x1;
	s4 =	sadd.s32 s5, s19  }
0x9d: {  	s8 =	simm.s32 $0x0;
	s20 =	sshll.u32 s6, $0x1;
	s6 =	sadd.s32 s21, s4  }
0x9e: {  	[timem:s8], [sflag:s22] =	dma.local [hbm:s6], s20  }
0x9f: {  	_ =	swait.ge [sflag:s22], s20  }
0xa0: {  	s5 =	ssub.s32 $0x0, s20;
	[sflag:s22] =	ssyncset.done $0x0  }
0xa1: {  	[sflag:s22] =	ssyncadd.s32 s5;
	_ =	sdelay $0x1  }
0xa2: {  	s23 =	simm.s32 $0x1B8B  }
0xa3: {  	_ =	swait.ge [sflag:s23], $0x1  }
0xa4: {  	[sflag:s23] =	ssyncset.done $0x0  }
0xa5: {  	s25 =	simm.s32 $0x1B8E;
	s24 =	sld [smem:$0x3FFE];
	[sflag:s23] =	ssyncadd.s32 $0xFFFFFFFF  }
0xa6: {  	s26 =	simm.s32 $execute0_lowered;
	[smem:$0x3FD2] =	sst s25  }
0xa7: {  	s6 =	sshll.u32 s26, $0x1;
	_ =	strace $0x80000049;
	[dreg:$0x1] =	wrdreg $0xFFFFFFFF  }
0xa8: {  	s28 =	simm.s32 $_size_execute0_lowered;
	s4 =	sadd.s32 s4, s6;
	[dreg:$0x0] =	wrdreg $0x0  }
0xa9: {  	s6 =	sshll.u32 s28, $0x1;
	[dreg:$0x2] =	wrdreg s4  }
0xaa: {  	[dreg:$0x3] =	wrdreg s6  }
0xab: {  	[dreg:$0x4] =	wrdreg $0xC0  }
0xac: {  	_ =	task [dreg:s8], $0x5FFFF  }
0xad: {  	[dreg:$0x1] =	wrdreg $0xFFFFFFFF  }
0xae: {  	[dreg:$0x0] =	wrdreg $0x60  }
0xaf: {  	[dreg:$0x2] =	wrdreg s24  }
0xb0: {  	[dreg:$0x3] =	wrdreg s2  }
0xb1: {  	[dreg:$0x4] =	wrdreg s18  }
0xb2: {  	[dreg:$0x5] =	wrdreg $0x9  }
0xb3: {  	_ =	task.clear_ibuf [dreg:s8], $0x6FFFF;
	_ =	strace $0x90000049  }
0xb4: {  	s29 =	simm.s32 $0x9;
	_ =	strace $0x8000004B  }
0xb5: {  	_ =	swait.ge [sflag:s29], $0x1  }
0xb6: {  	[sflag:s29] =	ssyncadd.s32 $0xFFFFFFFF  }
0xb7: {  	_ =	strace $0x9000004B  }
0xb8: {  	_ =	sfence  }
0xb9: {  	s30 =	sld [smem:$0x0];
	_ =	sdelay $0x2  }
0xba: {  	s31 =	sshll.u32 s1, $0xD;
	s1 =	sshrl.u32 s1, $0x2  }
0xbb: {  	s3 =	sand.u32 $0x4000, s31;
	s1 =	sadd.s32 s1, s30  }
0xbc: {  	s0 =	sor.u32 s3, s0;
	s1 =	sshll.u32 s1, $0x11  }
0xbd: {  	s0 =	sor.u32 s1, s0  }
0xbe: {  	s0 =	sadd.s32 $0x8F2B, s0  }
0xbf: {  	[sflag:s0] =	ssyncadd.remote.s32 $0x1  }
0xc0: {  	_ =	sfence.sel $0xFFFF  }
0xc1: {  	[dreg:$0x0] =	wrdreg $0xFFFFFFFF;
	(pc) =	sbr.abs _section_cstart, $3  }
0xc2: {  	[dreg:$0x1] =	wrdreg $0xFFFFFFFF  }
0xc3: {  	_ =	task.clear_ibuf [dreg:s8], $0x2FFFF;
	_ =	strace $0x9FFFFFFF  }
0xc4: {  	(tm) =	ssettm $0x7FFFFFFF  }
0xc5: {  	_ =	shalt  }
tec
execute0_lowered:
.L_overlay_start_1:
0x0: {  	(tag) =	ssettag $0x1  }
0x1: {  	s3 =	rddreg [dreg:$0x0]  }
0x2: {  	s6 =	rddreg [dreg:$0x1];
	s1 =	srdreg.scid  }
0x3: {  	s0 =	stileid.u32;
	s7 =	rddreg [dreg:$0x2]  }
0x4: {  	s2 =	simm.s32 $0x0;
	s10 =	simm.s32 $0x2780;
	s11 =	simm.s32 $0x4F00  }
0x5: {  	s12 =	simm.s32 $0x9E00;
	s4 =	sand.u32 $0x1, s1;
	s5 =	sshll.u32 s0, $0x1  }
0x6: {  	s13 =	simm.s32 $0x7680;
	s14 =	simm.s32 $0x0;
	s5 =	sor.u32 s4, s5  }
0x7: {  	[smem:$0x7FF] =	sst s2;
	s4 =	ssub.s32 $0x2, s4;
	s8 =	smul.u32 $0x4E2, s5  }
0x8: {  	s1 =	rddreg [dreg:$0x3];
	_ =	strace $0x8000004A;
	s9 =	sshrl.u32 s4, $0x1  }
0x9: {  	s9 =	ssub.s32 s4, s9;
	s5 =	sadd.s32 s8, s3;
	s3 =	sadd.s32 $0x17200, s3  }
0xa: {  	s6 =	sadd.s32 s6, s8;
	s7 =	sadd.s32 s7, s8;
	s8 =	smax.u32 s9, $0x1  }
0xb: {  	s9 =	simm.s32 $0x1;
	s4 =	sadd.s32 $0x3600, s5;
	s5 =	sadd.s32 $0xD400, s5  }
.LBB2_1:
0xc: {  	[tilespmem:s2], [sflag:$0x1] =	stream.linear.gather [hbm4b:s4+s2], $0x2710, $0x38;
	[tilespmem:$0xC580] =	vst v63  }
0xd: {  	_ =	swait.ge [sflag:s9], $0x2710  }
0xe: {  	[sflag:s9] =	ssyncset.done $0x0  }
0xf: {  	[sflag:s9] =	ssyncadd.s32 $0xFFFFD8F0  }
0x10: {  	[tilespmem:s10], [sflag:$0x1] =	stream.linear.gather [hbm4b:s5+s2], $0x2710, $0x38;
	[tilespmem:$0xC580] =	vst v63  }
0x11: {  	_ =	swait.ge [sflag:s9], $0x2710  }
0x12: {  	[sflag:s9] =	ssyncset.done $0x0  }
0x13: {  	[sflag:s9] =	ssyncadd.s32 $0xFFFFD8F0  }
0x14: {  	[tilespmem:s11], [sflag:$0x1] =	stream.linear.gather [hbm4b:s6+s2], $0x2710, $0x38;
	[tilespmem:$0xC580] =	vst v63  }
0x15: {  	_ =	swait.ge [sflag:s9], $0x2710  }
0x16: {  	[sflag:s9] =	ssyncset.done $0x0  }
0x17: {  	[sflag:s9] =	ssyncadd.s32 $0xFFFFD8F0  }
0x18: {  	[tilespmem:s12], [sflag:$0x1] =	stream.linear.gather [hbm4b:s3+s2], $0x2780, $0x38;
	[tilespmem:$0xC580] =	vst v63  }
0x19: {  	_ =	swait.ge [sflag:s9], $0x2780  }
0x1a: {  	[sflag:s9] =	ssyncset.done $0x0  }
0x1b: {  	s15 =	simm.s32 $0x0;
	[sflag:s9] =	ssyncadd.s32 $0xFFFFD880  }
0x1c: {  	v0 =	vld [tilespmem:s15+$0x0]  }
0x1d: {  	v2 =	vld [tilespmem:s15+$0x2780];
	_ =	sdelay $0x5  }
0x1e: {  	v1 =	vld [tilespmem:s15+$0x4F00]  }
0x1f: {  	v0 =	vld.idx.msk [tilespmem:v0+s12+$0x0], $0xffff  }
0x20: {  	s16 =	simm.s32 $0x10;
	s17 =	simm.s32 $0x80;
	v2 =	vld.idx.msk [tilespmem:v2+s12+$0x0], $0xffff  }
.LBB2_2:
0x21: {  	p0 =	sne.s32 s17, $0x9C00;
	v3 =	vld [tilespmem:s16+$0x0];
	_ =	sdelay $0x1  }
0x22: {  	v4 =	vld [tilespmem:s16+$0x2780]  }
0x23: {  	v0 =	vmul.f32 v0, v1;
	_ =	sdelay $0x1  }
0x24: {  	v0 =	vmul.f32 v2, v0  }
.Ltmp0:
0x25: {  	(pc) =	sbr.rel @p0 .LBB2_2-.Ltmp0, $4  }
0x26: {  	[tilespmem:s15+$0x7680] =	vst v0;
	s15 =	smov.u32 s16  }
0x27: {  	v0 =	vld.idx.msk [tilespmem:v3+s12+$0x0], $0xffff  }
0x28: {  	v1 =	vld [tilespmem:s15+$0x4F00]  }
0x29: {  	s16 =	sshra.s32 s17, $0x2;
	s17 =	sadd.s32 $0x40, s17;
	v2 =	vld.idx.msk [tilespmem:v4+s12+$0x0], $0xffff  }
0x2a: {  	v3 =	vld [tilespmem:s16+$0x0];
	_ =	sdelay $0x2  }
0x2b: {  	v4 =	vld [tilespmem:s16+$0x2780];
	v0 =	vmul.f32 v0, v1;
	_ =	sdelay $0x1  }
0x2c: {  	v0 =	vmul.f32 v2, v0;
	_ =	sdelay $0x1  }
0x2d: {  	[tilespmem:s15+$0x7680] =	vst v0  }
0x2e: {  	v0 =	vld.idx.msk [tilespmem:v3+s12+$0x0], $0xffff  }
0x2f: {  	v62 =	vld [tilespmem:s16+$0x4F00];
	_ =	sdelay $0x1  }
0x30: {  	v63 =	vld.idx.msk [tilespmem:v4+s12+$0x0], $0xffff;
	_ =	sdelay $0x2  }
0x31: {  	v0 =	vmul.f32 v0, v62;
	_ =	sdelay $0x1  }
0x32: {  	s14 =	sadd.s32 $0x1, s14;
	v0 =	vmul.f32 v63, v0  }
0x33: {  	p0 =	sne.s32 s14, s8  }
.Ltmp1:
0x34: {  	[tilespmem:s16+$0x7680] =	vst v0;
	(pc) =	sbr.rel @p0 .LBB2_1-.Ltmp1, $4  }
0x35: {  	[hbm4b:s7+s2] =	stream.linear.scatter [tilespmem:s13], [sflag:$0x1], $0x2710, $0x38;
	[tilespmem:$0xC580] =	vst v63  }
0x36: {  	_ =	swait.ge [sflag:s9], $0x2710  }
0x37: {  	[sflag:s9] =	ssyncset.done $0x0  }
0x38: {  	[sflag:s9] =	ssyncadd.s32 $0xFFFFD8F0  }
0x39: {  	_ =	sfence.sel $0x180000  }
0x3a: {  	[bflag:$0x0] =	sbarrier.arrive $0xFFFF  }
0x3b: {  	p0 =	sne.s32 s0, $0x0;
	_ =	strace $0x9000004A  }
0x3c: {  	s0 =	sadd.s32 @!p0 $0x100000, s1;
	[bflag:$0x2] =	sbarrier.arrive $0xFFFF  }
0x3d: {  	[sflag:s0] =	ssyncadd.tile.s32 @!p0 $0x1;
	_ =	shalt  }
.Lfunc_end2:
_tile_overlayer_lowered:
.L_overlay_start_2:
0x3e: {  	(tag) =	ssettag $0x2  }
0x3f: {  	s0 =	rddreg [dreg:$0x0];
	s2 =	stileid.u32  }
0x40: {  	s1 =	rddreg [dreg:$0x1];
	p0 =	sne.s32 s2, $0x0  }
0x41: {  	s3 =	rddreg [dreg:$0x2];
	[bflag:$0x3] =	sbarrier.arrive $0xFFFF;
	s2 =	simm.s32 @!p0 $0x1C01  }
0x42: {  	[timem:s3], [sflag:s2] =	dma.local @!p0 [hbm:s0], s1  }
0x43: {  	s0 =	simm.s32 @!p0 $0x1  }
0x44: {  	_ =	swait.ge @!p0 [sflag:s0], s1  }
0x45: {  	s1 =	ssub.s32 @!p0 $0x0, s1;
	[sflag:s0] =	ssyncset.done @!p0 $0x0  }
0x46: {  	[sflag:s0] =	ssyncadd.s32 @!p0 s1  }
0x47: {  	[bflag:$0x3] =	sbarrier.arrive $0xFFFF  }
0x48: {  	_ =	shalt  }

// kernel: kernel.18.cloned.1.call-start
scs
__scs_entry_jumppad:
0x0: {  	(pc) =	sbr.rel $0x88, $3  }
0x1: {  	(tag) =	ssettag $0x0;
	lr =	simm.s32 $0x1  }
0x2: {  	[smem:$0x3F98] =	sst lr;
	_ =	strace $0xD0000000  }
0x3: {  	_ = 	snop  }
0x4: {  	_ = 	snop  }
0x5: {  	_ = 	snop  }
0x6: {  	_ = 	snop  }
0x7: {  	_ = 	snop  }
__scs_overlays_trampoline_lowered:
0x8: {  	[smem:$0x3FA7] =	sst s0  }
0x9: {  	[smem:$0x3FA8] =	sst s1  }
0xa: {  	[smem:$0x3FA9] =	sst s2  }
0xb: {  	[smem:$0x3FAA] =	sst s3  }
0xc: {  	[smem:$0x3FAB] =	sst s4  }
0xd: {  	[smem:$0x3FAC] =	sst s5  }
0xe: {  	[smem:$0x3FAD] =	sst s6  }
0xf: {  	[smem:$0x3FAE] =	sst s7  }
0x10: {  	[smem:$0x3FAF] =	sst s8  }
0x11: {  	[smem:$0x3FB0] =	sst s9;
	s0 =	simm.s32 @!p0 $0x0  }
0x12: {  	s1 =	sld [smem:$0x3F96];
	s0 =	simm.s32 @p0 $0x1  }
0x13: {  	[smem:$0x3FB1] =	sst s0;
	s0 =	simm.s32 @!p1 $0x0  }
0x14: {  	s2 =	sld [smem:$0x3F95];
	s0 =	simm.s32 @p1 $0x1  }
0x15: {  	[smem:$0x3FB2] =	sst s0;
	s0 =	simm.s32 @!p2 $0x0  }
0x16: {  	s3 =	sld [smem:$0x3FDB];
	s0 =	simm.s32 @p2 $0x1  }
0x17: {  	s4 =	simm.s32 $0x1BF5;
	[smem:$0x3FB4] =	sst s0  }
0x18: {  	s0 =	sld [smem:$0x3F97];
	_ =	swait.ge [sflag:s4], $0x0  }
0x19: {  	s7 =	sld [smem:$0x3F98]  }
0x1a: {  	s8 =	sadd.s32 $0xFFFFE003, lr  }
0x1b: {  	s9 =	sadd.s32 $0xFFFFFEF7, lr;
	s5 =	simm.s32 $0xFFFFFFFF;
	p2 =	slt.u32 s8, $0xFFFFF086  }
0x1c: {  	p1 =	slt.u32 s9, $0xF7A;
	s5 =	simm.s32 @!p2 $0x0  }
0x1d: {  	s5 =	simm.s32 @p1 $0x1;
	p0 =	seq.s32 s7, s2  }
0x1e: {  	s7 =	smul.u32 @!p0 $0xF7A, s2;
	p2 =	seq.s32 @!p0 s5, $0x0  }
0x1f: {  	s9 =	smul.u32 $0xF7A, s1;
	s8 =	simm.s32 @!p0 $0x1BF5;
	p2 =	por !p2, p0  }
0x20: {  	[sflag:s8] =	ssyncset.s32 @!p0 $0xFFFFF086;
	s6 =	sadd.s32 @!p0 s3, s7;
	s7 =	simm.s32 @!p0 $0x108  }
0x21: {  	s3 =	sadd.s32 s3, s9;
	s6 =	sadd.s32 @!p0 $0x88, s6;
	s7 =	simm.s32 @p2 $0x1082  }
0x22: {  	[simem:s7], [sflag:s8] =	dma.local @!p0 [hbm:s6], $0xF7A  }
0x23: {  	s9 =	sor.u32 $0xD0000000, s2;
	s6 =	simm.s32 $0x108;
	_ =	swait.ge @!p0 [sflag:s8], $0x0  }
0x24: {  	s3 =	sadd.s32 $0x88, s3;
	s6 =	simm.s32 @!p1 $0x1082;
	[sflag:s4] =	ssyncset.s32 $0xFFFFF086  }
0x25: {  	[simem:s6], [sflag:s4] =	dma.local [hbm:s3], $0xF7A  }
0x26: {  	[smem:$0x3F98] =	sst s1;
	(tag) =	ssettag s2;
	_ =	strace s9  }
0x27: {  	s1 =	sld [smem:$0x3FA8]  }
0x28: {  	s2 =	sld [smem:$0x3FA9]  }
0x29: {  	s4 =	sld [smem:$0x3FAB]  }
0x2a: {  	p0 =	seq.s32 s5, $0x0;
	s5 =	sld [smem:$0x3FAC]  }
0x2b: {  	s6 =	sld [smem:$0x3FAD]  }
0x2c: {  	s7 =	sld [smem:$0x3FAE]  }
0x2d: {  	s3 =	simm.s32 $0x108;
	s8 =	sld [smem:$0x3FAF]  }
0x2e: {  	s3 =	simm.s32 @!p0 $0x1082;
	s9 =	sld [smem:$0x3FB0]  }
0x2f: {  	lr =	sadd.s32 s0, s3;
	s0 =	sld [smem:$0x3FA7]  }
0x30: {  	s3 =	sld [smem:$0x3FAA]  }
0x31: {  	[smem:$0x3FB3] =	sst s10  }
0x32: {  	s10 =	sld [smem:$0x3FB1];
	_ =	sdelay $0x3  }
0x33: {  	p0 =	seq.s32 s10, $0x1;
	s10 =	sld [smem:$0x3FB3];
	_ =	sdelay $0x3  }
0x34: {  	[smem:$0x3FB3] =	sst s10  }
0x35: {  	s10 =	sld [smem:$0x3FB2];
	_ =	sdelay $0x3  }
0x36: {  	p1 =	seq.s32 s10, $0x1;
	s10 =	sld [smem:$0x3FB3];
	_ =	sdelay $0x3  }
0x37: {  	[smem:$0x3FB3] =	sst s10  }
0x38: {  	s10 =	sld [smem:$0x3FB4]  }
0x39: {  	_ = 	snop;
	(pc) =	sbr.ind lr, $3  }
0x3a: {  	_ = 	snop  }
0x3b: {  	_ = 	snop  }
0x3c: {  	p2 =	seq.s32 s10, $0x1;
	s10 =	sld [smem:$0x3FB3]  }
0x3d: {  	_ =	shalt  }
0x3e: {  	_ =	shalt  }
0x3f: {  	_ =	shalt  }
0x40: {  	_ =	shalt  }
0x41: {  	_ =	shalt  }
0x42: {  	_ =	shalt  }
0x43: {  	_ =	shalt  }
0x44: {  	_ =	shalt  }
0x45: {  	_ =	shalt  }
0x46: {  	_ =	shalt  }
0x47: {  	_ =	shalt  }
0x48: {  	_ =	shalt  }
0x49: {  	_ =	shalt  }
0x4a: {  	_ =	shalt  }
0x4b: {  	_ =	shalt  }
0x4c: {  	_ =	shalt  }
0x4d: {  	_ =	shalt  }
0x4e: {  	_ =	shalt  }
0x4f: {  	_ =	shalt  }
0x50: {  	_ =	shalt  }
0x51: {  	_ =	shalt  }
0x52: {  	_ =	shalt  }
0x53: {  	_ =	shalt  }
0x54: {  	_ =	shalt  }
0x55: {  	_ =	shalt  }
0x56: {  	_ =	shalt  }
0x57: {  	_ =	shalt  }
0x58: {  	_ =	shalt  }
0x59: {  	_ =	shalt  }
0x5a: {  	_ =	shalt  }
0x5b: {  	_ =	shalt  }
0x5c: {  	_ =	shalt  }
0x5d: {  	_ =	shalt  }
0x5e: {  	_ =	shalt  }
0x5f: {  	_ =	shalt  }
0x60: {  	_ =	shalt  }
0x61: {  	_ =	shalt  }
0x62: {  	_ =	shalt  }
0x63: {  	_ =	shalt  }
0x64: {  	_ =	shalt  }
0x65: {  	_ =	shalt  }
0x66: {  	_ =	shalt  }
0x67: {  	_ =	shalt  }
0x68: {  	_ =	shalt  }
0x69: {  	_ =	shalt  }
0x6a: {  	_ =	shalt  }
0x6b: {  	_ =	shalt  }
0x6c: {  	_ =	shalt  }
0x6d: {  	_ =	shalt  }
0x6e: {  	_ =	shalt  }
0x6f: {  	_ =	shalt  }
0x70: {  	_ =	shalt  }
0x71: {  	_ =	shalt  }
0x72: {  	_ =	shalt  }
0x73: {  	_ =	shalt  }
0x74: {  	_ =	shalt  }
0x75: {  	_ =	shalt  }
0x76: {  	_ =	shalt  }
0x77: {  	_ =	shalt  }
0x78: {  	_ =	shalt  }
0x79: {  	_ =	shalt  }
0x7a: {  	_ =	shalt  }
0x7b: {  	_ =	shalt  }
0x7c: {  	_ =	shalt  }
0x7d: {  	_ =	shalt  }
0x7e: {  	_ =	shalt  }
0x7f: {  	_ =	shalt  }
0x80: {  	_ =	shalt  }
0x81: {  	_ =	shalt  }
0x82: {  	_ =	shalt  }
0x83: {  	_ =	shalt  }
0x84: {  	_ =	shalt  }
0x85: {  	_ =	shalt  }
0x86: {  	_ =	shalt  }
0x87: {  	_ =	shalt  }
.Lfunc_end0:
.L_simem_size_0:
called_computation.2_lowered:
.L_overlay_start_0:
0x88: {  	s2 =	sld [smem:$0x3FD9]  }
0x89: {  	s3 =	sld [smem:$0x3FFE];
	_ =	sdelay $0x1  }
0x8a: {  	s1 =	srdreg.scid  }
0x8b: {  	s0 =	sand.u32 $0x1, s1  }
0x8c: {  	s17 =	sshll.u32 s0, $0xA;
	s2 =	sadd.s32 s3, s2  }
0x8d: {  	s2 =	sadd.s32 s2, s17  }
0x8e: {  	[smem:$0x3FBF] =	sst s2  }
0x8f: {  	_ = 	snop  }
0x90: {  	s2 =	sld [smem:$0x3FD0];
	(tm) =	ssettm $0x1  }
0x91: {  	s18 =	sld [smem:$0x3FFB];
	_ =	sdelay $0x3  }
0x92: {  	_ =	strace s18  }
0x93: {  	s3 =	sld [smem:$0x3FFC];
	_ =	sdelay $0x3  }
0x94: {  	_ =	strace s3  }
0x95: {  	s3 =	sld [smem:$0x3FFD];
	_ =	sdelay $0x3  }
0x96: {  	_ =	strace s3  }
0x97: {  	_ =	strace $0x8FFFFFFF  }
0x98: {  	s19 =	sld [smem:$0x3FDB];
	_ =	sdelay $0x1  }
0x99: {  	s4 =	simm.s32 $_scs_section_size  }
0x9a: {  	s5 =	simm.s32 $_size__tile_overlayer_lowered;
	s6 =	simm.s32 $_tile_overlayer_lowered  }
0x9b: {  	s22 =	simm.s32 $0x1BFF;
	s21 =	sshll.u32 s6, $0x1;
	s3 =	sadd.s32 s4, s19  }
0x9c: {  	s7 =	simm.s32 $0x0;
	s20 =	sshll.u32 s5, $0x1;
	s5 =	sadd.s32 s21, s3  }
0x9d: {  	[timem:s7], [sflag:s22] =	dma.local [hbm:s5], s20  }
0x9e: {  	_ =	swait.ge [sflag:s22], s20  }
0x9f: {  	s4 =	ssub.s32 $0x0, s20;
	[sflag:s22] =	ssyncset.done $0x0  }
0xa0: {  	[sflag:s22] =	ssyncadd.s32 s4;
	_ =	sdelay $0x1  }
0xa1: {  	s23 =	simm.s32 $0x1B8B  }
0xa2: {  	_ =	swait.ge [sflag:s23], $0x1  }
0xa3: {  	[sflag:s23] =	ssyncset.done $0x0  }
0xa4: {  	s25 =	simm.s32 $0x1B8E;
	s24 =	sld [smem:$0x3FFE];
	[sflag:s23] =	ssyncadd.s32 $0xFFFFFFFF  }
0xa5: {  	s26 =	simm.s32 $execute0_lowered;
	[smem:$0x3FD2] =	sst s25  }
0xa6: {  	s5 =	sshll.u32 s26, $0x1;
	_ =	strace $0x8000004C;
	[dreg:$0x1] =	wrdreg $0xFFFFFFFF  }
0xa7: {  	s28 =	simm.s32 $_size_execute0_lowered;
	s3 =	sadd.s32 s3, s5;
	[dreg:$0x0] =	wrdreg $0x0  }
0xa8: {  	s5 =	sshll.u32 s28, $0x1;
	[dreg:$0x2] =	wrdreg s3  }
0xa9: {  	[dreg:$0x3] =	wrdreg s5  }
0xaa: {  	[dreg:$0x4] =	wrdreg $0xC0  }
0xab: {  	_ =	task [dreg:s7], $0x5FFFF  }
0xac: {  	[dreg:$0x1] =	wrdreg $0xFFFFFFFF  }
0xad: {  	[dreg:$0x0] =	wrdreg $0x60  }
0xae: {  	[dreg:$0x2] =	wrdreg s24  }
0xaf: {  	[dreg:$0x3] =	wrdreg s2  }
0xb0: {  	[dreg:$0x4] =	wrdreg $0x9  }
0xb1: {  	_ =	task.clear_ibuf [dreg:s7], $0x5FFFF;
	_ =	strace $0x9000004C  }
0xb2: {  	s29 =	simm.s32 $0x9;
	_ =	strace $0x8000004E  }
0xb3: {  	_ =	swait.ge [sflag:s29], $0x1  }
0xb4: {  	[sflag:s29] =	ssyncadd.s32 $0xFFFFFFFF  }
0xb5: {  	_ =	strace $0x9000004E  }
0xb6: {  	_ =	sfence  }
0xb7: {  	s30 =	sld [smem:$0x0];
	_ =	sdelay $0x2  }
0xb8: {  	s31 =	sshll.u32 s1, $0xD;
	s1 =	sshrl.u32 s1, $0x2  }
0xb9: {  	s3 =	sand.u32 $0x4000, s31;
	s1 =	sadd.s32 s1, s30  }
0xba: {  	s0 =	sor.u32 s3, s0;
	s1 =	sshll.u32 s1, $0x11  }
0xbb: {  	s0 =	sor.u32 s1, s0  }
0xbc: {  	s0 =	sadd.s32 $0x8F2B, s0  }
0xbd: {  	[sflag:s0] =	ssyncadd.remote.s32 $0x1  }
0xbe: {  	_ =	sfence.sel $0xFFFF  }
0xbf: {  	[dreg:$0x0] =	wrdreg $0xFFFFFFFF;
	(pc) =	sbr.abs _section_cstart, $3  }
0xc0: {  	[dreg:$0x1] =	wrdreg $0xFFFFFFFF  }
0xc1: {  	_ =	task.clear_ibuf [dreg:s7], $0x2FFFF;
	_ =	strace $0x9FFFFFFF  }
0xc2: {  	(tm) =	ssettm $0x7FFFFFFF  }
0xc3: {  	_ =	shalt  }
tec
execute0_lowered:
.L_overlay_start_1:
0x0: {  	(tag) =	ssettag $0x1  }
0x1: {  	s6 =	rddreg [dreg:$0x0]  }
0x2: {  	s2 =	rddreg [dreg:$0x1]  }
0x3: {  	s0 =	rddreg [dreg:$0x2]  }
0x4: {  	s4 =	srdreg.scid;
	s1 =	stileid.u32;
	s3 =	simm.s32 $0x0  }
0x5: {  	s11 =	simm.s32 $0x400;
	s12 =	simm.s32 $0x3;
	s13 =	simm.s32 $0x9E00  }
0x6: {  	s14 =	simm.s32 $0x13C00;
	s15 =	simm.s32 $0x14C00;
	s16 =	simm.s32 $0x15C00  }
0x7: {  	s17 =	simm.s32 $0x1;
	s18 =	simm.s32 $0x16C00;
	s19 =	simm.s32 $0x17C00  }
0x8: {  	s20 =	simm.s32 $0x18C00;
	s5 =	sand.u32 $0x1, s4;
	s30 =	smul.u32 $0x13C00, s1  }
0x9: {  	s21 =	simm.s32 $0x2;
	s22 =	simm.s32 $0x0;
	s7 =	sshll.u32 s5, $0x9  }
0xa: {  	[smem:$0x7FF] =	sst s3;
	s4 =	sadd.s32 $0x3600, s6;
	s7 =	sor.u32 s7, s30  }
0xb: {  	_ =	strace $0x8000004D;
	s8 =	ssub.s32 $0x2, s5;
	s7 =	sshrl.u32 s7, $0x3  }
0xc: {  	s5 =	sadd.s32 $0xD400, s6;
	s31 =	sshrl.u32 s8, $0x1;
	s9 =	sadd.s32 s7, s6  }
0xd: {  	s10 =	ssub.s32 s8, s31;
	s6 =	sadd.s32 $0x17800, s9;
	s7 =	sadd.s32 $0x3F000, s9  }
0xe: {  	s8 =	sadd.s32 $0x66800, s9;
	s9 =	smax.u32 s10, $0x1;
	s10 =	simm.s32 $0x200  }
.LBB2_1:
0xf: {  	[tilespmem:s3], [sflag:$0x3] =	stream.strided.gather [hbm4b:s6+s10], $0x9E00, s11, s10, $0x38;
	[tilespmem:$0x19C00] =	vst v63  }
0x10: {  	_ =	swait.ge [sflag:s12], $0x9E00  }
0x11: {  	[sflag:s12] =	ssyncset.done $0x0  }
0x12: {  	[sflag:s12] =	ssyncadd.s32 $0xFFFF6200  }
0x13: {  	[tilespmem:s13], [sflag:$0x3] =	stream.strided.gather [hbm4b:s7+s10], $0x9E00, s11, s10, $0x38;
	[tilespmem:$0x19C00] =	vst v63  }
0x14: {  	_ =	swait.ge [sflag:s12], $0x9E00  }
0x15: {  	[sflag:s12] =	ssyncset.done $0x0  }
0x16: {  	[sflag:s12] =	ssyncadd.s32 $0xFFFF6200  }
0x17: {  	[tilespmem:s14], [sflag:$0x1] =	stream.linear.gather [hbm4b:s4+s3], $0xFA0, $0x38;
	[tilespmem:$0x19C00] =	vst v63  }
0x18: {  	_ = 	snop  }
0x19: {  	[tilespmem:s15], [sflag:$0x1] =	stream.linear.gather [hbm4b:s5+s3], $0xFA0, $0x38;
	[tilespmem:$0x19C00] =	vst v63  }
0x1a: {  	s23 =	simm.s32 $0x0  }
0x1b: {  	[tilespmem:s16], [sflag:$0x1] =	stream.linear.gather [hbm4b:s2+s3], $0xFA0, $0x38;
	[tilespmem:$0x19C00] =	vst v63  }
.LBB2_2:
0x1c: {  	_ =	swait.ge [sflag:s17], $0xFA0  }
0x1d: {  	[sflag:s17] =	ssyncset.done $0x0  }
0x1e: {  	[sflag:s17] =	ssyncadd.s32 $0xFFFFF060  }
0x1f: {  	_ =	swait.ge [sflag:s17], $0xFA0  }
0x20: {  	[sflag:s17] =	ssyncset.done $0x0  }
0x21: {  	s24 =	smul.u32 $0x3E8, s23;
	[sflag:s17] =	ssyncadd.s32 $0xFFFFF060  }
0x22: {  	_ =	swait.ge [sflag:s17], $0xFA0  }
0x23: {  	s25 =	sadd.s32 $0x1F4, s24;
	[sflag:s17] =	ssyncset.done $0x0  }
0x24: {  	s24 =	simm.s32 $0x0;
	s26 =	sadd.s32 s4, s25;
	[sflag:s17] =	ssyncadd.s32 $0xFFFFF060  }
0x25: {  	[tilespmem:s18], [sflag:$0x2] =	stream.linear.gather [hbm4b:s26+s24], $0xFA0, $0x38;
	[tilespmem:$0x19C00] =	vst v63  }
0x26: {  	s31 =	sadd.s32 s5, s25  }
0x27: {  	[tilespmem:s19], [sflag:$0x2] =	stream.linear.gather [hbm4b:s31+s24], $0xFA0, $0x38;
	[tilespmem:$0x19C00] =	vst v63  }
0x28: {  	s25 =	sadd.s32 s2, s25  }
0x29: {  	[tilespmem:s20], [sflag:$0x2] =	stream.linear.gather [hbm4b:s25+s24], $0xFA0, $0x38;
	[tilespmem:$0x19C00] =	vst v63  }
.LBB2_3:
0x2a: {  	s25 =	sshra.s32 s24, $0x2  }
0x2b: {  	v0 =	vld [tilespmem:s25+$0x13C00];
	_ =	sdelay $0x4  }
0x2c: {  	v1 =	vshll.u32 v0, $0x2  }
0x2d: {  	v0 =	vand.u32 $0x7F, v0;
	v1 =	vand.u32 $0xFFFFFE00, v1  }
0x2e: {  	v2 =	vld [tilespmem:s25+$0x14C00];
	v0 =	vor.u32 v0, v1;
	_ =	sdelay $0x3  }
0x2f: {  	v53 =	vld [tilespmem:s25+$0x15C00]  }
0x30: {  	v4 =	vshll.u32 v2, $0x2;
	v3 =	vld.idx.msk [tilespmem:v0+s3+$0x0], $0xffff  }
0x31: {  	v2 =	vand.u32 $0x7F, v2;
	v4 =	vand.u32 $0xFFFFFE00, v4  }
0x32: {  	v2 =	vor.u32 v2, v4  }
0x33: {  	v54 =	vor.u32 $0x80, v0;
	_ =	sdelay $0x1  }
0x34: {  	v3 =	vmul.f32 v3, v53;
	_ =	sdelay $0x1  }
0x35: {  	[tilespmem:v2+s13+$0x0] =	vst.idx.add.f32.msk $0xffff, v3  }
0x36: {  	v3 =	vld.idx.msk [tilespmem:v54+s3+$0x0], $0xffff;
	_ =	sdelay $0x1  }
0x37: {  	v55 =	vor.u32 $0x80, v2  }
0x38: {  	v5 =	vor.u32 $0x100, v0;
	_ =	sdelay $0x1  }
0x39: {  	v3 =	vmul.f32 v3, v53;
	_ =	sdelay $0x1  }
0x3a: {  	[tilespmem:v55+s13+$0x0] =	vst.idx.add.f32.msk $0xffff, v3  }
0x3b: {  	v3 =	vld.idx.msk [tilespmem:v5+s3+$0x0], $0xffff;
	_ =	sdelay $0x1  }
0x3c: {  	v56 =	vor.u32 $0x100, v2  }
0x3d: {  	v0 =	vor.u32 $0x180, v0;
	_ =	sdelay $0x1  }
0x3e: {  	v3 =	vmul.f32 v3, v53;
	_ =	sdelay $0x1  }
0x3f: {  	[tilespmem:v56+s13+$0x0] =	vst.idx.add.f32.msk $0xffff, v3  }
0x40: {  	v0 =	vld.idx.msk [tilespmem:v0+s3+$0x0], $0xffff;
	_ =	sdelay $0x1  }
0x41: {  	v2 =	vor.u32 $0x180, v2;
	_ =	sdelay $0x2  }
0x42: {  	v0 =	vmul.f32 v0, v53;
	_ =	sdelay $0x1  }
0x43: {  	[tilespmem:v2+s13+$0x0] =	vst.idx.add.f32.msk $0xffff, v0  }
0x44: {  	v0 =	vld [tilespmem:s25+$0x13C10];
	_ =	sdelay $0x4  }
0x45: {  	v57 =	vshll.u32 v0, $0x2  }
0x46: {  	v0 =	vand.u32 $0x7F, v0;
	v1 =	vand.u32 $0xFFFFFE00, v57  }
0x47: {  	v2 =	vld [tilespmem:s25+$0x14C10];
	v0 =	vor.u32 v0, v1;
	_ =	sdelay $0x3  }
0x48: {  	v58 =	vld [tilespmem:s25+$0x15C10]  }
0x49: {  	v59 =	vshll.u32 v2, $0x2;
	v3 =	vld.idx.msk [tilespmem:v0+s3+$0x0], $0xffff  }
0x4a: {  	v2 =	vand.u32 $0x7F, v2;
	v4 =	vand.u32 $0xFFFFFE00, v59  }
0x4b: {  	v2 =	vor.u32 v2, v4  }
0x4c: {  	v60 =	vor.u32 $0x80, v0;
	_ =	sdelay $0x1  }
0x4d: {  	v3 =	vmul.f32 v3, v58;
	_ =	sdelay $0x1  }
0x4e: {  	[tilespmem:v2+s13+$0x0] =	vst.idx.add.f32.msk $0xffff, v3  }
0x4f: {  	v3 =	vld.idx.msk [tilespmem:v60+s3+$0x0], $0xffff;
	_ =	sdelay $0x1  }
0x50: {  	v61 =	vor.u32 $0x80, v2  }
0x51: {  	v62 =	vor.u32 $0x100, v0;
	_ =	sdelay $0x1  }
0x52: {  	v3 =	vmul.f32 v3, v58;
	_ =	sdelay $0x1  }
0x53: {  	[tilespmem:v61+s13+$0x0] =	vst.idx.add.f32.msk $0xffff, v3  }
0x54: {  	v3 =	vld.idx.msk [tilespmem:v62+s3+$0x0], $0xffff;
	_ =	sdelay $0x1  }
0x55: {  	v63 =	vor.u32 $0x100, v2  }
0x56: {  	v0 =	vor.u32 $0x180, v0;
	_ =	sdelay $0x1  }
0x57: {  	v3 =	vmul.f32 v3, v58;
	_ =	sdelay $0x1  }
0x58: {  	[tilespmem:v63+s13+$0x0] =	vst.idx.add.f32.msk $0xffff, v3  }
0x59: {  	v0 =	vld.idx.msk [tilespmem:v0+s3+$0x0], $0xffff;
	_ =	sdelay $0x1  }
0x5a: {  	p0 =	sne.s32 s24, $0x3E00;
	v2 =	vor.u32 $0x180, v2  }
.Ltmp0:
0x5b: {  	_ = 	snop;
	(pc) =	sbr.rel @p0 .LBB2_3-.Ltmp0, $3  }
0x5c: {  	_ = 	snop  }
0x5d: {  	v0 =	vmul.f32 v0, v58;
	_ =	sdelay $0x1  }
0x5e: {  	s24 =	sadd.s32 $0x80, s24;
	[tilespmem:v2+s13+$0x0] =	vst.idx.add.f32.msk $0xffff, v0  }
0x5f: {  	_ =	swait.ge [sflag:s21], $0xFA0  }
0x60: {  	[sflag:s21] =	ssyncset.done $0x0  }
0x61: {  	s24 =	sshll.u32 s23, $0x1;
	[sflag:s21] =	ssyncadd.s32 $0xFFFFF060  }
0x62: {  	s24 =	smin.u32 s24, $0x4D;
	_ =	swait.ge [sflag:s21], $0xFA0  }
0x63: {  	s24 =	smul.u32 $0xFA0, s24;
	[sflag:s21] =	ssyncset.done $0x0  }
0x64: {  	[sflag:s21] =	ssyncadd.s32 $0xFFFFF060  }
0x65: {  	s24 =	sshrl.u32 s24, $0x3;
	_ =	swait.ge [sflag:s21], $0xFA0  }
0x66: {  	s25 =	sadd.s32 $0x3E8, s24;
	[sflag:s21] =	ssyncset.done $0x0  }
0x67: {  	s24 =	simm.s32 $0x0;
	s26 =	sadd.s32 s4, s25;
	[sflag:s21] =	ssyncadd.s32 $0xFFFFF060  }
0x68: {  	[tilespmem:s14], [sflag:$0x1] =	stream.linear.gather [hbm4b:s26+s24], $0xFA0, $0x38;
	[tilespmem:$0x19C00] =	vst v63  }
0x69: {  	s31 =	sadd.s32 s5, s25  }
0x6a: {  	[tilespmem:s15], [sflag:$0x1] =	stream.linear.gather [hbm4b:s31+s24], $0xFA0, $0x38;
	[tilespmem:$0x19C00] =	vst v63  }
0x6b: {  	s25 =	sadd.s32 s2, s25  }
0x6c: {  	[tilespmem:s16], [sflag:$0x1] =	stream.linear.gather [hbm4b:s25+s24], $0xFA0, $0x38;
	[tilespmem:$0x19C00] =	vst v63  }
.LBB2_5:
0x6d: {  	s25 =	sshra.s32 s24, $0x2  }
0x6e: {  	v0 =	vld [tilespmem:s25+$0x16C00];
	_ =	sdelay $0x4  }
0x6f: {  	v1 =	vshll.u32 v0, $0x2  }
0x70: {  	v0 =	vand.u32 $0x7F, v0;
	v1 =	vand.u32 $0xFFFFFE00, v1  }
0x71: {  	v2 =	vld [tilespmem:s25+$0x17C00];
	v0 =	vor.u32 v0, v1;
	_ =	sdelay $0x3  }
0x72: {  	v53 =	vld [tilespmem:s25+$0x18C00]  }
0x73: {  	v4 =	vshll.u32 v2, $0x2;
	v3 =	vld.idx.msk [tilespmem:v0+s3+$0x0], $0xffff  }
0x74: {  	v2 =	vand.u32 $0x7F, v2;
	v4 =	vand.u32 $0xFFFFFE00, v4  }
0x75: {  	v2 =	vor.u32 v2, v4  }
0x76: {  	v54 =	vor.u32 $0x80, v0;
	_ =	sdelay $0x1  }
0x77: {  	v3 =	vmul.f32 v3, v53;
	_ =	sdelay $0x1  }
0x78: {  	[tilespmem:v2+s13+$0x0] =	vst.idx.add.f32.msk $0xffff, v3  }
0x79: {  	v3 =	vld.idx.msk [tilespmem:v54+s3+$0x0], $0xffff;
	_ =	sdelay $0x1  }
0x7a: {  	v55 =	vor.u32 $0x80, v2  }
0x7b: {  	v5 =	vor.u32 $0x100, v0;
	_ =	sdelay $0x1  }
0x7c: {  	v3 =	vmul.f32 v3, v53;
	_ =	sdelay $0x1  }
0x7d: {  	[tilespmem:v55+s13+$0x0] =	vst.idx.add.f32.msk $0xffff, v3  }
0x7e: {  	v3 =	vld.idx.msk [tilespmem:v5+s3+$0x0], $0xffff;
	_ =	sdelay $0x1  }
0x7f: {  	v56 =	vor.u32 $0x100, v2  }
0x80: {  	v0 =	vor.u32 $0x180, v0;
	_ =	sdelay $0x1  }
0x81: {  	v3 =	vmul.f32 v3, v53;
	_ =	sdelay $0x1  }
0x82: {  	[tilespmem:v56+s13+$0x0] =	vst.idx.add.f32.msk $0xffff, v3  }
0x83: {  	v0 =	vld.idx.msk [tilespmem:v0+s3+$0x0], $0xffff;
	_ =	sdelay $0x1  }
0x84: {  	v2 =	vor.u32 $0x180, v2;
	_ =	sdelay $0x2  }
0x85: {  	v0 =	vmul.f32 v0, v53;
	_ =	sdelay $0x1  }
0x86: {  	[tilespmem:v2+s13+$0x0] =	vst.idx.add.f32.msk $0xffff, v0  }
0x87: {  	v0 =	vld [tilespmem:s25+$0x16C10];
	_ =	sdelay $0x4  }
0x88: {  	v57 =	vshll.u32 v0, $0x2  }
0x89: {  	v0 =	vand.u32 $0x7F, v0;
	v1 =	vand.u32 $0xFFFFFE00, v57  }
0x8a: {  	v2 =	vld [tilespmem:s25+$0x17C10];
	v0 =	vor.u32 v0, v1;
	_ =	sdelay $0x3  }
0x8b: {  	v58 =	vld [tilespmem:s25+$0x18C10]  }
0x8c: {  	v59 =	vshll.u32 v2, $0x2;
	v3 =	vld.idx.msk [tilespmem:v0+s3+$0x0], $0xffff  }
0x8d: {  	v2 =	vand.u32 $0x7F, v2;
	v4 =	vand.u32 $0xFFFFFE00, v59  }
0x8e: {  	v2 =	vor.u32 v2, v4  }
0x8f: {  	v60 =	vor.u32 $0x80, v0;
	_ =	sdelay $0x1  }
0x90: {  	v3 =	vmul.f32 v3, v58;
	_ =	sdelay $0x1  }
0x91: {  	[tilespmem:v2+s13+$0x0] =	vst.idx.add.f32.msk $0xffff, v3  }
0x92: {  	v3 =	vld.idx.msk [tilespmem:v60+s3+$0x0], $0xffff;
	_ =	sdelay $0x1  }
0x93: {  	v61 =	vor.u32 $0x80, v2  }
0x94: {  	v62 =	vor.u32 $0x100, v0;
	_ =	sdelay $0x1  }
0x95: {  	v3 =	vmul.f32 v3, v58;
	_ =	sdelay $0x1  }
0x96: {  	[tilespmem:v61+s13+$0x0] =	vst.idx.add.f32.msk $0xffff, v3  }
0x97: {  	v3 =	vld.idx.msk [tilespmem:v62+s3+$0x0], $0xffff;
	_ =	sdelay $0x1  }
0x98: {  	v63 =	vor.u32 $0x100, v2  }
0x99: {  	v0 =	vor.u32 $0x180, v0;
	_ =	sdelay $0x1  }
0x9a: {  	v3 =	vmul.f32 v3, v58;
	_ =	sdelay $0x1  }
0x9b: {  	[tilespmem:v63+s13+$0x0] =	vst.idx.add.f32.msk $0xffff, v3  }
0x9c: {  	v0 =	vld.idx.msk [tilespmem:v0+s3+$0x0], $0xffff;
	_ =	sdelay $0x1  }
0x9d: {  	p0 =	sne.s32 s24, $0x3E00;
	v2 =	vor.u32 $0x180, v2  }
.Ltmp1:
0x9e: {  	_ = 	snop;
	(pc) =	sbr.rel @p0 .LBB2_5-.Ltmp1, $3  }
0x9f: {  	_ = 	snop  }
0xa0: {  	v0 =	vmul.f32 v0, v58;
	_ =	sdelay $0x1  }
0xa1: {  	s24 =	sadd.s32 $0x80, s24;
	[tilespmem:v2+s13+$0x0] =	vst.idx.add.f32.msk $0xffff, v0  }
0xa2: {  	s23 =	sadd.s32 $0x1, s23  }
0xa3: {  	p0 =	sne.s32 s23, $0x28  }
.Ltmp2:
0xa4: {  	_ = 	snop;
	(pc) =	sbr.rel @p0 .LBB2_2-.Ltmp2, $1  }
0xa5: {  	_ =	sdelay $0x3  }
0xa6: {  	_ =	swait.ge [sflag:s17], $0xFA0  }
0xa7: {  	[sflag:s17] =	ssyncset.done $0x0  }
0xa8: {  	[sflag:s17] =	ssyncadd.s32 $0xFFFFF060  }
0xa9: {  	_ =	swait.ge [sflag:s17], $0xFA0  }
0xaa: {  	[sflag:s17] =	ssyncset.done $0x0  }
0xab: {  	[sflag:s17] =	ssyncadd.s32 $0xFFFFF060  }
0xac: {  	s22 =	sadd.s32 $0x1, s22;
	_ =	swait.ge [sflag:s17], $0xFA0  }
0xad: {  	p0 =	sne.s32 s22, s9;
	[sflag:s17] =	ssyncset.done $0x0  }
.Ltmp3:
0xae: {  	[sflag:s17] =	ssyncadd.s32 $0xFFFFF060;
	(pc) =	sbr.rel @p0 .LBB2_1-.Ltmp3, $4  }
0xaf: {  	[hbm4b:s8+s10] =	stream.strided.scatter [tilespmem:s13], [sflag:$0x3], $0x9E00, s11, s10, $0x38;
	[tilespmem:$0x19C00] =	vst v63  }
0xb0: {  	_ =	swait.ge [sflag:s12], $0x9E00  }
0xb1: {  	[sflag:s12] =	ssyncset.done $0x0  }
0xb2: {  	[sflag:s12] =	ssyncadd.s32 $0xFFFF6200  }
0xb3: {  	_ =	sfence.sel $0x180000  }
0xb4: {  	[bflag:$0x0] =	sbarrier.arrive $0xFFFF  }
0xb5: {  	p0 =	sne.s32 s1, $0x0;
	_ =	strace $0x9000004D  }
0xb6: {  	s0 =	sadd.s32 @!p0 $0x100000, s0;
	[bflag:$0x2] =	sbarrier.arrive $0xFFFF  }
0xb7: {  	[sflag:s0] =	ssyncadd.tile.s32 @!p0 $0x1;
	_ =	shalt  }
.Lfunc_end2:
_tile_overlayer_lowered:
.L_overlay_start_2:
0xb8: {  	(tag) =	ssettag $0x2  }
0xb9: {  	s0 =	rddreg [dreg:$0x0];
	s2 =	stileid.u32  }
0xba: {  	s1 =	rddreg [dreg:$0x1];
	p0 =	sne.s32 s2, $0x0  }
0xbb: {  	s3 =	rddreg [dreg:$0x2];
	[bflag:$0x3] =	sbarrier.arrive $0xFFFF;
	s2 =	simm.s32 @!p0 $0x1C03  }
0xbc: {  	[timem:s3], [sflag:s2] =	dma.local @!p0 [hbm:s0], s1  }
0xbd: {  	s0 =	simm.s32 @!p0 $0x3  }
0xbe: {  	_ =	swait.ge @!p0 [sflag:s0], s1  }
0xbf: {  	s1 =	ssub.s32 @!p0 $0x0, s1;
	[sflag:s0] =	ssyncset.done @!p0 $0x0  }
0xc0: {  	[sflag:s0] =	ssyncadd.s32 @!p0 s1  }
0xc1: {  	[bflag:$0x3] =	sbarrier.arrive $0xFFFF  }
0xc2: {  	_ =	shalt  }

// kernel: kernel.21.cloned.1.call-start
scs
__scs_entry_jumppad:
0x0: {  	(pc) =	sbr.rel $0x88, $3  }
0x1: {  	(tag) =	ssettag $0x0;
	lr =	simm.s32 $0x1  }
0x2: {  	[smem:$0x3F98] =	sst lr;
	_ =	strace $0xD0000000  }
0x3: {  	_ = 	snop  }
0x4: {  	_ = 	snop  }
0x5: {  	_ = 	snop  }
0x6: {  	_ = 	snop  }
0x7: {  	_ = 	snop  }
__scs_overlays_trampoline_lowered:
0x8: {  	[smem:$0x3FA7] =	sst s0  }
0x9: {  	[smem:$0x3FA8] =	sst s1  }
0xa: {  	[smem:$0x3FA9] =	sst s2  }
0xb: {  	[smem:$0x3FAA] =	sst s3  }
0xc: {  	[smem:$0x3FAB] =	sst s4  }
0xd: {  	[smem:$0x3FAC] =	sst s5  }
0xe: {  	[smem:$0x3FAD] =	sst s6  }
0xf: {  	[smem:$0x3FAE] =	sst s7  }
0x10: {  	[smem:$0x3FAF] =	sst s8  }
0x11: {  	[smem:$0x3FB0] =	sst s9;
	s0 =	simm.s32 @!p0 $0x0  }
0x12: {  	s1 =	sld [smem:$0x3F96];
	s0 =	simm.s32 @p0 $0x1  }
0x13: {  	[smem:$0x3FB1] =	sst s0;
	s0 =	simm.s32 @!p1 $0x0  }
0x14: {  	s2 =	sld [smem:$0x3F95];
	s0 =	simm.s32 @p1 $0x1  }
0x15: {  	[smem:$0x3FB2] =	sst s0;
	s0 =	simm.s32 @!p2 $0x0  }
0x16: {  	s3 =	sld [smem:$0x3FDB];
	s0 =	simm.s32 @p2 $0x1  }
0x17: {  	s4 =	simm.s32 $0x1BF5;
	[smem:$0x3FB4] =	sst s0  }
0x18: {  	s0 =	sld [smem:$0x3F97];
	_ =	swait.ge [sflag:s4], $0x0  }
0x19: {  	s7 =	sld [smem:$0x3F98]  }
0x1a: {  	s8 =	sadd.s32 $0xFFFFE003, lr  }
0x1b: {  	s9 =	sadd.s32 $0xFFFFFEF7, lr;
	s5 =	simm.s32 $0xFFFFFFFF;
	p2 =	slt.u32 s8, $0xFFFFF086  }
0x1c: {  	p1 =	slt.u32 s9, $0xF7A;
	s5 =	simm.s32 @!p2 $0x0  }
0x1d: {  	s5 =	simm.s32 @p1 $0x1;
	p0 =	seq.s32 s7, s2  }
0x1e: {  	s7 =	smul.u32 @!p0 $0xF7A, s2;
	p2 =	seq.s32 @!p0 s5, $0x0  }
0x1f: {  	s9 =	smul.u32 $0xF7A, s1;
	s8 =	simm.s32 @!p0 $0x1BF5;
	p2 =	por !p2, p0  }
0x20: {  	[sflag:s8] =	ssyncset.s32 @!p0 $0xFFFFF086;
	s6 =	sadd.s32 @!p0 s3, s7;
	s7 =	simm.s32 @!p0 $0x108  }
0x21: {  	s3 =	sadd.s32 s3, s9;
	s6 =	sadd.s32 @!p0 $0x88, s6;
	s7 =	simm.s32 @p2 $0x1082  }
0x22: {  	[simem:s7], [sflag:s8] =	dma.local @!p0 [hbm:s6], $0xF7A  }
0x23: {  	s9 =	sor.u32 $0xD0000000, s2;
	s6 =	simm.s32 $0x108;
	_ =	swait.ge @!p0 [sflag:s8], $0x0  }
0x24: {  	s3 =	sadd.s32 $0x88, s3;
	s6 =	simm.s32 @!p1 $0x1082;
	[sflag:s4] =	ssyncset.s32 $0xFFFFF086  }
0x25: {  	[simem:s6], [sflag:s4] =	dma.local [hbm:s3], $0xF7A  }
0x26: {  	[smem:$0x3F98] =	sst s1;
	(tag) =	ssettag s2;
	_ =	strace s9  }
0x27: {  	s1 =	sld [smem:$0x3FA8]  }
0x28: {  	s2 =	sld [smem:$0x3FA9]  }
0x29: {  	s4 =	sld [smem:$0x3FAB]  }
0x2a: {  	p0 =	seq.s32 s5, $0x0;
	s5 =	sld [smem:$0x3FAC]  }
0x2b: {  	s6 =	sld [smem:$0x3FAD]  }
0x2c: {  	s7 =	sld [smem:$0x3FAE]  }
0x2d: {  	s3 =	simm.s32 $0x108;
	s8 =	sld [smem:$0x3FAF]  }
0x2e: {  	s3 =	simm.s32 @!p0 $0x1082;
	s9 =	sld [smem:$0x3FB0]  }
0x2f: {  	lr =	sadd.s32 s0, s3;
	s0 =	sld [smem:$0x3FA7]  }
0x30: {  	s3 =	sld [smem:$0x3FAA]  }
0x31: {  	[smem:$0x3FB3] =	sst s10  }
0x32: {  	s10 =	sld [smem:$0x3FB1];
	_ =	sdelay $0x3  }
0x33: {  	p0 =	seq.s32 s10, $0x1;
	s10 =	sld [smem:$0x3FB3];
	_ =	sdelay $0x3  }
0x34: {  	[smem:$0x3FB3] =	sst s10  }
0x35: {  	s10 =	sld [smem:$0x3FB2];
	_ =	sdelay $0x3  }
0x36: {  	p1 =	seq.s32 s10, $0x1;
	s10 =	sld [smem:$0x3FB3];
	_ =	sdelay $0x3  }
0x37: {  	[smem:$0x3FB3] =	sst s10  }
0x38: {  	s10 =	sld [smem:$0x3FB4]  }
0x39: {  	_ = 	snop;
	(pc) =	sbr.ind lr, $3  }
0x3a: {  	_ = 	snop  }
0x3b: {  	_ = 	snop  }
0x3c: {  	p2 =	seq.s32 s10, $0x1;
	s10 =	sld [smem:$0x3FB3]  }
0x3d: {  	_ =	shalt  }
0x3e: {  	_ =	shalt  }
0x3f: {  	_ =	shalt  }
0x40: {  	_ =	shalt  }
0x41: {  	_ =	shalt  }
0x42: {  	_ =	shalt  }
0x43: {  	_ =	shalt  }
0x44: {  	_ =	shalt  }
0x45: {  	_ =	shalt  }
0x46: {  	_ =	shalt  }
0x47: {  	_ =	shalt  }
0x48: {  	_ =	shalt  }
0x49: {  	_ =	shalt  }
0x4a: {  	_ =	shalt  }
0x4b: {  	_ =	shalt  }
0x4c: {  	_ =	shalt  }
0x4d: {  	_ =	shalt  }
0x4e: {  	_ =	shalt  }
0x4f: {  	_ =	shalt  }
0x50: {  	_ =	shalt  }
0x51: {  	_ =	shalt  }
0x52: {  	_ =	shalt  }
0x53: {  	_ =	shalt  }
0x54: {  	_ =	shalt  }
0x55: {  	_ =	shalt  }
0x56: {  	_ =	shalt  }
0x57: {  	_ =	shalt  }
0x58: {  	_ =	shalt  }
0x59: {  	_ =	shalt  }
0x5a: {  	_ =	shalt  }
0x5b: {  	_ =	shalt  }
0x5c: {  	_ =	shalt  }
0x5d: {  	_ =	shalt  }
0x5e: {  	_ =	shalt  }
0x5f: {  	_ =	shalt  }
0x60: {  	_ =	shalt  }
0x61: {  	_ =	shalt  }
0x62: {  	_ =	shalt  }
0x63: {  	_ =	shalt  }
0x64: {  	_ =	shalt  }
0x65: {  	_ =	shalt  }
0x66: {  	_ =	shalt  }
0x67: {  	_ =	shalt  }
0x68: {  	_ =	shalt  }
0x69: {  	_ =	shalt  }
0x6a: {  	_ =	shalt  }
0x6b: {  	_ =	shalt  }
0x6c: {  	_ =	shalt  }
0x6d: {  	_ =	shalt  }
0x6e: {  	_ =	shalt  }
0x6f: {  	_ =	shalt  }
0x70: {  	_ =	shalt  }
0x71: {  	_ =	shalt  }
0x72: {  	_ =	shalt  }
0x73: {  	_ =	shalt  }
0x74: {  	_ =	shalt  }
0x75: {  	_ =	shalt  }
0x76: {  	_ =	shalt  }
0x77: {  	_ =	shalt  }
0x78: {  	_ =	shalt  }
0x79: {  	_ =	shalt  }
0x7a: {  	_ =	shalt  }
0x7b: {  	_ =	shalt  }
0x7c: {  	_ =	shalt  }
0x7d: {  	_ =	shalt  }
0x7e: {  	_ =	shalt  }
0x7f: {  	_ =	shalt  }
0x80: {  	_ =	shalt  }
0x81: {  	_ =	shalt  }
0x82: {  	_ =	shalt  }
0x83: {  	_ =	shalt  }
0x84: {  	_ =	shalt  }
0x85: {  	_ =	shalt  }
0x86: {  	_ =	shalt  }
0x87: {  	_ =	shalt  }
.Lfunc_end0:
.L_simem_size_0:
called_computation.3_lowered:
.L_overlay_start_0:
0x88: {  	s2 =	sld [smem:$0x3FD9]  }
0x89: {  	s3 =	sld [smem:$0x3FFE];
	_ =	sdelay $0x1  }
0x8a: {  	s1 =	srdreg.scid  }
0x8b: {  	s0 =	sand.u32 $0x1, s1  }
0x8c: {  	s17 =	sshll.u32 s0, $0xA;
	s2 =	sadd.s32 s3, s2  }
0x8d: {  	s2 =	sadd.s32 s2, s17  }
0x8e: {  	[smem:$0x3FBF] =	sst s2  }
0x8f: {  	_ = 	snop  }
0x90: {  	s2 =	sld [smem:$0x3FD0];
	(tm) =	ssettm $0x1  }
0x91: {  	s18 =	sld [smem:$0x3FFB];
	_ =	sdelay $0x3  }
0x92: {  	_ =	strace s18  }
0x93: {  	s3 =	sld [smem:$0x3FFC];
	_ =	sdelay $0x3  }
0x94: {  	_ =	strace s3  }
0x95: {  	s3 =	sld [smem:$0x3FFD];
	_ =	sdelay $0x3  }
0x96: {  	_ =	strace s3  }
0x97: {  	_ =	strace $0x8FFFFFFF  }
0x98: {  	s19 =	sld [smem:$0x3FDB];
	_ =	sdelay $0x1  }
0x99: {  	s4 =	simm.s32 $_scs_section_size  }
0x9a: {  	s5 =	simm.s32 $_size__tile_overlayer_lowered;
	s6 =	simm.s32 $_tile_overlayer_lowered  }
0x9b: {  	s22 =	simm.s32 $0x1BFF;
	s21 =	sshll.u32 s6, $0x1;
	s3 =	sadd.s32 s4, s19  }
0x9c: {  	s7 =	simm.s32 $0x0;
	s20 =	sshll.u32 s5, $0x1;
	s5 =	sadd.s32 s21, s3  }
0x9d: {  	[timem:s7], [sflag:s22] =	dma.local [hbm:s5], s20  }
0x9e: {  	_ =	swait.ge [sflag:s22], s20  }
0x9f: {  	s4 =	ssub.s32 $0x0, s20;
	[sflag:s22] =	ssyncset.done $0x0  }
0xa0: {  	[sflag:s22] =	ssyncadd.s32 s4;
	_ =	sdelay $0x1  }
0xa1: {  	s23 =	simm.s32 $0x1B8B  }
0xa2: {  	_ =	swait.ge [sflag:s23], $0x1  }
0xa3: {  	[sflag:s23] =	ssyncset.done $0x0  }
0xa4: {  	s25 =	simm.s32 $0x1B8E;
	s24 =	sld [smem:$0x3FFE];
	[sflag:s23] =	ssyncadd.s32 $0xFFFFFFFF  }
0xa5: {  	s26 =	simm.s32 $execute0_lowered;
	[smem:$0x3FD2] =	sst s25  }
0xa6: {  	s5 =	sshll.u32 s26, $0x1;
	_ =	strace $0x8000004F;
	[dreg:$0x1] =	wrdreg $0xFFFFFFFF  }
0xa7: {  	s28 =	simm.s32 $_size_execute0_lowered;
	s3 =	sadd.s32 s3, s5;
	[dreg:$0x0] =	wrdreg $0x0  }
0xa8: {  	s5 =	sshll.u32 s28, $0x1;
	[dreg:$0x2] =	wrdreg s3  }
0xa9: {  	[dreg:$0x3] =	wrdreg s5  }
0xaa: {  	[dreg:$0x4] =	wrdreg $0xC0  }
0xab: {  	_ =	task [dreg:s7], $0x5FFFF  }
0xac: {  	[dreg:$0x1] =	wrdreg $0xFFFFFFFF  }
0xad: {  	[dreg:$0x0] =	wrdreg $0x60  }
0xae: {  	[dreg:$0x2] =	wrdreg s24  }
0xaf: {  	[dreg:$0x3] =	wrdreg s2  }
0xb0: {  	[dreg:$0x4] =	wrdreg $0x9  }
0xb1: {  	_ =	task.clear_ibuf [dreg:s7], $0x5FFFF;
	_ =	strace $0x9000004F  }
0xb2: {  	s29 =	simm.s32 $0x9;
	_ =	strace $0x80000051  }
0xb3: {  	_ =	swait.ge [sflag:s29], $0x1  }
0xb4: {  	[sflag:s29] =	ssyncadd.s32 $0xFFFFFFFF  }
0xb5: {  	_ =	strace $0x90000051  }
0xb6: {  	_ =	sfence  }
0xb7: {  	s30 =	sld [smem:$0x0];
	_ =	sdelay $0x2  }
0xb8: {  	s31 =	sshll.u32 s1, $0xD;
	s1 =	sshrl.u32 s1, $0x2  }
0xb9: {  	s3 =	sand.u32 $0x4000, s31;
	s1 =	sadd.s32 s1, s30  }
0xba: {  	s0 =	sor.u32 s3, s0;
	s1 =	sshll.u32 s1, $0x11  }
0xbb: {  	s0 =	sor.u32 s1, s0  }
0xbc: {  	s0 =	sadd.s32 $0x8F2B, s0  }
0xbd: {  	[sflag:s0] =	ssyncadd.remote.s32 $0x1  }
0xbe: {  	_ =	sfence.sel $0xFFFF  }
0xbf: {  	[dreg:$0x0] =	wrdreg $0xFFFFFFFF;
	(pc) =	sbr.abs _section_cstart, $3  }
0xc0: {  	[dreg:$0x1] =	wrdreg $0xFFFFFFFF  }
0xc1: {  	_ =	task.clear_ibuf [dreg:s7], $0x2FFFF;
	_ =	strace $0x9FFFFFFF  }
0xc2: {  	(tm) =	ssettm $0x7FFFFFFF  }
0xc3: {  	_ =	shalt  }
tec
execute0_lowered:
.L_overlay_start_1:
0x0: {  	(tag) =	ssettag $0x1  }
0x1: {  	s6 =	rddreg [dreg:$0x0]  }
0x2: {  	s2 =	rddreg [dreg:$0x1]  }
0x3: {  	s0 =	rddreg [dreg:$0x2]  }
0x4: {  	s4 =	srdreg.scid;
	s1 =	stileid.u32;
	s3 =	simm.s32 $0x0  }
0x5: {  	s11 =	simm.s32 $0x400;
	s12 =	simm.s32 $0x3;
	s13 =	simm.s32 $0x9E00  }
0x6: {  	s14 =	simm.s32 $0x13C00;
	s15 =	simm.s32 $0x14C00;
	s16 =	simm.s32 $0x15C00  }
0x7: {  	s17 =	simm.s32 $0x1;
	s18 =	simm.s32 $0x16C00;
	s19 =	simm.s32 $0x17C00  }
0x8: {  	s20 =	simm.s32 $0x18C00;
	s5 =	sand.u32 $0x1, s4;
	s30 =	smul.u32 $0x13C00, s1  }
0x9: {  	s21 =	simm.s32 $0x2;
	s22 =	simm.s32 $0x0;
	s7 =	sshll.u32 s5, $0x9  }
0xa: {  	[smem:$0x7FF] =	sst s3;
	s4 =	sadd.s32 $0x3600, s6;
	s7 =	sor.u32 s7, s30  }
0xb: {  	_ =	strace $0x80000050;
	s8 =	ssub.s32 $0x2, s5;
	s7 =	sshrl.u32 s7, $0x3  }
0xc: {  	s5 =	sadd.s32 $0xD400, s6;
	s31 =	sshrl.u32 s8, $0x1;
	s9 =	sadd.s32 s7, s6  }
0xd: {  	s10 =	ssub.s32 s8, s31;
	s6 =	sadd.s32 $0x17200, s9;
	s7 =	sadd.s32 $0x3EA00, s9  }
0xe: {  	s8 =	sadd.s32 $0x66200, s9;
	s9 =	smax.u32 s10, $0x1;
	s10 =	simm.s32 $0x200  }
.LBB2_1:
0xf: {  	[tilespmem:s3], [sflag:$0x3] =	stream.strided.gather [hbm4b:s6+s10], $0x9E00, s11, s10, $0x38;
	[tilespmem:$0x19C00] =	vst v63  }
0x10: {  	_ =	swait.ge [sflag:s12], $0x9E00  }
0x11: {  	[sflag:s12] =	ssyncset.done $0x0  }
0x12: {  	[sflag:s12] =	ssyncadd.s32 $0xFFFF6200  }
0x13: {  	[tilespmem:s13], [sflag:$0x3] =	stream.strided.gather [hbm4b:s7+s10], $0x9E00, s11, s10, $0x38;
	[tilespmem:$0x19C00] =	vst v63  }
0x14: {  	_ =	swait.ge [sflag:s12], $0x9E00  }
0x15: {  	[sflag:s12] =	ssyncset.done $0x0  }
0x16: {  	[sflag:s12] =	ssyncadd.s32 $0xFFFF6200  }
0x17: {  	[tilespmem:s14], [sflag:$0x1] =	stream.linear.gather [hbm4b:s4+s3], $0xFA0, $0x38;
	[tilespmem:$0x19C00] =	vst v63  }
0x18: {  	_ = 	snop  }
0x19: {  	[tilespmem:s15], [sflag:$0x1] =	stream.linear.gather [hbm4b:s5+s3], $0xFA0, $0x38;
	[tilespmem:$0x19C00] =	vst v63  }
0x1a: {  	s23 =	simm.s32 $0x0  }
0x1b: {  	[tilespmem:s16], [sflag:$0x1] =	stream.linear.gather [hbm4b:s2+s3], $0xFA0, $0x38;
	[tilespmem:$0x19C00] =	vst v63  }
.LBB2_2:
0x1c: {  	_ =	swait.ge [sflag:s17], $0xFA0  }
0x1d: {  	[sflag:s17] =	ssyncset.done $0x0  }
0x1e: {  	[sflag:s17] =	ssyncadd.s32 $0xFFFFF060  }
0x1f: {  	_ =	swait.ge [sflag:s17], $0xFA0  }
0x20: {  	[sflag:s17] =	ssyncset.done $0x0  }
0x21: {  	s24 =	smul.u32 $0x3E8, s23;
	[sflag:s17] =	ssyncadd.s32 $0xFFFFF060  }
0x22: {  	_ =	swait.ge [sflag:s17], $0xFA0  }
0x23: {  	s25 =	sadd.s32 $0x1F4, s24;
	[sflag:s17] =	ssyncset.done $0x0  }
0x24: {  	s24 =	simm.s32 $0x0;
	s26 =	sadd.s32 s4, s25;
	[sflag:s17] =	ssyncadd.s32 $0xFFFFF060  }
0x25: {  	[tilespmem:s18], [sflag:$0x2] =	stream.linear.gather [hbm4b:s26+s24], $0xFA0, $0x38;
	[tilespmem:$0x19C00] =	vst v63  }
0x26: {  	s31 =	sadd.s32 s5, s25  }
0x27: {  	[tilespmem:s19], [sflag:$0x2] =	stream.linear.gather [hbm4b:s31+s24], $0xFA0, $0x38;
	[tilespmem:$0x19C00] =	vst v63  }
0x28: {  	s25 =	sadd.s32 s2, s25  }
0x29: {  	[tilespmem:s20], [sflag:$0x2] =	stream.linear.gather [hbm4b:s25+s24], $0xFA0, $0x38;
	[tilespmem:$0x19C00] =	vst v63  }
.LBB2_3:
0x2a: {  	s25 =	sshra.s32 s24, $0x2  }
0x2b: {  	v0 =	vld [tilespmem:s25+$0x13C00];
	_ =	sdelay $0x4  }
0x2c: {  	v1 =	vshll.u32 v0, $0x2  }
0x2d: {  	v0 =	vand.u32 $0x7F, v0;
	v1 =	vand.u32 $0xFFFFFE00, v1  }
0x2e: {  	v2 =	vld [tilespmem:s25+$0x14C00];
	v0 =	vor.u32 v0, v1;
	_ =	sdelay $0x3  }
0x2f: {  	v53 =	vld [tilespmem:s25+$0x15C00]  }
0x30: {  	v4 =	vshll.u32 v2, $0x2;
	v3 =	vld.idx.msk [tilespmem:v0+s3+$0x0], $0xffff  }
0x31: {  	v2 =	vand.u32 $0x7F, v2;
	v4 =	vand.u32 $0xFFFFFE00, v4  }
0x32: {  	v2 =	vor.u32 v2, v4  }
0x33: {  	v54 =	vor.u32 $0x80, v0;
	_ =	sdelay $0x1  }
0x34: {  	v3 =	vmul.f32 v3, v53;
	_ =	sdelay $0x1  }
0x35: {  	[tilespmem:v2+s13+$0x0] =	vst.idx.add.f32.msk $0xffff, v3  }
0x36: {  	v3 =	vld.idx.msk [tilespmem:v54+s3+$0x0], $0xffff;
	_ =	sdelay $0x1  }
0x37: {  	v55 =	vor.u32 $0x80, v2  }
0x38: {  	v5 =	vor.u32 $0x100, v0;
	_ =	sdelay $0x1  }
0x39: {  	v3 =	vmul.f32 v3, v53;
	_ =	sdelay $0x1  }
0x3a: {  	[tilespmem:v55+s13+$0x0] =	vst.idx.add.f32.msk $0xffff, v3  }
0x3b: {  	v3 =	vld.idx.msk [tilespmem:v5+s3+$0x0], $0xffff;
	_ =	sdelay $0x1  }
0x3c: {  	v56 =	vor.u32 $0x100, v2  }
0x3d: {  	v0 =	vor.u32 $0x180, v0;
	_ =	sdelay $0x1  }
0x3e: {  	v3 =	vmul.f32 v3, v53;
	_ =	sdelay $0x1  }
0x3f: {  	[tilespmem:v56+s13+$0x0] =	vst.idx.add.f32.msk $0xffff, v3  }
0x40: {  	v0 =	vld.idx.msk [tilespmem:v0+s3+$0x0], $0xffff;
	_ =	sdelay $0x1  }
0x41: {  	v2 =	vor.u32 $0x180, v2;
	_ =	sdelay $0x2  }
0x42: {  	v0 =	vmul.f32 v0, v53;
	_ =	sdelay $0x1  }
0x43: {  	[tilespmem:v2+s13+$0x0] =	vst.idx.add.f32.msk $0xffff, v0  }
0x44: {  	v0 =	vld [tilespmem:s25+$0x13C10];
	_ =	sdelay $0x4  }
0x45: {  	v57 =	vshll.u32 v0, $0x2  }
0x46: {  	v0 =	vand.u32 $0x7F, v0;
	v1 =	vand.u32 $0xFFFFFE00, v57  }
0x47: {  	v2 =	vld [tilespmem:s25+$0x14C10];
	v0 =	vor.u32 v0, v1;
	_ =	sdelay $0x3  }
0x48: {  	v58 =	vld [tilespmem:s25+$0x15C10]  }
0x49: {  	v59 =	vshll.u32 v2, $0x2;
	v3 =	vld.idx.msk [tilespmem:v0+s3+$0x0], $0xffff  }
0x4a: {  	v2 =	vand.u32 $0x7F, v2;
	v4 =	vand.u32 $0xFFFFFE00, v59  }
0x4b: {  	v2 =	vor.u32 v2, v4  }
0x4c: {  	v60 =	vor.u32 $0x80, v0;
	_ =	sdelay $0x1  }
0x4d: {  	v3 =	vmul.f32 v3, v58;
	_ =	sdelay $0x1  }
0x4e: {  	[tilespmem:v2+s13+$0x0] =	vst.idx.add.f32.msk $0xffff, v3  }
0x4f: {  	v3 =	vld.idx.msk [tilespmem:v60+s3+$0x0], $0xffff;
	_ =	sdelay $0x1  }
0x50: {  	v61 =	vor.u32 $0x80, v2  }
0x51: {  	v62 =	vor.u32 $0x100, v0;
	_ =	sdelay $0x1  }
0x52: {  	v3 =	vmul.f32 v3, v58;
	_ =	sdelay $0x1  }
0x53: {  	[tilespmem:v61+s13+$0x0] =	vst.idx.add.f32.msk $0xffff, v3  }
0x54: {  	v3 =	vld.idx.msk [tilespmem:v62+s3+$0x0], $0xffff;
	_ =	sdelay $0x1  }
0x55: {  	v63 =	vor.u32 $0x100, v2  }
0x56: {  	v0 =	vor.u32 $0x180, v0;
	_ =	sdelay $0x1  }
0x57: {  	v3 =	vmul.f32 v3, v58;
	_ =	sdelay $0x1  }
0x58: {  	[tilespmem:v63+s13+$0x0] =	vst.idx.add.f32.msk $0xffff, v3  }
0x59: {  	v0 =	vld.idx.msk [tilespmem:v0+s3+$0x0], $0xffff;
	_ =	sdelay $0x1  }
0x5a: {  	p0 =	sne.s32 s24, $0x3E00;
	v2 =	vor.u32 $0x180, v2  }
.Ltmp0:
0x5b: {  	_ = 	snop;
	(pc) =	sbr.rel @p0 .LBB2_3-.Ltmp0, $3  }
0x5c: {  	_ = 	snop  }
0x5d: {  	v0 =	vmul.f32 v0, v58;
	_ =	sdelay $0x1  }
0x5e: {  	s24 =	sadd.s32 $0x80, s24;
	[tilespmem:v2+s13+$0x0] =	vst.idx.add.f32.msk $0xffff, v0  }
0x5f: {  	_ =	swait.ge [sflag:s21], $0xFA0  }
0x60: {  	[sflag:s21] =	ssyncset.done $0x0  }
0x61: {  	s24 =	sshll.u32 s23, $0x1;
	[sflag:s21] =	ssyncadd.s32 $0xFFFFF060  }
0x62: {  	s24 =	smin.u32 s24, $0x4D;
	_ =	swait.ge [sflag:s21], $0xFA0  }
0x63: {  	s24 =	smul.u32 $0xFA0, s24;
	[sflag:s21] =	ssyncset.done $0x0  }
0x64: {  	[sflag:s21] =	ssyncadd.s32 $0xFFFFF060  }
0x65: {  	s24 =	sshrl.u32 s24, $0x3;
	_ =	swait.ge [sflag:s21], $0xFA0  }
0x66: {  	s25 =	sadd.s32 $0x3E8, s24;
	[sflag:s21] =	ssyncset.done $0x0  }
0x67: {  	s24 =	simm.s32 $0x0;
	s26 =	sadd.s32 s4, s25;
	[sflag:s21] =	ssyncadd.s32 $0xFFFFF060  }
0x68: {  	[tilespmem:s14], [sflag:$0x1] =	stream.linear.gather [hbm4b:s26+s24], $0xFA0, $0x38;
	[tilespmem:$0x19C00] =	vst v63  }
0x69: {  	s31 =	sadd.s32 s5, s25  }
0x6a: {  	[tilespmem:s15], [sflag:$0x1] =	stream.linear.gather [hbm4b:s31+s24], $0xFA0, $0x38;
	[tilespmem:$0x19C00] =	vst v63  }
0x6b: {  	s25 =	sadd.s32 s2, s25  }
0x6c: {  	[tilespmem:s16], [sflag:$0x1] =	stream.linear.gather [hbm4b:s25+s24], $0xFA0, $0x38;
	[tilespmem:$0x19C00] =	vst v63  }
.LBB2_5:
0x6d: {  	s25 =	sshra.s32 s24, $0x2  }
0x6e: {  	v0 =	vld [tilespmem:s25+$0x16C00];
	_ =	sdelay $0x4  }
0x6f: {  	v1 =	vshll.u32 v0, $0x2  }
0x70: {  	v0 =	vand.u32 $0x7F, v0;
	v1 =	vand.u32 $0xFFFFFE00, v1  }
0x71: {  	v2 =	vld [tilespmem:s25+$0x17C00];
	v0 =	vor.u32 v0, v1;
	_ =	sdelay $0x3  }
0x72: {  	v53 =	vld [tilespmem:s25+$0x18C00]  }
0x73: {  	v4 =	vshll.u32 v2, $0x2;
	v3 =	vld.idx.msk [tilespmem:v0+s3+$0x0], $0xffff  }
0x74: {  	v2 =	vand.u32 $0x7F, v2;
	v4 =	vand.u32 $0xFFFFFE00, v4  }
0x75: {  	v2 =	vor.u32 v2, v4  }
0x76: {  	v54 =	vor.u32 $0x80, v0;
	_ =	sdelay $0x1  }
0x77: {  	v3 =	vmul.f32 v3, v53;
	_ =	sdelay $0x1  }
0x78: {  	[tilespmem:v2+s13+$0x0] =	vst.idx.add.f32.msk $0xffff, v3  }
0x79: {  	v3 =	vld.idx.msk [tilespmem:v54+s3+$0x0], $0xffff;
	_ =	sdelay $0x1  }
0x7a: {  	v55 =	vor.u32 $0x80, v2  }
0x7b: {  	v5 =	vor.u32 $0x100, v0;
	_ =	sdelay $0x1  }
0x7c: {  	v3 =	vmul.f32 v3, v53;
	_ =	sdelay $0x1  }
0x7d: {  	[tilespmem:v55+s13+$0x0] =	vst.idx.add.f32.msk $0xffff, v3  }
0x7e: {  	v3 =	vld.idx.msk [tilespmem:v5+s3+$0x0], $0xffff;
	_ =	sdelay $0x1  }
0x7f: {  	v56 =	vor.u32 $0x100, v2  }
0x80: {  	v0 =	vor.u32 $0x180, v0;
	_ =	sdelay $0x1  }
0x81: {  	v3 =	vmul.f32 v3, v53;
	_ =	sdelay $0x1  }
0x82: {  	[tilespmem:v56+s13+$0x0] =	vst.idx.add.f32.msk $0xffff, v3  }
0x83: {  	v0 =	vld.idx.msk [tilespmem:v0+s3+$0x0], $0xffff;
	_ =	sdelay $0x1  }
0x84: {  	v2 =	vor.u32 $0x180, v2;
	_ =	sdelay $0x2  }
0x85: {  	v0 =	vmul.f32 v0, v53;
	_ =	sdelay $0x1  }
0x86: {  	[tilespmem:v2+s13+$0x0] =	vst.idx.add.f32.msk $0xffff, v0  }
0x87: {  	v0 =	vld [tilespmem:s25+$0x16C10];
	_ =	sdelay $0x4  }
0x88: {  	v57 =	vshll.u32 v0, $0x2  }
0x89: {  	v0 =	vand.u32 $0x7F, v0;
	v1 =	vand.u32 $0xFFFFFE00, v57  }
0x8a: {  	v2 =	vld [tilespmem:s25+$0x17C10];
	v0 =	vor.u32 v0, v1;
	_ =	sdelay $0x3  }
0x8b: {  	v58 =	vld [tilespmem:s25+$0x18C10]  }
0x8c: {  	v59 =	vshll.u32 v2, $0x2;
	v3 =	vld.idx.msk [tilespmem:v0+s3+$0x0], $0xffff  }
0x8d: {  	v2 =	vand.u32 $0x7F, v2;
	v4 =	vand.u32 $0xFFFFFE00, v59  }
0x8e: {  	v2 =	vor.u32 v2, v4  }
0x8f: {  	v60 =	vor.u32 $0x80, v0;
	_ =	sdelay $0x1  }
0x90: {  	v3 =	vmul.f32 v3, v58;
	_ =	sdelay $0x1  }
0x91: {  	[tilespmem:v2+s13+$0x0] =	vst.idx.add.f32.msk $0xffff, v3  }
0x92: {  	v3 =	vld.idx.msk [tilespmem:v60+s3+$0x0], $0xffff;
	_ =	sdelay $0x1  }
0x93: {  	v61 =	vor.u32 $0x80, v2  }
0x94: {  	v62 =	vor.u32 $0x100, v0;
	_ =	sdelay $0x1  }
0x95: {  	v3 =	vmul.f32 v3, v58;
	_ =	sdelay $0x1  }
0x96: {  	[tilespmem:v61+s13+$0x0] =	vst.idx.add.f32.msk $0xffff, v3  }
0x97: {  	v3 =	vld.idx.msk [tilespmem:v62+s3+$0x0], $0xffff;
	_ =	sdelay $0x1  }
0x98: {  	v63 =	vor.u32 $0x100, v2  }
0x99: {  	v0 =	vor.u32 $0x180, v0;
	_ =	sdelay $0x1  }
0x9a: {  	v3 =	vmul.f32 v3, v58;
	_ =	sdelay $0x1  }
0x9b: {  	[tilespmem:v63+s13+$0x0] =	vst.idx.add.f32.msk $0xffff, v3  }
0x9c: {  	v0 =	vld.idx.msk [tilespmem:v0+s3+$0x0], $0xffff;
	_ =	sdelay $0x1  }
0x9d: {  	p0 =	sne.s32 s24, $0x3E00;
	v2 =	vor.u32 $0x180, v2  }
.Ltmp1:
0x9e: {  	_ = 	snop;
	(pc) =	sbr.rel @p0 .LBB2_5-.Ltmp1, $3  }
0x9f: {  	_ = 	snop  }
0xa0: {  	v0 =	vmul.f32 v0, v58;
	_ =	sdelay $0x1  }
0xa1: {  	s24 =	sadd.s32 $0x80, s24;
	[tilespmem:v2+s13+$0x0] =	vst.idx.add.f32.msk $0xffff, v0  }
0xa2: {  	s23 =	sadd.s32 $0x1, s23  }
0xa3: {  	p0 =	sne.s32 s23, $0x28  }
.Ltmp2:
0xa4: {  	_ = 	snop;
	(pc) =	sbr.rel @p0 .LBB2_2-.Ltmp2, $1  }
0xa5: {  	_ =	sdelay $0x3  }
0xa6: {  	_ =	swait.ge [sflag:s17], $0xFA0  }
0xa7: {  	[sflag:s17] =	ssyncset.done $0x0  }
0xa8: {  	[sflag:s17] =	ssyncadd.s32 $0xFFFFF060  }
0xa9: {  	_ =	swait.ge [sflag:s17], $0xFA0  }
0xaa: {  	[sflag:s17] =	ssyncset.done $0x0  }
0xab: {  	[sflag:s17] =	ssyncadd.s32 $0xFFFFF060  }
0xac: {  	s22 =	sadd.s32 $0x1, s22;
	_ =	swait.ge [sflag:s17], $0xFA0  }
0xad: {  	p0 =	sne.s32 s22, s9;
	[sflag:s17] =	ssyncset.done $0x0  }
.Ltmp3:
0xae: {  	[sflag:s17] =	ssyncadd.s32 $0xFFFFF060;
	(pc) =	sbr.rel @p0 .LBB2_1-.Ltmp3, $4  }
0xaf: {  	[hbm4b:s8+s10] =	stream.strided.scatter [tilespmem:s13], [sflag:$0x3], $0x9E00, s11, s10, $0x38;
	[tilespmem:$0x19C00] =	vst v63  }
0xb0: {  	_ =	swait.ge [sflag:s12], $0x9E00  }
0xb1: {  	[sflag:s12] =	ssyncset.done $0x0  }
0xb2: {  	[sflag:s12] =	ssyncadd.s32 $0xFFFF6200  }
0xb3: {  	_ =	sfence.sel $0x180000  }
0xb4: {  	[bflag:$0x0] =	sbarrier.arrive $0xFFFF  }
0xb5: {  	p0 =	sne.s32 s1, $0x0;
	_ =	strace $0x90000050  }
0xb6: {  	s0 =	sadd.s32 @!p0 $0x100000, s0;
	[bflag:$0x2] =	sbarrier.arrive $0xFFFF  }
0xb7: {  	[sflag:s0] =	ssyncadd.tile.s32 @!p0 $0x1;
	_ =	shalt  }
.Lfunc_end2:
_tile_overlayer_lowered:
.L_overlay_start_2:
0xb8: {  	(tag) =	ssettag $0x2  }
0xb9: {  	s0 =	rddreg [dreg:$0x0];
	s2 =	stileid.u32  }
0xba: {  	s1 =	rddreg [dreg:$0x1];
	p0 =	sne.s32 s2, $0x0  }
0xbb: {  	s3 =	rddreg [dreg:$0x2];
	[bflag:$0x3] =	sbarrier.arrive $0xFFFF;
	s2 =	simm.s32 @!p0 $0x1C03  }
0xbc: {  	[timem:s3], [sflag:s2] =	dma.local @!p0 [hbm:s0], s1  }
0xbd: {  	s0 =	simm.s32 @!p0 $0x3  }
0xbe: {  	_ =	swait.ge @!p0 [sflag:s0], s1  }
0xbf: {  	s1 =	ssub.s32 @!p0 $0x0, s1;
	[sflag:s0] =	ssyncset.done @!p0 $0x0  }
0xc0: {  	[sflag:s0] =	ssyncadd.s32 @!p0 s1  }
0xc1: {  	[bflag:$0x3] =	sbarrier.arrive $0xFFFF  }
0xc2: {  	_ =	shalt  }

// kernel: kernel.24.cloned.1.call-start
scs
__scs_entry_jumppad:
0x0: {  	(pc) =	sbr.rel $0x88, $3  }
0x1: {  	(tag) =	ssettag $0x0;
	lr =	simm.s32 $0x1  }
0x2: {  	[smem:$0x3F98] =	sst lr;
	_ =	strace $0xD0000000  }
0x3: {  	_ = 	snop  }
0x4: {  	_ = 	snop  }
0x5: {  	_ = 	snop  }
0x6: {  	_ = 	snop  }
0x7: {  	_ = 	snop  }
__scs_overlays_trampoline_lowered:
0x8: {  	[smem:$0x3FA7] =	sst s0  }
0x9: {  	[smem:$0x3FA8] =	sst s1  }
0xa: {  	[smem:$0x3FA9] =	sst s2  }
0xb: {  	[smem:$0x3FAA] =	sst s3  }
0xc: {  	[smem:$0x3FAB] =	sst s4  }
0xd: {  	[smem:$0x3FAC] =	sst s5  }
0xe: {  	[smem:$0x3FAD] =	sst s6  }
0xf: {  	[smem:$0x3FAE] =	sst s7  }
0x10: {  	[smem:$0x3FAF] =	sst s8  }
0x11: {  	[smem:$0x3FB0] =	sst s9;
	s0 =	simm.s32 @!p0 $0x0  }
0x12: {  	s1 =	sld [smem:$0x3F96];
	s0 =	simm.s32 @p0 $0x1  }
0x13: {  	[smem:$0x3FB1] =	sst s0;
	s0 =	simm.s32 @!p1 $0x0  }
0x14: {  	s2 =	sld [smem:$0x3F95];
	s0 =	simm.s32 @p1 $0x1  }
0x15: {  	[smem:$0x3FB2] =	sst s0;
	s0 =	simm.s32 @!p2 $0x0  }
0x16: {  	s3 =	sld [smem:$0x3FDB];
	s0 =	simm.s32 @p2 $0x1  }
0x17: {  	s4 =	simm.s32 $0x1BF5;
	[smem:$0x3FB4] =	sst s0  }
0x18: {  	s0 =	sld [smem:$0x3F97];
	_ =	swait.ge [sflag:s4], $0x0  }
0x19: {  	s7 =	sld [smem:$0x3F98]  }
0x1a: {  	s8 =	sadd.s32 $0xFFFFE003, lr  }
0x1b: {  	s9 =	sadd.s32 $0xFFFFFEF7, lr;
	s5 =	simm.s32 $0xFFFFFFFF;
	p2 =	slt.u32 s8, $0xFFFFF086  }
0x1c: {  	p1 =	slt.u32 s9, $0xF7A;
	s5 =	simm.s32 @!p2 $0x0  }
0x1d: {  	s5 =	simm.s32 @p1 $0x1;
	p0 =	seq.s32 s7, s2  }
0x1e: {  	s7 =	smul.u32 @!p0 $0xF7A, s2;
	p2 =	seq.s32 @!p0 s5, $0x0  }
0x1f: {  	s9 =	smul.u32 $0xF7A, s1;
	s8 =	simm.s32 @!p0 $0x1BF5;
	p2 =	por !p2, p0  }
0x20: {  	[sflag:s8] =	ssyncset.s32 @!p0 $0xFFFFF086;
	s6 =	sadd.s32 @!p0 s3, s7;
	s7 =	simm.s32 @!p0 $0x108  }
0x21: {  	s3 =	sadd.s32 s3, s9;
	s6 =	sadd.s32 @!p0 $0x88, s6;
	s7 =	simm.s32 @p2 $0x1082  }
0x22: {  	[simem:s7], [sflag:s8] =	dma.local @!p0 [hbm:s6], $0xF7A  }
0x23: {  	s9 =	sor.u32 $0xD0000000, s2;
	s6 =	simm.s32 $0x108;
	_ =	swait.ge @!p0 [sflag:s8], $0x0  }
0x24: {  	s3 =	sadd.s32 $0x88, s3;
	s6 =	simm.s32 @!p1 $0x1082;
	[sflag:s4] =	ssyncset.s32 $0xFFFFF086  }
0x25: {  	[simem:s6], [sflag:s4] =	dma.local [hbm:s3], $0xF7A  }
0x26: {  	[smem:$0x3F98] =	sst s1;
	(tag) =	ssettag s2;
	_ =	strace s9  }
0x27: {  	s1 =	sld [smem:$0x3FA8]  }
0x28: {  	s2 =	sld [smem:$0x3FA9]  }
0x29: {  	s4 =	sld [smem:$0x3FAB]  }
0x2a: {  	p0 =	seq.s32 s5, $0x0;
	s5 =	sld [smem:$0x3FAC]  }
0x2b: {  	s6 =	sld [smem:$0x3FAD]  }
0x2c: {  	s7 =	sld [smem:$0x3FAE]  }
0x2d: {  	s3 =	simm.s32 $0x108;
	s8 =	sld [smem:$0x3FAF]  }
0x2e: {  	s3 =	simm.s32 @!p0 $0x1082;
	s9 =	sld [smem:$0x3FB0]  }
0x2f: {  	lr =	sadd.s32 s0, s3;
	s0 =	sld [smem:$0x3FA7]  }
0x30: {  	s3 =	sld [smem:$0x3FAA]  }
0x31: {  	[smem:$0x3FB3] =	sst s10  }
0x32: {  	s10 =	sld [smem:$0x3FB1];
	_ =	sdelay $0x3  }
0x33: {  	p0 =	seq.s32 s10, $0x1;
	s10 =	sld [smem:$0x3FB3];
	_ =	sdelay $0x3  }
0x34: {  	[smem:$0x3FB3] =	sst s10  }
0x35: {  	s10 =	sld [smem:$0x3FB2];
	_ =	sdelay $0x3  }
0x36: {  	p1 =	seq.s32 s10, $0x1;
	s10 =	sld [smem:$0x3FB3];
	_ =	sdelay $0x3  }
0x37: {  	[smem:$0x3FB3] =	sst s10  }
0x38: {  	s10 =	sld [smem:$0x3FB4]  }
0x39: {  	_ = 	snop;
	(pc) =	sbr.ind lr, $3  }
0x3a: {  	_ = 	snop  }
0x3b: {  	_ = 	snop  }
0x3c: {  	p2 =	seq.s32 s10, $0x1;
	s10 =	sld [smem:$0x3FB3]  }
0x3d: {  	_ =	shalt  }
0x3e: {  	_ =	shalt  }
0x3f: {  	_ =	shalt  }
0x40: {  	_ =	shalt  }
0x41: {  	_ =	shalt  }
0x42: {  	_ =	shalt  }
0x43: {  	_ =	shalt  }
0x44: {  	_ =	shalt  }
0x45: {  	_ =	shalt  }
0x46: {  	_ =	shalt  }
0x47: {  	_ =	shalt  }
0x48: {  	_ =	shalt  }
0x49: {  	_ =	shalt  }
0x4a: {  	_ =	shalt  }
0x4b: {  	_ =	shalt  }
0x4c: {  	_ =	shalt  }
0x4d: {  	_ =	shalt  }
0x4e: {  	_ =	shalt  }
0x4f: {  	_ =	shalt  }
0x50: {  	_ =	shalt  }
0x51: {  	_ =	shalt  }
0x52: {  	_ =	shalt  }
0x53: {  	_ =	shalt  }
0x54: {  	_ =	shalt  }
0x55: {  	_ =	shalt  }
0x56: {  	_ =	shalt  }
0x57: {  	_ =	shalt  }
0x58: {  	_ =	shalt  }
0x59: {  	_ =	shalt  }
0x5a: {  	_ =	shalt  }
0x5b: {  	_ =	shalt  }
0x5c: {  	_ =	shalt  }
0x5d: {  	_ =	shalt  }
0x5e: {  	_ =	shalt  }
0x5f: {  	_ =	shalt  }
0x60: {  	_ =	shalt  }
0x61: {  	_ =	shalt  }
0x62: {  	_ =	shalt  }
0x63: {  	_ =	shalt  }
0x64: {  	_ =	shalt  }
0x65: {  	_ =	shalt  }
0x66: {  	_ =	shalt  }
0x67: {  	_ =	shalt  }
0x68: {  	_ =	shalt  }
0x69: {  	_ =	shalt  }
0x6a: {  	_ =	shalt  }
0x6b: {  	_ =	shalt  }
0x6c: {  	_ =	shalt  }
0x6d: {  	_ =	shalt  }
0x6e: {  	_ =	shalt  }
0x6f: {  	_ =	shalt  }
0x70: {  	_ =	shalt  }
0x71: {  	_ =	shalt  }
0x72: {  	_ =	shalt  }
0x73: {  	_ =	shalt  }
0x74: {  	_ =	shalt  }
0x75: {  	_ =	shalt  }
0x76: {  	_ =	shalt  }
0x77: {  	_ =	shalt  }
0x78: {  	_ =	shalt  }
0x79: {  	_ =	shalt  }
0x7a: {  	_ =	shalt  }
0x7b: {  	_ =	shalt  }
0x7c: {  	_ =	shalt  }
0x7d: {  	_ =	shalt  }
0x7e: {  	_ =	shalt  }
0x7f: {  	_ =	shalt  }
0x80: {  	_ =	shalt  }
0x81: {  	_ =	shalt  }
0x82: {  	_ =	shalt  }
0x83: {  	_ =	shalt  }
0x84: {  	_ =	shalt  }
0x85: {  	_ =	shalt  }
0x86: {  	_ =	shalt  }
0x87: {  	_ =	shalt  }
.Lfunc_end0:
.L_simem_size_0:
called_computation.4_lowered:
.L_overlay_start_0:
0x88: {  	s2 =	sld [smem:$0x3FD9]  }
0x89: {  	s3 =	sld [smem:$0x3FFE];
	_ =	sdelay $0x1  }
0x8a: {  	s1 =	srdreg.scid  }
0x8b: {  	s0 =	sand.u32 $0x1, s1  }
0x8c: {  	s17 =	sshll.u32 s0, $0xA;
	s2 =	sadd.s32 s3, s2  }
0x8d: {  	s2 =	sadd.s32 s2, s17  }
0x8e: {  	[smem:$0x3FBF] =	sst s2  }
0x8f: {  	_ = 	snop  }
0x90: {  	s2 =	sld [smem:$0x3FD0];
	(tm) =	ssettm $0x1  }
0x91: {  	s18 =	sld [smem:$0x3FFB];
	_ =	sdelay $0x3  }
0x92: {  	_ =	strace s18  }
0x93: {  	s3 =	sld [smem:$0x3FFC];
	_ =	sdelay $0x3  }
0x94: {  	_ =	strace s3  }
0x95: {  	s3 =	sld [smem:$0x3FFD];
	_ =	sdelay $0x3  }
0x96: {  	_ =	strace s3  }
0x97: {  	_ =	strace $0x8FFFFFFF  }
0x98: {  	s19 =	sld [smem:$0x3FDB];
	_ =	sdelay $0x1  }
0x99: {  	s4 =	simm.s32 $_scs_section_size  }
0x9a: {  	s5 =	simm.s32 $_size__tile_overlayer_lowered;
	s6 =	simm.s32 $_tile_overlayer_lowered  }
0x9b: {  	s22 =	simm.s32 $0x1BFF;
	s21 =	sshll.u32 s6, $0x1;
	s3 =	sadd.s32 s4, s19  }
0x9c: {  	s7 =	simm.s32 $0x0;
	s20 =	sshll.u32 s5, $0x1;
	s5 =	sadd.s32 s21, s3  }
0x9d: {  	[timem:s7], [sflag:s22] =	dma.local [hbm:s5], s20  }
0x9e: {  	_ =	swait.ge [sflag:s22], s20  }
0x9f: {  	s4 =	ssub.s32 $0x0, s20;
	[sflag:s22] =	ssyncset.done $0x0  }
0xa0: {  	[sflag:s22] =	ssyncadd.s32 s4;
	_ =	sdelay $0x1  }
0xa1: {  	s23 =	simm.s32 $0x1B8B  }
0xa2: {  	_ =	swait.ge [sflag:s23], $0x1  }
0xa3: {  	[sflag:s23] =	ssyncset.done $0x0  }
0xa4: {  	s25 =	simm.s32 $0x1B8E;
	s24 =	sld [smem:$0x3FFE];
	[sflag:s23] =	ssyncadd.s32 $0xFFFFFFFF  }
0xa5: {  	s26 =	simm.s32 $execute0_lowered;
	[smem:$0x3FD2] =	sst s25  }
0xa6: {  	s5 =	sshll.u32 s26, $0x1;
	_ =	strace $0x80000052;
	[dreg:$0x1] =	wrdreg $0xFFFFFFFF  }
0xa7: {  	s28 =	simm.s32 $_size_execute0_lowered;
	s3 =	sadd.s32 s3, s5;
	[dreg:$0x0] =	wrdreg $0x0  }
0xa8: {  	s5 =	sshll.u32 s28, $0x1;
	[dreg:$0x2] =	wrdreg s3  }
0xa9: {  	[dreg:$0x3] =	wrdreg s5  }
0xaa: {  	[dreg:$0x4] =	wrdreg $0xC0  }
0xab: {  	_ =	task [dreg:s7], $0x5FFFF  }
0xac: {  	[dreg:$0x1] =	wrdreg $0xFFFFFFFF  }
0xad: {  	[dreg:$0x0] =	wrdreg $0x60  }
0xae: {  	[dreg:$0x2] =	wrdreg s24  }
0xaf: {  	[dreg:$0x3] =	wrdreg s2  }
0xb0: {  	[dreg:$0x4] =	wrdreg $0x9  }
0xb1: {  	_ =	task.clear_ibuf [dreg:s7], $0x5FFFF;
	_ =	strace $0x90000052  }
0xb2: {  	s29 =	simm.s32 $0x9;
	_ =	strace $0x80000054  }
0xb3: {  	_ =	swait.ge [sflag:s29], $0x1  }
0xb4: {  	[sflag:s29] =	ssyncadd.s32 $0xFFFFFFFF  }
0xb5: {  	_ =	strace $0x90000054  }
0xb6: {  	_ =	sfence  }
0xb7: {  	s30 =	sld [smem:$0x0];
	_ =	sdelay $0x2  }
0xb8: {  	s31 =	sshll.u32 s1, $0xD;
	s1 =	sshrl.u32 s1, $0x2  }
0xb9: {  	s3 =	sand.u32 $0x4000, s31;
	s1 =	sadd.s32 s1, s30  }
0xba: {  	s0 =	sor.u32 s3, s0;
	s1 =	sshll.u32 s1, $0x11  }
0xbb: {  	s0 =	sor.u32 s1, s0  }
0xbc: {  	s0 =	sadd.s32 $0x8F2B, s0  }
0xbd: {  	[sflag:s0] =	ssyncadd.remote.s32 $0x1  }
0xbe: {  	_ =	sfence.sel $0xFFFF  }
0xbf: {  	[dreg:$0x0] =	wrdreg $0xFFFFFFFF;
	(pc) =	sbr.abs _section_cstart, $3  }
0xc0: {  	[dreg:$0x1] =	wrdreg $0xFFFFFFFF  }
0xc1: {  	_ =	task.clear_ibuf [dreg:s7], $0x2FFFF;
	_ =	strace $0x9FFFFFFF  }
0xc2: {  	(tm) =	ssettm $0x7FFFFFFF  }
0xc3: {  	_ =	shalt  }
tec
execute0_lowered:
.L_overlay_start_1:
0x0: {  	(tag) =	ssettag $0x1  }
0x1: {  	s6 =	rddreg [dreg:$0x0]  }
0x2: {  	s2 =	rddreg [dreg:$0x1]  }
0x3: {  	s0 =	rddreg [dreg:$0x2]  }
0x4: {  	s4 =	srdreg.scid;
	s1 =	stileid.u32;
	s3 =	simm.s32 $0x0  }
0x5: {  	s11 =	simm.s32 $0x400;
	s12 =	simm.s32 $0x3;
	s13 =	simm.s32 $0x9E00  }
0x6: {  	s14 =	simm.s32 $0x13C00;
	s15 =	simm.s32 $0x14C00;
	s16 =	simm.s32 $0x15C00  }
0x7: {  	s17 =	simm.s32 $0x1;
	s18 =	simm.s32 $0x16C00;
	s19 =	simm.s32 $0x17C00  }
0x8: {  	s20 =	simm.s32 $0x18C00;
	s5 =	sand.u32 $0x1, s4;
	s30 =	smul.u32 $0x13C00, s1  }
0x9: {  	s21 =	simm.s32 $0x2;
	s22 =	simm.s32 $0x0;
	s7 =	sshll.u32 s5, $0x9  }
0xa: {  	[smem:$0x7FF] =	sst s3;
	s4 =	sadd.s32 $0x3600, s6;
	s7 =	sor.u32 s7, s30  }
0xb: {  	_ =	strace $0x80000053;
	s8 =	ssub.s32 $0x2, s5;
	s7 =	sshrl.u32 s7, $0x3  }
0xc: {  	s5 =	sadd.s32 $0xD400, s6;
	s31 =	sshrl.u32 s8, $0x1;
	s9 =	sadd.s32 s7, s6  }
0xd: {  	s10 =	ssub.s32 s8, s31;
	s6 =	sadd.s32 $0x17200, s9;
	s7 =	sadd.s32 $0x3EA00, s9  }
0xe: {  	s8 =	sadd.s32 $0x66200, s9;
	s9 =	smax.u32 s10, $0x1;
	s10 =	simm.s32 $0x200  }
.LBB2_1:
0xf: {  	[tilespmem:s3], [sflag:$0x3] =	stream.strided.gather [hbm4b:s6+s10], $0x9E00, s11, s10, $0x38;
	[tilespmem:$0x19C00] =	vst v63  }
0x10: {  	_ =	swait.ge [sflag:s12], $0x9E00  }
0x11: {  	[sflag:s12] =	ssyncset.done $0x0  }
0x12: {  	[sflag:s12] =	ssyncadd.s32 $0xFFFF6200  }
0x13: {  	[tilespmem:s13], [sflag:$0x3] =	stream.strided.gather [hbm4b:s7+s10], $0x9E00, s11, s10, $0x38;
	[tilespmem:$0x19C00] =	vst v63  }
0x14: {  	_ =	swait.ge [sflag:s12], $0x9E00  }
0x15: {  	[sflag:s12] =	ssyncset.done $0x0  }
0x16: {  	[sflag:s12] =	ssyncadd.s32 $0xFFFF6200  }
0x17: {  	[tilespmem:s14], [sflag:$0x1] =	stream.linear.gather [hbm4b:s4+s3], $0xFA0, $0x38;
	[tilespmem:$0x19C00] =	vst v63  }
0x18: {  	_ = 	snop  }
0x19: {  	[tilespmem:s15], [sflag:$0x1] =	stream.linear.gather [hbm4b:s5+s3], $0xFA0, $0x38;
	[tilespmem:$0x19C00] =	vst v63  }
0x1a: {  	s23 =	simm.s32 $0x0  }
0x1b: {  	[tilespmem:s16], [sflag:$0x1] =	stream.linear.gather [hbm4b:s2+s3], $0xFA0, $0x38;
	[tilespmem:$0x19C00] =	vst v63  }
.LBB2_2:
0x1c: {  	_ =	swait.ge [sflag:s17], $0xFA0  }
0x1d: {  	[sflag:s17] =	ssyncset.done $0x0  }
0x1e: {  	[sflag:s17] =	ssyncadd.s32 $0xFFFFF060  }
0x1f: {  	_ =	swait.ge [sflag:s17], $0xFA0  }
0x20: {  	[sflag:s17] =	ssyncset.done $0x0  }
0x21: {  	s24 =	smul.u32 $0x3E8, s23;
	[sflag:s17] =	ssyncadd.s32 $0xFFFFF060  }
0x22: {  	_ =	swait.ge [sflag:s17], $0xFA0  }
0x23: {  	s25 =	sadd.s32 $0x1F4, s24;
	[sflag:s17] =	ssyncset.done $0x0  }
0x24: {  	s24 =	simm.s32 $0x0;
	s26 =	sadd.s32 s4, s25;
	[sflag:s17] =	ssyncadd.s32 $0xFFFFF060  }
0x25: {  	[tilespmem:s18], [sflag:$0x2] =	stream.linear.gather [hbm4b:s26+s24], $0xFA0, $0x38;
	[tilespmem:$0x19C00] =	vst v63  }
0x26: {  	s31 =	sadd.s32 s5, s25  }
0x27: {  	[tilespmem:s19], [sflag:$0x2] =	stream.linear.gather [hbm4b:s31+s24], $0xFA0, $0x38;
	[tilespmem:$0x19C00] =	vst v63  }
0x28: {  	s25 =	sadd.s32 s2, s25  }
0x29: {  	[tilespmem:s20], [sflag:$0x2] =	stream.linear.gather [hbm4b:s25+s24], $0xFA0, $0x38;
	[tilespmem:$0x19C00] =	vst v63  }
.LBB2_3:
0x2a: {  	s25 =	sshra.s32 s24, $0x2  }
0x2b: {  	v0 =	vld [tilespmem:s25+$0x13C00];
	_ =	sdelay $0x4  }
0x2c: {  	v1 =	vshll.u32 v0, $0x2  }
0x2d: {  	v0 =	vand.u32 $0x7F, v0;
	v1 =	vand.u32 $0xFFFFFE00, v1  }
0x2e: {  	v2 =	vld [tilespmem:s25+$0x14C00];
	v0 =	vor.u32 v0, v1;
	_ =	sdelay $0x3  }
0x2f: {  	v53 =	vld [tilespmem:s25+$0x15C00]  }
0x30: {  	v4 =	vshll.u32 v2, $0x2;
	v3 =	vld.idx.msk [tilespmem:v0+s3+$0x0], $0xffff  }
0x31: {  	v2 =	vand.u32 $0x7F, v2;
	v4 =	vand.u32 $0xFFFFFE00, v4  }
0x32: {  	v2 =	vor.u32 v2, v4  }
0x33: {  	v54 =	vor.u32 $0x80, v0;
	_ =	sdelay $0x1  }
0x34: {  	v3 =	vmul.f32 v3, v53;
	_ =	sdelay $0x1  }
0x35: {  	[tilespmem:v2+s13+$0x0] =	vst.idx.add.f32.msk $0xffff, v3  }
0x36: {  	v3 =	vld.idx.msk [tilespmem:v54+s3+$0x0], $0xffff;
	_ =	sdelay $0x1  }
0x37: {  	v55 =	vor.u32 $0x80, v2  }
0x38: {  	v5 =	vor.u32 $0x100, v0;
	_ =	sdelay $0x1  }
0x39: {  	v3 =	vmul.f32 v3, v53;
	_ =	sdelay $0x1  }
0x3a: {  	[tilespmem:v55+s13+$0x0] =	vst.idx.add.f32.msk $0xffff, v3  }
0x3b: {  	v3 =	vld.idx.msk [tilespmem:v5+s3+$0x0], $0xffff;
	_ =	sdelay $0x1  }
0x3c: {  	v56 =	vor.u32 $0x100, v2  }
0x3d: {  	v0 =	vor.u32 $0x180, v0;
	_ =	sdelay $0x1  }
0x3e: {  	v3 =	vmul.f32 v3, v53;
	_ =	sdelay $0x1  }
0x3f: {  	[tilespmem:v56+s13+$0x0] =	vst.idx.add.f32.msk $0xffff, v3  }
0x40: {  	v0 =	vld.idx.msk [tilespmem:v0+s3+$0x0], $0xffff;
	_ =	sdelay $0x1  }
0x41: {  	v2 =	vor.u32 $0x180, v2;
	_ =	sdelay $0x2  }
0x42: {  	v0 =	vmul.f32 v0, v53;
	_ =	sdelay $0x1  }
0x43: {  	[tilespmem:v2+s13+$0x0] =	vst.idx.add.f32.msk $0xffff, v0  }
0x44: {  	v0 =	vld [tilespmem:s25+$0x13C10];
	_ =	sdelay $0x4  }
0x45: {  	v57 =	vshll.u32 v0, $0x2  }
0x46: {  	v0 =	vand.u32 $0x7F, v0;
	v1 =	vand.u32 $0xFFFFFE00, v57  }
0x47: {  	v2 =	vld [tilespmem:s25+$0x14C10];
	v0 =	vor.u32 v0, v1;
	_ =	sdelay $0x3  }
0x48: {  	v58 =	vld [tilespmem:s25+$0x15C10]  }
0x49: {  	v59 =	vshll.u32 v2, $0x2;
	v3 =	vld.idx.msk [tilespmem:v0+s3+$0x0], $0xffff  }
0x4a: {  	v2 =	vand.u32 $0x7F, v2;
	v4 =	vand.u32 $0xFFFFFE00, v59  }
0x4b: {  	v2 =	vor.u32 v2, v4  }
0x4c: {  	v60 =	vor.u32 $0x80, v0;
	_ =	sdelay $0x1  }
0x4d: {  	v3 =	vmul.f32 v3, v58;
	_ =	sdelay $0x1  }
0x4e: {  	[tilespmem:v2+s13+$0x0] =	vst.idx.add.f32.msk $0xffff, v3  }
0x4f: {  	v3 =	vld.idx.msk [tilespmem:v60+s3+$0x0], $0xffff;
	_ =	sdelay $0x1  }
0x50: {  	v61 =	vor.u32 $0x80, v2  }
0x51: {  	v62 =	vor.u32 $0x100, v0;
	_ =	sdelay $0x1  }
0x52: {  	v3 =	vmul.f32 v3, v58;
	_ =	sdelay $0x1  }
0x53: {  	[tilespmem:v61+s13+$0x0] =	vst.idx.add.f32.msk $0xffff, v3  }
0x54: {  	v3 =	vld.idx.msk [tilespmem:v62+s3+$0x0], $0xffff;
	_ =	sdelay $0x1  }
0x55: {  	v63 =	vor.u32 $0x100, v2  }
0x56: {  	v0 =	vor.u32 $0x180, v0;
	_ =	sdelay $0x1  }
0x57: {  	v3 =	vmul.f32 v3, v58;
	_ =	sdelay $0x1  }
0x58: {  	[tilespmem:v63+s13+$0x0] =	vst.idx.add.f32.msk $0xffff, v3  }
0x59: {  	v0 =	vld.idx.msk [tilespmem:v0+s3+$0x0], $0xffff;
	_ =	sdelay $0x1  }
0x5a: {  	p0 =	sne.s32 s24, $0x3E00;
	v2 =	vor.u32 $0x180, v2  }
.Ltmp0:
0x5b: {  	_ = 	snop;
	(pc) =	sbr.rel @p0 .LBB2_3-.Ltmp0, $3  }
0x5c: {  	_ = 	snop  }
0x5d: {  	v0 =	vmul.f32 v0, v58;
	_ =	sdelay $0x1  }
0x5e: {  	s24 =	sadd.s32 $0x80, s24;
	[tilespmem:v2+s13+$0x0] =	vst.idx.add.f32.msk $0xffff, v0  }
0x5f: {  	_ =	swait.ge [sflag:s21], $0xFA0  }
0x60: {  	[sflag:s21] =	ssyncset.done $0x0  }
0x61: {  	s24 =	sshll.u32 s23, $0x1;
	[sflag:s21] =	ssyncadd.s32 $0xFFFFF060  }
0x62: {  	s24 =	smin.u32 s24, $0x4D;
	_ =	swait.ge [sflag:s21], $0xFA0  }
0x63: {  	s24 =	smul.u32 $0xFA0, s24;
	[sflag:s21] =	ssyncset.done $0x0  }
0x64: {  	[sflag:s21] =	ssyncadd.s32 $0xFFFFF060  }
0x65: {  	s24 =	sshrl.u32 s24, $0x3;
	_ =	swait.ge [sflag:s21], $0xFA0  }
0x66: {  	s25 =	sadd.s32 $0x3E8, s24;
	[sflag:s21] =	ssyncset.done $0x0  }
0x67: {  	s24 =	simm.s32 $0x0;
	s26 =	sadd.s32 s4, s25;
	[sflag:s21] =	ssyncadd.s32 $0xFFFFF060  }
0x68: {  	[tilespmem:s14], [sflag:$0x1] =	stream.linear.gather [hbm4b:s26+s24], $0xFA0, $0x38;
	[tilespmem:$0x19C00] =	vst v63  }
0x69: {  	s31 =	sadd.s32 s5, s25  }
0x6a: {  	[tilespmem:s15], [sflag:$0x1] =	stream.linear.gather [hbm4b:s31+s24], $0xFA0, $0x38;
	[tilespmem:$0x19C00] =	vst v63  }
0x6b: {  	s25 =	sadd.s32 s2, s25  }
0x6c: {  	[tilespmem:s16], [sflag:$0x1] =	stream.linear.gather [hbm4b:s25+s24], $0xFA0, $0x38;
	[tilespmem:$0x19C00] =	vst v63  }
.LBB2_5:
0x6d: {  	s25 =	sshra.s32 s24, $0x2  }
0x6e: {  	v0 =	vld [tilespmem:s25+$0x16C00];
	_ =	sdelay $0x4  }
0x6f: {  	v1 =	vshll.u32 v0, $0x2  }
0x70: {  	v0 =	vand.u32 $0x7F, v0;
	v1 =	vand.u32 $0xFFFFFE00, v1  }
0x71: {  	v2 =	vld [tilespmem:s25+$0x17C00];
	v0 =	vor.u32 v0, v1;
	_ =	sdelay $0x3  }
0x72: {  	v53 =	vld [tilespmem:s25+$0x18C00]  }
0x73: {  	v4 =	vshll.u32 v2, $0x2;
	v3 =	vld.idx.msk [tilespmem:v0+s3+$0x0], $0xffff  }
0x74: {  	v2 =	vand.u32 $0x7F, v2;
	v4 =	vand.u32 $0xFFFFFE00, v4  }
0x75: {  	v2 =	vor.u32 v2, v4  }
0x76: {  	v54 =	vor.u32 $0x80, v0;
	_ =	sdelay $0x1  }
0x77: {  	v3 =	vmul.f32 v3, v53;
	_ =	sdelay $0x1  }
0x78: {  	[tilespmem:v2+s13+$0x0] =	vst.idx.add.f32.msk $0xffff, v3  }
0x79: {  	v3 =	vld.idx.msk [tilespmem:v54+s3+$0x0], $0xffff;
	_ =	sdelay $0x1  }
0x7a: {  	v55 =	vor.u32 $0x80, v2  }
0x7b: {  	v5 =	vor.u32 $0x100, v0;
	_ =	sdelay $0x1  }
0x7c: {  	v3 =	vmul.f32 v3, v53;
	_ =	sdelay $0x1  }
0x7d: {  	[tilespmem:v55+s13+$0x0] =	vst.idx.add.f32.msk $0xffff, v3  }
0x7e: {  	v3 =	vld.idx.msk [tilespmem:v5+s3+$0x0], $0xffff;
	_ =	sdelay $0x1  }
0x7f: {  	v56 =	vor.u32 $0x100, v2  }
0x80: {  	v0 =	vor.u32 $0x180, v0;
	_ =	sdelay $0x1  }
0x81: {  	v3 =	vmul.f32 v3, v53;
	_ =	sdelay $0x1  }
0x82: {  	[tilespmem:v56+s13+$0x0] =	vst.idx.add.f32.msk $0xffff, v3  }
0x83: {  	v0 =	vld.idx.msk [tilespmem:v0+s3+$0x0], $0xffff;
	_ =	sdelay $0x1  }
0x84: {  	v2 =	vor.u32 $0x180, v2;
	_ =	sdelay $0x2  }
0x85: {  	v0 =	vmul.f32 v0, v53;
	_ =	sdelay $0x1  }
0x86: {  	[tilespmem:v2+s13+$0x0] =	vst.idx.add.f32.msk $0xffff, v0  }
0x87: {  	v0 =	vld [tilespmem:s25+$0x16C10];
	_ =	sdelay $0x4  }
0x88: {  	v57 =	vshll.u32 v0, $0x2  }
0x89: {  	v0 =	vand.u32 $0x7F, v0;
	v1 =	vand.u32 $0xFFFFFE00, v57  }
0x8a: {  	v2 =	vld [tilespmem:s25+$0x17C10];
	v0 =	vor.u32 v0, v1;
	_ =	sdelay $0x3  }
0x8b: {  	v58 =	vld [tilespmem:s25+$0x18C10]  }
0x8c: {  	v59 =	vshll.u32 v2, $0x2;
	v3 =	vld.idx.msk [tilespmem:v0+s3+$0x0], $0xffff  }
0x8d: {  	v2 =	vand.u32 $0x7F, v2;
	v4 =	vand.u32 $0xFFFFFE00, v59  }
0x8e: {  	v2 =	vor.u32 v2, v4  }
0x8f: {  	v60 =	vor.u32 $0x80, v0;
	_ =	sdelay $0x1  }
0x90: {  	v3 =	vmul.f32 v3, v58;
	_ =	sdelay $0x1  }
0x91: {  	[tilespmem:v2+s13+$0x0] =	vst.idx.add.f32.msk $0xffff, v3  }
0x92: {  	v3 =	vld.idx.msk [tilespmem:v60+s3+$0x0], $0xffff;
	_ =	sdelay $0x1  }
0x93: {  	v61 =	vor.u32 $0x80, v2  }
0x94: {  	v62 =	vor.u32 $0x100, v0;
	_ =	sdelay $0x1  }
0x95: {  	v3 =	vmul.f32 v3, v58;
	_ =	sdelay $0x1  }
0x96: {  	[tilespmem:v61+s13+$0x0] =	vst.idx.add.f32.msk $0xffff, v3  }
0x97: {  	v3 =	vld.idx.msk [tilespmem:v62+s3+$0x0], $0xffff;
	_ =	sdelay $0x1  }
0x98: {  	v63 =	vor.u32 $0x100, v2  }
0x99: {  	v0 =	vor.u32 $0x180, v0;
	_ =	sdelay $0x1  }
0x9a: {  	v3 =	vmul.f32 v3, v58;
	_ =	sdelay $0x1  }
0x9b: {  	[tilespmem:v63+s13+$0x0] =	vst.idx.add.f32.msk $0xffff, v3  }
0x9c: {  	v0 =	vld.idx.msk [tilespmem:v0+s3+$0x0], $0xffff;
	_ =	sdelay $0x1  }
0x9d: {  	p0 =	sne.s32 s24, $0x3E00;
	v2 =	vor.u32 $0x180, v2  }
.Ltmp1:
0x9e: {  	_ = 	snop;
	(pc) =	sbr.rel @p0 .LBB2_5-.Ltmp1, $3  }
0x9f: {  	_ = 	snop  }
0xa0: {  	v0 =	vmul.f32 v0, v58;
	_ =	sdelay $0x1  }
0xa1: {  	s24 =	sadd.s32 $0x80, s24;
	[tilespmem:v2+s13+$0x0] =	vst.idx.add.f32.msk $0xffff, v0  }
0xa2: {  	s23 =	sadd.s32 $0x1, s23  }
0xa3: {  	p0 =	sne.s32 s23, $0x28  }
.Ltmp2:
0xa4: {  	_ = 	snop;
	(pc) =	sbr.rel @p0 .LBB2_2-.Ltmp2, $1  }
0xa5: {  	_ =	sdelay $0x3  }
0xa6: {  	_ =	swait.ge [sflag:s17], $0xFA0  }
0xa7: {  	[sflag:s17] =	ssyncset.done $0x0  }
0xa8: {  	[sflag:s17] =	ssyncadd.s32 $0xFFFFF060  }
0xa9: {  	_ =	swait.ge [sflag:s17], $0xFA0  }
0xaa: {  	[sflag:s17] =	ssyncset.done $0x0  }
0xab: {  	[sflag:s17] =	ssyncadd.s32 $0xFFFFF060  }
0xac: {  	s22 =	sadd.s32 $0x1, s22;
	_ =	swait.ge [sflag:s17], $0xFA0  }
0xad: {  	p0 =	sne.s32 s22, s9;
	[sflag:s17] =	ssyncset.done $0x0  }
.Ltmp3:
0xae: {  	[sflag:s17] =	ssyncadd.s32 $0xFFFFF060;
	(pc) =	sbr.rel @p0 .LBB2_1-.Ltmp3, $4  }
0xaf: {  	[hbm4b:s8+s10] =	stream.strided.scatter [tilespmem:s13], [sflag:$0x3], $0x9E00, s11, s10, $0x38;
	[tilespmem:$0x19C00] =	vst v63  }
0xb0: {  	_ =	swait.ge [sflag:s12], $0x9E00  }
0xb1: {  	[sflag:s12] =	ssyncset.done $0x0  }
0xb2: {  	[sflag:s12] =	ssyncadd.s32 $0xFFFF6200  }
0xb3: {  	_ =	sfence.sel $0x180000  }
0xb4: {  	[bflag:$0x0] =	sbarrier.arrive $0xFFFF  }
0xb5: {  	p0 =	sne.s32 s1, $0x0;
	_ =	strace $0x90000053  }
0xb6: {  	s0 =	sadd.s32 @!p0 $0x100000, s0;
	[bflag:$0x2] =	sbarrier.arrive $0xFFFF  }
0xb7: {  	[sflag:s0] =	ssyncadd.tile.s32 @!p0 $0x1;
	_ =	shalt  }
.Lfunc_end2:
_tile_overlayer_lowered:
.L_overlay_start_2:
0xb8: {  	(tag) =	ssettag $0x2  }
0xb9: {  	s0 =	rddreg [dreg:$0x0];
	s2 =	stileid.u32  }
0xba: {  	s1 =	rddreg [dreg:$0x1];
	p0 =	sne.s32 s2, $0x0  }
0xbb: {  	s3 =	rddreg [dreg:$0x2];
	[bflag:$0x3] =	sbarrier.arrive $0xFFFF;
	s2 =	simm.s32 @!p0 $0x1C03  }
0xbc: {  	[timem:s3], [sflag:s2] =	dma.local @!p0 [hbm:s0], s1  }
0xbd: {  	s0 =	simm.s32 @!p0 $0x3  }
0xbe: {  	_ =	swait.ge @!p0 [sflag:s0], s1  }
0xbf: {  	s1 =	ssub.s32 @!p0 $0x0, s1;
	[sflag:s0] =	ssyncset.done @!p0 $0x0  }
0xc0: {  	[sflag:s0] =	ssyncadd.s32 @!p0 s1  }
0xc1: {  	[bflag:$0x3] =	sbarrier.arrive $0xFFFF  }
0xc2: {  	_ =	shalt  }

</sc_bundles>
